<compile_context>
chip_gen: v7x
topology: tpu7x:2x2x1
jax: 0.10.2.dev20260603
libtpu: 0.0.44.dev20260713+nightly
codegen_flags: <defaults>
</compile_context>

<pallas_src>
import functools

import jax
import jax.numpy as jnp
from jax import lax
from jax.experimental import pallas as pl
from jax.experimental.pallas import tpu as pltpu
from jax.experimental.pallas import tpu_sc as plsc

B = 128
S = 80
VOCAB = 10000
EMB = 100
EMB_PAD = 128
UNITS = 64
NTOK = B * S

NC = 2
NS = 16
NW = NC * NS
ROWS_PER_W = NTOK // NW


@functools.lru_cache(maxsize=1)
def _make_sc_gather():
    mesh = plsc.VectorSubcoreMesh(core_axis_name="c", subcore_axis_name="s")

    @functools.partial(
        pl.kernel,
        mesh=mesh,
        out_type=jax.ShapeDtypeStruct((NTOK, EMB_PAD), jnp.float32),
        scratch_types=[
            pltpu.VMEM((ROWS_PER_W,), jnp.int32),
            pltpu.VMEM((ROWS_PER_W, EMB_PAD), jnp.float32),
            pltpu.SemaphoreType.DMA,
        ],
    )
    def _sc_gather(table_hbm, idx_hbm, out_hbm, idx_v, rows_v, sem):
        wid = lax.axis_index("s") * NC + lax.axis_index("c")
        base = wid * ROWS_PER_W
        pltpu.sync_copy(idx_hbm.at[pl.ds(base, ROWS_PER_W)], idx_v)
        pltpu.async_copy(table_hbm.at[idx_v], rows_v, sem).wait()
        pltpu.sync_copy(rows_v, out_hbm.at[pl.ds(base, ROWS_PER_W)])

    return _sc_gather


def _rnn_body(xs_ref, w_ref, bias_ref, wd1_ref, bd1_ref, wd2_ref,
              bd2_ref, out_ref):
    H2 = 2 * UNITS

    def gates(Z):
        T = jnp.tanh(Z)
        U = 0.5 * T + 0.5
        return U[:, 0:H2], U[:, H2:2 * H2], T[:, 2 * H2:3 * H2], \
            U[:, 3 * H2:4 * H2]

    colmask = lax.broadcasted_iota(jnp.int32, (B, H2), 1) >= UNITS
    Z0 = jnp.dot(xs_ref[pl.ds(0, B), :], w_ref[pl.ds(H2, EMB_PAD), :],
                 preferred_element_type=jnp.float32) + bias_ref[...]
    i, f, g, o = gates(Z0)
    C = jnp.where(colmask, 0.0, i * g)
    H = jnp.where(colmask, 0.0, o * jnp.tanh(C))

    HB = B // 2
    Ha, Ca, Hb, Cb = H[0:HB], C[0:HB], H[HB:B], C[HB:B]
    Zb = jnp.dot(jnp.concatenate([Hb, xs_ref[pl.ds(B + HB, HB), :]], axis=1),
                 w_ref[...], preferred_element_type=jnp.float32) + bias_ref[...]

    def step(r, carry):
        Ha, Ca, Hb, Cb, Zb = carry
        ib, fb, gb, ob = gates(Zb)
        Cb = fb * Cb + ib * gb
        Hb = ob * jnp.tanh(Cb)
        tx = jnp.minimum(r, S - 1) * B
        Aa = jnp.concatenate([Ha, xs_ref[pl.ds(tx, HB), :]], axis=1)
        Za = jnp.dot(Aa, w_ref[...],
                     preferred_element_type=jnp.float32) + bias_ref[...]
        ia, fa, ga, oa = gates(Za)
        Ca = fa * Ca + ia * ga
        Ha = oa * jnp.tanh(Ca)
        tx2 = jnp.minimum(r + 1, S - 1) * B
        Ab = jnp.concatenate([Hb, xs_ref[pl.ds(tx2 + HB, HB), :]], axis=1)
        Zb = jnp.dot(Ab, w_ref[...],
                     preferred_element_type=jnp.float32) + bias_ref[...]
        return Ha, Ca, Hb, Cb, Zb

    Ha, Ca, Hb, Cb, Zb = lax.fori_loop(1, S + 1, step, (Ha, Ca, Hb, Cb, Zb),
                                       unroll=40)
    H = jnp.concatenate([Ha, Hb], axis=0)
    h1 = H[:, UNITS:H2]

    hidden = jnp.maximum(
        jnp.dot(h1, wd1_ref[...], preferred_element_type=jnp.float32)
        + bd1_ref[...], 0.0)
    logits = jnp.dot(hidden, wd2_ref[...],
                     preferred_element_type=jnp.float32) + bd2_ref[...]
    out_ref[...] = jax.nn.sigmoid(logits)


def _build_weights(Wk0, Wr0, b0, Wk1, Wr1, b1):
    wk0_pad = jnp.concatenate(
        [Wk0, jnp.zeros((EMB_PAD - EMB, 4 * UNITS), Wk0.dtype)], axis=0)
    z64 = jnp.zeros((UNITS, UNITS), jnp.float32)
    z128x = jnp.zeros((EMB_PAD, UNITS), jnp.float32)
    cols = []
    bias = []
    for gi, gate in enumerate("ifgo"):
        s = 1.0 if gate == "g" else 0.5
        sl = slice(gi * UNITS, (gi + 1) * UNITS)
        cols.append(s * jnp.concatenate(
            [Wr0[:, sl], z64, wk0_pad[:, sl]], axis=0))
        cols.append(jnp.concatenate(
            [s * Wk1[:, sl], s * Wr1[:, sl], z128x], axis=0))
        bias.append(s * b0[sl])
        bias.append(s * b1[sl])
    w_big = jnp.concatenate(cols, axis=1)
    bias_big = jnp.concatenate(bias).reshape(1, 8 * UNITS)
    return w_big, bias_big


def _rnn_call(xs, w_big, bias_big, Wd1, bd1, Wd2, bd2, interpret=False):
    return pl.pallas_call(
        _rnn_body,
        out_shape=jax.ShapeDtypeStruct((B, 1), jnp.float32),
        interpret=interpret,
    )(xs, w_big, bias_big, Wd1, bd1.reshape(1, UNITS), Wd2,
      bd2.reshape(1, 1))


def kernel(inputs, emb, Wk0, Wr0, b0, Wk1, Wr1, b1, Wd1, bd1, Wd2, bd2):
    emb_pad = jnp.concatenate(
        [emb, jnp.zeros((VOCAB, EMB_PAD - EMB), emb.dtype)], axis=1)
    idx = jnp.transpose(inputs).reshape(NTOK)
    xs = _make_sc_gather()(emb_pad, idx)
    w_big, bias_big = _build_weights(Wk0, Wr0, b0, Wk1, Wr1, b1)
    return _rnn_call(xs, w_big, bias_big, Wd1, bd1, Wd2, bd2)

# --- scband reference (transcript-rebuilt; emitter-appended) ---
"""Pipeline reference for scband-my-rnn-38663295599192 (READ-ONLY COPY).

The authoritative reference and input builder live on the scoring server;
editing this copy changes nothing except your own understanding.
"""

import jax, jax.numpy as jnp
import numpy as np

BATCH = 128
SEQ = 80
VOCAB = 10000
EMB = 100
UNITS = 64


def lstm_cell(x, h, c, Wk, Wr, b):
    z = x @ Wk + h @ Wr + b
    i, f, g, o = jnp.split(z, 4, axis=-1)
    i = jax.nn.sigmoid(i)
    f = jax.nn.sigmoid(f)
    g = jnp.tanh(g)
    o = jax.nn.sigmoid(o)
    c2 = f * c + i * g
    h2 = o * jnp.tanh(c2)
    return h2, c2


def setup_inputs(seed: int = 0) -> dict:
    key = jax.random.key(seed)
    ks = jax.random.split(key, 12)
    inputs = jax.random.randint(ks[0], (BATCH, SEQ), 0, VOCAB, dtype=jnp.int32)
    emb = jax.random.normal(ks[1], (VOCAB, EMB), dtype=jnp.float32) * 0.05
    Wk0 = jax.random.normal(ks[2], (EMB, 4 * UNITS), dtype=jnp.float32) * 0.05
    Wr0 = jax.random.normal(ks[3], (UNITS, 4 * UNITS), dtype=jnp.float32) * 0.05
    b0 = jnp.zeros((4 * UNITS,), dtype=jnp.float32)
    Wk1 = jax.random.normal(ks[4], (UNITS, 4 * UNITS), dtype=jnp.float32) * 0.05
    Wr1 = jax.random.normal(ks[5], (UNITS, 4 * UNITS), dtype=jnp.float32) * 0.05
    b1 = jnp.zeros((4 * UNITS,), dtype=jnp.float32)
    Wd1 = jax.random.normal(ks[6], (UNITS, UNITS), dtype=jnp.float32) * 0.05
    bd1 = jnp.zeros((UNITS,), dtype=jnp.float32)
    Wd2 = jax.random.normal(ks[7], (UNITS, 1), dtype=jnp.float32) * 0.05
    bd2 = jnp.zeros((1,), dtype=jnp.float32)
    return {"inputs": inputs, "emb": emb, "Wk0": Wk0, "Wr0": Wr0, "b0": b0,
            "Wk1": Wk1, "Wr1": Wr1, "b1": b1, "Wd1": Wd1, "bd1": bd1,
            "Wd2": Wd2, "bd2": bd2}


def reference(inputs, emb, Wk0, Wr0, b0, Wk1, Wr1, b1, Wd1, bd1, Wd2, bd2):
    x = jnp.take(emb, inputs, axis=0)  # [B, S, E]
    h0 = jnp.zeros((BATCH, UNITS), dtype=jnp.float32)
    c0 = jnp.zeros((BATCH, UNITS), dtype=jnp.float32)
    h1 = jnp.zeros((BATCH, UNITS), dtype=jnp.float32)
    c1 = jnp.zeros((BATCH, UNITS), dtype=jnp.float32)

    def step(carry, xt):
        h0, c0, h1, c1 = carry
        h0, c0 = lstm_cell(xt, h0, c0, Wk0, Wr0, b0)
        h1, c1 = lstm_cell(h0, h1, c1, Wk1, Wr1, b1)
        return (h0, c0, h1, c1), None

    xs = jnp.transpose(x, (1, 0, 2))  # [S, B, E]
    (h0, c0, h1, c1), _ = jax.lax.scan(step, (h0, c0, h1, c1), xs)
    hidden = jnp.maximum(h1 @ Wd1 + bd1, 0.0)
    logits = hidden @ Wd2 + bd2
    return jax.nn.sigmoid(logits)

if __name__ == "__main__":
    import jax
    _d = setup_inputs()
    print(jax.jit(kernel)(*tuple(_d.values())))

</pallas_src>

<mosaic_0001>
#map = affine_map<(d0, d1) -> (0, 0)>
#map1 = affine_map<(d0, d1) -> (0)>
module attributes {stable_mosaic.version = 14 : i64} {
  func.func @_sc_gather(%arg0: i32, %arg1: i32, %arg2: memref<10000x128xf32, #tpu.memory_space<hbm>>, %arg3: memref<10240xi32, #tpu.memory_space<hbm>>, %arg4: memref<10240x128xf32, #tpu.memory_space<hbm>>, %arg5: memref<320xi32, #tpu.memory_space<vmem>>, %arg6: memref<320x128xf32, #tpu.memory_space<vmem>>, %arg7: memref<!tpu.dma_semaphore, #tpu.memory_space<semaphore_mem>>) attributes {dimension_semantics = [#tpu.dimension_semantics<core_parallel>, #tpu.dimension_semantics<subcore_parallel>], iteration_bounds = array<i64: 2, 16>, scalar_prefetch = 0 : i64, scratch_operands = 3 : i64, tpu.core_type = #tpu.core_type<sc_vector_subcore>, window_params = [{transform_indices = #map}, {transform_indices = #map1}, {transform_indices = #map}]} {
    %mul3A = arith.constant 2 : i32
    %mul3A_0 = arith.muli %arg1, %mul3A : i32
    %add3A = arith.addi %mul3A_0, %arg0 : i32
    %mul3A_1 = arith.constant 320 : i32
    %mul3A_2 = arith.muli %add3A, %mul3A_1 : i32
    "tpu.region"() ({
      %run_scoped3A = tpu.sem_alloc : memref<!tpu.dma_semaphore, #tpu.memory_space<semaphore_mem>>
      %dma_start3A_7 = tpu.memref_slice %arg3[%mul3A_2] : memref<10240xi32, #tpu.memory_space<hbm>> -> memref<320xi32, #tpu.memory_space<hbm>>
      %dma_start3A_8 = tpu.memref_slice %arg3[%mul3A_2] : memref<10240xi32, #tpu.memory_space<hbm>> -> memref<320xi32, #tpu.memory_space<hbm>>
      tpu.enqueue_dma source(%dma_start3A_8 : memref<320xi32, #tpu.memory_space<hbm>>) target(%arg5 : memref<320xi32, #tpu.memory_space<vmem>>) target_semaphore(%run_scoped3A : memref<!tpu.dma_semaphore, #tpu.memory_space<semaphore_mem>>)
      %dma_wait3A_9 = tpu.memref_slice %arg3[%mul3A_2] : memref<10240xi32, #tpu.memory_space<hbm>> -> memref<320xi32, #tpu.memory_space<hbm>>
      %dma_wait3A_10 = tpu.memref_slice %arg3[%mul3A_2] : memref<10240xi32, #tpu.memory_space<hbm>> -> memref<320xi32, #tpu.memory_space<hbm>>
      tpu.wait_dma2 semaphore(%run_scoped3A : memref<!tpu.dma_semaphore, #tpu.memory_space<semaphore_mem>>) src(%dma_wait3A_10 : memref<320xi32, #tpu.memory_space<hbm>>) dst(%arg5 : memref<320xi32, #tpu.memory_space<vmem>>)
      tpu.yield
    }) : () -> ()
    %dma_start3A = arith.constant 0 : i32
    %dma_start3A_3 = arith.constant 0 : i32
    %dma_start3A_4 = tpu.memref_slice %arg2[%dma_start3A, %dma_start3A_3] : memref<10000x128xf32, #tpu.memory_space<hbm>> -> memref<10000x128xf32, #tpu.memory_space<hbm>>
    tpu.enqueue_indirect_dma source(%dma_start3A_4 : memref<10000x128xf32, #tpu.memory_space<hbm>>) target(%arg6 : memref<320x128xf32, #tpu.memory_space<vmem>>) offsets(%arg5 : memref<320xi32, #tpu.memory_space<vmem>>) semaphore(%arg7 : memref<!tpu.dma_semaphore, #tpu.memory_space<semaphore_mem>>)
    %dma_wait3A = arith.constant 0 : i32
    %dma_wait3A_5 = arith.constant 0 : i32
    %dma_wait3A_6 = tpu.memref_slice %arg2[%dma_wait3A, %dma_wait3A_5] : memref<10000x128xf32, #tpu.memory_space<hbm>> -> memref<10000x128xf32, #tpu.memory_space<hbm>>
    tpu.wait_indirect_dma semaphore(%arg7 : memref<!tpu.dma_semaphore, #tpu.memory_space<semaphore_mem>>) src(%dma_wait3A_6 : memref<10000x128xf32, #tpu.memory_space<hbm>>) dst(%arg6 : memref<320x128xf32, #tpu.memory_space<vmem>>)
    "tpu.region"() ({
      %run_scoped3A = tpu.sem_alloc : memref<!tpu.dma_semaphore, #tpu.memory_space<semaphore_mem>>
      %dma_start3A_7 = arith.constant 0 : i32
      %dma_start3A_8 = tpu.memref_slice %arg4[%mul3A_2, %dma_start3A_7] : memref<10240x128xf32, #tpu.memory_space<hbm>> -> memref<320x128xf32, #tpu.memory_space<hbm>>
      %dma_start3A_9 = arith.constant 0 : i32
      %dma_start3A_10 = tpu.memref_slice %arg4[%mul3A_2, %dma_start3A_9] : memref<10240x128xf32, #tpu.memory_space<hbm>> -> memref<320x128xf32, #tpu.memory_space<hbm>>
      tpu.enqueue_dma source(%arg6 : memref<320x128xf32, #tpu.memory_space<vmem>>) target(%dma_start3A_10 : memref<320x128xf32, #tpu.memory_space<hbm>>) target_semaphore(%run_scoped3A : memref<!tpu.dma_semaphore, #tpu.memory_space<semaphore_mem>>)
      %dma_wait3A_11 = arith.constant 0 : i32
      %dma_wait3A_12 = tpu.memref_slice %arg4[%mul3A_2, %dma_wait3A_11] : memref<10240x128xf32, #tpu.memory_space<hbm>> -> memref<320x128xf32, #tpu.memory_space<hbm>>
      %dma_wait3A_13 = arith.constant 0 : i32
      %dma_wait3A_14 = tpu.memref_slice %arg4[%mul3A_2, %dma_wait3A_13] : memref<10240x128xf32, #tpu.memory_space<hbm>> -> memref<320x128xf32, #tpu.memory_space<hbm>>
      tpu.wait_dma2 semaphore(%run_scoped3A : memref<!tpu.dma_semaphore, #tpu.memory_space<semaphore_mem>>) src(%arg6 : memref<320x128xf32, #tpu.memory_space<vmem>>) dst(%dma_wait3A_14 : memref<320x128xf32, #tpu.memory_space<hbm>>)
      tpu.yield
    }) : () -> ()
    return
  }
}

module attributes {stable_mosaic.version = 14 : i64} {
  func.func @_rnn_body(%arg0: memref<10240x128xf32, #tpu.memory_space<vmem>>, %arg1: memref<256x512xf32, #tpu.memory_space<vmem>>, %arg2: memref<1x512xf32, #tpu.memory_space<vmem>>, %arg3: memref<64x64xf32, #tpu.memory_space<vmem>>, %arg4: memref<1x64xf32, #tpu.memory_space<vmem>>, %arg5: memref<64x1xf32, #tpu.memory_space<vmem>>, %arg6: memref<1x1xf32, #tpu.memory_space<vmem>>, %arg7: memref<128x1xf32, #tpu.memory_space<vmem>>) attributes {dimension_semantics = [], scalar_prefetch = 0 : i64, scratch_operands = 0 : i64, tpu.core_type = #tpu.core_type<tc>} {
    %iota3A = tpu.iota {dimensions = array<i32: 1>} : vector<128x128xi32>
    %ge3A = arith.constant 64 : i32
    %ge3A_0 = vector.broadcast %ge3A : i32 to vector<128x128xi32>
    %ge3A_1 = arith.cmpi sge, %iota3A, %ge3A_0 : vector<128x128xi32>
    %get3A = arith.constant 0 : index
    %get3A_2 = arith.constant 0 : index
    %get3A_3 = vector.load %arg0[%get3A, %get3A_2] : memref<10240x128xf32, #tpu.memory_space<vmem>>, vector<128x128xf32>
    %get3A_4 = arith.constant 128 : index
    %get3A_5 = arith.constant 0 : index
    %get3A_6 = vector.load %arg1[%get3A_4, %get3A_5] : memref<256x512xf32, #tpu.memory_space<vmem>>, vector<128x512xf32>
    %dot_general3A = arith.constant dense<0.000000e+00> : vector<128x512xf32>
    %dot_general3A_7 = tpu.matmul %get3A_3, %get3A_6, %dot_general3A {dimension_numbers = #tpu.dot_dimension_numbers<[1], [0], [0], [1], [0, 0, 1, 1], [], []>, transpose_lhs_hint = false} : vector<128x128xf32>, vector<128x512xf32>, vector<128x512xf32> -> vector<128x512xf32>
    %get3A_8 = arith.constant 0 : index
    %get3A_9 = arith.constant 0 : index
    %get3A_10 = vector.load %arg2[%get3A_8, %get3A_9] : memref<1x512xf32, #tpu.memory_space<vmem>>, vector<1x512xf32>
    %add3A = vector.broadcast %get3A_10 : vector<1x512xf32> to vector<128x512xf32>
    %add3A_11 = arith.addf %dot_general3A_7, %add3A : vector<128x512xf32>
    %tanh3A = math.tanh %add3A_11 : vector<128x512xf32>
    %mul3A = arith.constant 5.000000e-01 : f32
    %mul3A_12 = vector.broadcast %mul3A : f32 to vector<128x512xf32>
    %mul3A_13 = arith.mulf %mul3A_12, %tanh3A : vector<128x512xf32>
    %add3A_14 = arith.constant 5.000000e-01 : f32
    %add3A_15 = vector.broadcast %add3A_14 : f32 to vector<128x512xf32>
    %add3A_16 = arith.addf %mul3A_13, %add3A_15 : vector<128x512xf32>
    %slice3A = vector.extract_strided_slice %add3A_16 {offsets = [0, 0], sizes = [128, 128], strides = [1, 1]} : vector<128x512xf32> to vector<128x128xf32>
    %slice3A_17 = vector.extract_strided_slice %tanh3A {offsets = [0, 256], sizes = [128, 128], strides = [1, 1]} : vector<128x512xf32> to vector<128x128xf32>
    %slice3A_18 = vector.extract_strided_slice %add3A_16 {offsets = [0, 384], sizes = [128, 128], strides = [1, 1]} : vector<128x512xf32> to vector<128x128xf32>
    %mul3A_19 = arith.mulf %slice3A, %slice3A_17 : vector<128x128xf32>
    %jit3A = arith.constant 0.000000e+00 : f32
    %broadcast_in_dim3A = vector.broadcast %jit3A : f32 to vector<128x128xf32>
    %select_n3A = arith.select %ge3A_1, %broadcast_in_dim3A, %mul3A_19 : vector<128x128xi1>, vector<128x128xf32>
    %tanh3A_20 = math.tanh %select_n3A : vector<128x128xf32>
    %mul3A_21 = arith.mulf %slice3A_18, %tanh3A_20 : vector<128x128xf32>
    %jit3A_22 = arith.constant 0.000000e+00 : f32
    %broadcast_in_dim3A_23 = vector.broadcast %jit3A_22 : f32 to vector<128x128xf32>
    %select_n3A_24 = arith.select %ge3A_1, %broadcast_in_dim3A_23, %mul3A_21 : vector<128x128xi1>, vector<128x128xf32>
    %slice3A_25 = vector.extract_strided_slice %select_n3A_24 {offsets = [0, 0], sizes = [64, 128], strides = [1, 1]} : vector<128x128xf32> to vector<64x128xf32>
    %slice3A_26 = vector.extract_strided_slice %select_n3A {offsets = [0, 0], sizes = [64, 128], strides = [1, 1]} : vector<128x128xf32> to vector<64x128xf32>
    %slice3A_27 = vector.extract_strided_slice %select_n3A_24 {offsets = [64, 0], sizes = [64, 128], strides = [1, 1]} : vector<128x128xf32> to vector<64x128xf32>
    %slice3A_28 = vector.extract_strided_slice %select_n3A {offsets = [64, 0], sizes = [64, 128], strides = [1, 1]} : vector<128x128xf32> to vector<64x128xf32>
    %get3A_29 = arith.constant 192 : index
    %get3A_30 = arith.constant 0 : index
    %get3A_31 = vector.load %arg0[%get3A_29, %get3A_30] : memref<10240x128xf32, #tpu.memory_space<vmem>>, vector<64x128xf32>
    %concatenate3A = tpu.concatenate %slice3A_27, %get3A_31 in 1 : vector<64x128xf32>, vector<64x128xf32> -> vector<64x256xf32>
    %get3A_32 = arith.constant 0 : index
    %get3A_33 = arith.constant 0 : index
    %get3A_34 = vector.load %arg1[%get3A_32, %get3A_33] : memref<256x512xf32, #tpu.memory_space<vmem>>, vector<256x512xf32>
    %dot_general3A_35 = arith.constant dense<0.000000e+00> : vector<64x512xf32>
    %dot_general3A_36 = tpu.matmul %concatenate3A, %get3A_34, %dot_general3A_35 {dimension_numbers = #tpu.dot_dimension_numbers<[1], [0], [0], [1], [0, 0, 1, 1], [], []>, transpose_lhs_hint = false} : vector<64x256xf32>, vector<256x512xf32>, vector<64x512xf32> -> vector<64x512xf32>
    %get3A_37 = arith.constant 0 : index
    %get3A_38 = arith.constant 0 : index
    %get3A_39 = vector.load %arg2[%get3A_37, %get3A_38] : memref<1x512xf32, #tpu.memory_space<vmem>>, vector<1x512xf32>
    %add3A_40 = vector.broadcast %get3A_39 : vector<1x512xf32> to vector<64x512xf32>
    %add3A_41 = arith.addf %dot_general3A_36, %add3A_40 : vector<64x512xf32>
    %scan3A = arith.constant 1 : i32
    %scan3A_42 = arith.constant 80 : i32
    %scan3A_43 = arith.addi %scan3A, %scan3A_42 : i32
    %scan3A_44 = arith.constant 40 : i32
    %scan3A_45:5 = scf.for %scan3A_78 = %scan3A to %scan3A_43 step %scan3A_44 iter_args(%scan3A_79 = %slice3A_25, %scan3A_80 = %slice3A_26, %scan3A_81 = %slice3A_27, %scan3A_82 = %slice3A_28, %scan3A_83 = %add3A_41) -> (vector<64x128xf32>, vector<64x128xf32>, vector<64x128xf32>, vector<64x128xf32>, vector<64x512xf32>)  : i32 {
      %tanh3A_84 = math.tanh %scan3A_83 : vector<64x512xf32>
      %mul3A_85 = arith.constant 5.000000e-01 : f32
      %mul3A_86 = vector.broadcast %mul3A_85 : f32 to vector<64x512xf32>
      %mul3A_87 = arith.mulf %mul3A_86, %tanh3A_84 : vector<64x512xf32>
      %add3A_88 = arith.constant 5.000000e-01 : f32
      %add3A_89 = vector.broadcast %add3A_88 : f32 to vector<64x512xf32>
      %add3A_90 = arith.addf %mul3A_87, %add3A_89 : vector<64x512xf32>
      %slice3A_91 = vector.extract_strided_slice %add3A_90 {offsets = [0, 0], sizes = [64, 128], strides = [1, 1]} : vector<64x512xf32> to vector<64x128xf32>
      %slice3A_92 = vector.extract_strided_slice %add3A_90 {offsets = [0, 128], sizes = [64, 128], strides = [1, 1]} : vector<64x512xf32> to vector<64x128xf32>
      %slice3A_93 = vector.extract_strided_slice %tanh3A_84 {offsets = [0, 256], sizes = [64, 128], strides = [1, 1]} : vector<64x512xf32> to vector<64x128xf32>
      %slice3A_94 = vector.extract_strided_slice %add3A_90 {offsets = [0, 384], sizes = [64, 128], strides = [1, 1]} : vector<64x512xf32> to vector<64x128xf32>
      %mul3A_95 = arith.mulf %slice3A_92, %scan3A_82 : vector<64x128xf32>
      %mul3A_96 = arith.mulf %slice3A_91, %slice3A_93 : vector<64x128xf32>
      %add3A_97 = arith.addf %mul3A_95, %mul3A_96 : vector<64x128xf32>
      %tanh3A_98 = math.tanh %add3A_97 : vector<64x128xf32>
      %mul3A_99 = arith.mulf %slice3A_94, %tanh3A_98 : vector<64x128xf32>
      %min3A = arith.constant 79 : i32
      %min3A_100 = arith.minsi %scan3A_78, %min3A : i32
      %mul3A_101 = arith.constant 128 : i32
      %mul3A_102 = arith.muli %min3A_100, %mul3A_101 : i32
      %get3A_103 = arith.index_cast %mul3A_102 : i32 to index
      %get3A_104 = arith.constant 0 : index
      %get3A_105 = vector.load %arg0[%get3A_103, %get3A_104] : memref<10240x128xf32, #tpu.memory_space<vmem>>, vector<64x128xf32>
      %concatenate3A_106 = tpu.concatenate %scan3A_79, %get3A_105 in 1 : vector<64x128xf32>, vector<64x128xf32> -> vector<64x256xf32>
      %get3A_107 = arith.constant 0 : index
      %get3A_108 = arith.constant 0 : index
      %get3A_109 = vector.load %arg1[%get3A_107, %get3A_108] : memref<256x512xf32, #tpu.memory_space<vmem>>, vector<256x512xf32>
      %dot_general3A_110 = arith.constant dense<0.000000e+00> : vector<64x512xf32>
      %dot_general3A_111 = tpu.matmul %concatenate3A_106, %get3A_109, %dot_general3A_110 {dimension_numbers = #tpu.dot_dimension_numbers<[1], [0], [0], [1], [0, 0, 1, 1], [], []>, transpose_lhs_hint = false} : vector<64x256xf32>, vector<256x512xf32>, vector<64x512xf32> -> vector<64x512xf32>
      %get3A_112 = arith.constant 0 : index
      %get3A_113 = arith.constant 0 : index
      %get3A_114 = vector.load %arg2[%get3A_112, %get3A_113] : memref<1x512xf32, #tpu.memory_space<vmem>>, vector<1x512xf32>
      %add3A_115 = vector.broadcast %get3A_114 : vector<1x512xf32> to vector<64x512xf32>
      %add3A_116 = arith.addf %dot_general3A_111, %add3A_115 : vector<64x512xf32>
      %tanh3A_117 = math.tanh %add3A_116 : vector<64x512xf32>
      %mul3A_118 = arith.constant 5.000000e-01 : f32
      %mul3A_119 = vector.broadcast %mul3A_118 : f32 to vector<64x512xf32>
      %mul3A_120 = arith.mulf %mul3A_119, %tanh3A_117 : vector<64x512xf32>
      %add3A_121 = arith.constant 5.000000e-01 : f32
      %add3A_122 = vector.broadcast %add3A_121 : f32 to vector<64x512xf32>
      %add3A_123 = arith.addf %mul3A_120, %add3A_122 : vector<64x512xf32>
      %slice3A_124 = vector.extract_strided_slice %add3A_123 {offsets = [0, 0], sizes = [64, 128], strides = [1, 1]} : vector<64x512xf32> to vector<64x128xf32>
      %slice3A_125 = vector.extract_strided_slice %add3A_123 {offsets = [0, 128], sizes = [64, 128], strides = [1, 1]} : vector<64x512xf32> to vector<64x128xf32>
      %slice3A_126 = vector.extract_strided_slice %tanh3A_117 {offsets = [0, 256], sizes = [64, 128], strides = [1, 1]} : vector<64x512xf32> to vector<64x128xf32>
      %slice3A_127 = vector.extract_strided_slice %add3A_123 {offsets = [0, 384], sizes = [64, 128], strides = [1, 1]} : vector<64x512xf32> to vector<64x128xf32>
      %mul3A_128 = arith.mulf %slice3A_125, %scan3A_80 : vector<64x128xf32>
      %mul3A_129 = arith.mulf %slice3A_124, %slice3A_126 : vector<64x128xf32>
      %add3A_130 = arith.addf %mul3A_128, %mul3A_129 : vector<64x128xf32>
      %tanh3A_131 = math.tanh %add3A_130 : vector<64x128xf32>
      %mul3A_132 = arith.mulf %slice3A_127, %tanh3A_131 : vector<64x128xf32>
      %add3A_133 = arith.constant 1 : i32
      %add3A_134 = arith.addi %scan3A_78, %add3A_133 : i32
      %min3A_135 = arith.constant 79 : i32
      %min3A_136 = arith.minsi %add3A_134, %min3A_135 : i32
      %mul3A_137 = arith.constant 128 : i32
      %mul3A_138 = arith.muli %min3A_136, %mul3A_137 : i32
      %add3A_139 = arith.constant 64 : i32
      %add3A_140 = arith.addi %mul3A_138, %add3A_139 : i32
      %get3A_141 = arith.index_cast %add3A_140 : i32 to index
      %get3A_142 = arith.constant 0 : index
      %get3A_143 = vector.load %arg0[%get3A_141, %get3A_142] : memref<10240x128xf32, #tpu.memory_space<vmem>>, vector<64x128xf32>
      %concatenate3A_144 = tpu.concatenate %mul3A_99, %get3A_143 in 1 : vector<64x128xf32>, vector<64x128xf32> -> vector<64x256xf32>
      %get3A_145 = arith.constant 0 : index
      %get3A_146 = arith.constant 0 : index
      %get3A_147 = vector.load %arg1[%get3A_145, %get3A_146] : memref<256x512xf32, #tpu.memory_space<vmem>>, vector<256x512xf32>
      %dot_general3A_148 = arith.constant dense<0.000000e+00> : vector<64x512xf32>
      %dot_general3A_149 = tpu.matmul %concatenate3A_144, %get3A_147, %dot_general3A_148 {dimension_numbers = #tpu.dot_dimension_numbers<[1], [0], [0], [1], [0, 0, 1, 1], [], []>, transpose_lhs_hint = false} : vector<64x256xf32>, vector<256x512xf32>, vector<64x512xf32> -> vector<64x512xf32>
      %get3A_150 = arith.constant 0 : index
      %get3A_151 = arith.constant 0 : index
      %get3A_152 = vector.load %arg2[%get3A_150, %get3A_151] : memref<1x512xf32, #tpu.memory_space<vmem>>, vector<1x512xf32>
      %add3A_153 = vector.broadcast %get3A_152 : vector<1x512xf32> to vector<64x512xf32>
      %add3A_154 = arith.addf %dot_general3A_149, %add3A_153 : vector<64x512xf32>
      %scan3A_155 = arith.constant 1 : i32
      %scan3A_156 = arith.addi %scan3A_78, %scan3A_155 : i32
      %tanh3A_157 = math.tanh %add3A_154 : vector<64x512xf32>
      %mul3A_158 = arith.constant 5.000000e-01 : f32
      %mul3A_159 = vector.broadcast %mul3A_158 : f32 to vector<64x512xf32>
      %mul3A_160 = arith.mulf %mul3A_159, %tanh3A_157 : vector<64x512xf32>
      %add3A_161 = arith.constant 5.000000e-01 : f32
      %add3A_162 = vector.broadcast %add3A_161 : f32 to vector<64x512xf32>
      %add3A_163 = arith.addf %mul3A_160, %add3A_162 : vector<64x512xf32>
      %slice3A_164 = vector.extract_strided_slice %add3A_163 {offsets = [0, 0], sizes = [64, 128], strides = [1, 1]} : vector<64x512xf32> to vector<64x128xf32>
      %slice3A_165 = vector.extract_strided_slice %add3A_163 {offsets = [0, 128], sizes = [64, 128], strides = [1, 1]} : vector<64x512xf32> to vector<64x128xf32>
      %slice3A_166 = vector.extract_strided_slice %tanh3A_157 {offsets = [0, 256], sizes = [64, 128], strides = [1, 1]} : vector<64x512xf32> to vector<64x128xf32>
      %slice3A_167 = vector.extract_strided_slice %add3A_163 {offsets = [0, 384], sizes = [64, 128], strides = [1, 1]} : vector<64x512xf32> to vector<64x128xf32>
      %mul3A_168 = arith.mulf %slice3A_165, %add3A_97 : vector<64x128xf32>
      %mul3A_169 = arith.mulf %slice3A_164, %slice3A_166 : vector<64x128xf32>
      %add3A_170 = arith.addf %mul3A_168, %mul3A_169 : vector<64x128xf32>
      %tanh3A_171 = math.tanh %add3A_170 : vector<64x128xf32>
      %mul3A_172 = arith.mulf %slice3A_167, %tanh3A_171 : vector<64x128xf32>
      %min3A_173 = arith.constant 79 : i32
      %min3A_174 = arith.minsi %scan3A_156, %min3A_173 : i32
      %mul3A_175 = arith.constant 128 : i32
      %mul3A_176 = arith.muli %min3A_174, %mul3A_175 : i32
      %get3A_177 = arith.index_cast %mul3A_176 : i32 to index
      %get3A_178 = arith.constant 0 : index
      %get3A_179 = vector.load %arg0[%get3A_177, %get3A_178] : memref<10240x128xf32, #tpu.memory_space<vmem>>, vector<64x128xf32>
      %concatenate3A_180 = tpu.concatenate %mul3A_132, %get3A_179 in 1 : vector<64x128xf32>, vector<64x128xf32> -> vector<64x256xf32>
      %get3A_181 = arith.constant 0 : index
      %get3A_182 = arith.constant 0 : index
      %get3A_183 = vector.load %arg1[%get3A_181, %get3A_182] : memref<256x512xf32, #tpu.memory_space<vmem>>, vector<256x512xf32>
      %dot_general3A_184 = arith.constant dense<0.000000e+00> : vector<64x512xf32>
      %dot_general3A_185 = tpu.matmul %concatenate3A_180, %get3A_183, %dot_general3A_184 {dimension_numbers = #tpu.dot_dimension_numbers<[1], [0], [0], [1], [0, 0, 1, 1], [], []>, transpose_lhs_hint = false} : vector<64x256xf32>, vector<256x512xf32>, vector<64x512xf32> -> vector<64x512xf32>
      %get3A_186 = arith.constant 0 : index
      %get3A_187 = arith.constant 0 : index
      %get3A_188 = vector.load %arg2[%get3A_186, %get3A_187] : memref<1x512xf32, #tpu.memory_space<vmem>>, vector<1x512xf32>
      %add3A_189 = vector.broadcast %get3A_188 : vector<1x512xf32> to vector<64x512xf32>
      %add3A_190 = arith.addf %dot_general3A_185, %add3A_189 : vector<64x512xf32>
      %tanh3A_191 = math.tanh %add3A_190 : vector<64x512xf32>
      %mul3A_192 = arith.constant 5.000000e-01 : f32
      %mul3A_193 = vector.broadcast %mul3A_192 : f32 to vector<64x512xf32>
      %mul3A_194 = arith.mulf %mul3A_193, %tanh3A_191 : vector<64x512xf32>
      %add3A_195 = arith.constant 5.000000e-01 : f32
      %add3A_196 = vector.broadcast %add3A_195 : f32 to vector<64x512xf32>
      %add3A_197 = arith.addf %mul3A_194, %add3A_196 : vector<64x512xf32>
      %slice3A_198 = vector.extract_strided_slice %add3A_197 {offsets = [0, 0], sizes = [64, 128], strides = [1, 1]} : vector<64x512xf32> to vector<64x128xf32>
      %slice3A_199 = vector.extract_strided_slice %add3A_197 {offsets = [0, 128], sizes = [64, 128], strides = [1, 1]} : vector<64x512xf32> to vector<64x128xf32>
      %slice3A_200 = vector.extract_strided_slice %tanh3A_191 {offsets = [0, 256], sizes = [64, 128], strides = [1, 1]} : vector<64x512xf32> to vector<64x128xf32>
      %slice3A_201 = vector.extract_strided_slice %add3A_197 {offsets = [0, 384], sizes = [64, 128], strides = [1, 1]} : vector<64x512xf32> to vector<64x128xf32>
      %mul3A_202 = arith.mulf %slice3A_199, %add3A_130 : vector<64x128xf32>
      %mul3A_203 = arith.mulf %slice3A_198, %slice3A_200 : vector<64x128xf32>
      %add3A_204 = arith.addf %mul3A_202, %mul3A_203 : vector<64x128xf32>
      %tanh3A_205 = math.tanh %add3A_204 : vector<64x128xf32>
      %mul3A_206 = arith.mulf %slice3A_201, %tanh3A_205 : vector<64x128xf32>
      %add3A_207 = arith.constant 1 : i32
      %add3A_208 = arith.addi %scan3A_156, %add3A_207 : i32
      %min3A_209 = arith.constant 79 : i32
      %min3A_210 = arith.minsi %add3A_208, %min3A_209 : i32
      %mul3A_211 = arith.constant 128 : i32
      %mul3A_212 = arith.muli %min3A_210, %mul3A_211 : i32
      %add3A_213 = arith.constant 64 : i32
      %add3A_214 = arith.addi %mul3A_212, %add3A_213 : i32
      %get3A_215 = arith.index_cast %add3A_214 : i32 to index
      %get3A_216 = arith.constant 0 : index
      %get3A_217 = vector.load %arg0[%get3A_215, %get3A_216] : memref<10240x128xf32, #tpu.memory_space<vmem>>, vector<64x128xf32>
      %concatenate3A_218 = tpu.concatenate %mul3A_172, %get3A_217 in 1 : vector<64x128xf32>, vector<64x128xf32> -> vector<64x256xf32>
      %get3A_219 = arith.constant 0 : index
      %get3A_220 = arith.constant 0 : index
      %get3A_221 = vector.load %arg1[%get3A_219, %get3A_220] : memref<256x512xf32, #tpu.memory_space<vmem>>, vector<256x512xf32>
      %dot_general3A_222 = arith.constant dense<0.000000e+00> : vector<64x512xf32>
      %dot_general3A_223 = tpu.matmul %concatenate3A_218, %get3A_221, %dot_general3A_222 {dimension_numbers = #tpu.dot_dimension_numbers<[1], [0], [0], [1], [0, 0, 1, 1], [], []>, transpose_lhs_hint = false} : vector<64x256xf32>, vector<256x512xf32>, vector<64x512xf32> -> vector<64x512xf32>
      %get3A_224 = arith.constant 0 : index
      %get3A_225 = arith.constant 0 : index
      %get3A_226 = vector.load %arg2[%get3A_224, %get3A_225] : memref<1x512xf32, #tpu.memory_space<vmem>>, vector<1x512xf32>
      %add3A_227 = vector.broadcast %get3A_226 : vector<1x512xf32> to vector<64x512xf32>
      %add3A_228 = arith.addf %dot_general3A_223, %add3A_227 : vector<64x512xf32>
      %scan3A_229 = arith.constant 2 : i32
      %scan3A_230 = arith.addi %scan3A_78, %scan3A_229 : i32
      %tanh3A_231 = math.tanh %add3A_228 : vector<64x512xf32>
      %mul3A_232 = arith.constant 5.000000e-01 : f32
      %mul3A_233 = vector.broadcast %mul3A_232 : f32 to vector<64x512xf32>
      %mul3A_234 = arith.mulf %mul3A_233, %tanh3A_231 : vector<64x512xf32>
      %add3A_235 = arith.constant 5.000000e-01 : f32
      %add3A_236 = vector.broadcast %add3A_235 : f32 to vector<64x512xf32>
      %add3A_237 = arith.addf %mul3A_234, %add3A_236 : vector<64x512xf32>
      %slice3A_238 = vector.extract_strided_slice %add3A_237 {offsets = [0, 0], sizes = [64, 128], strides = [1, 1]} : vector<64x512xf32> to vector<64x128xf32>
      %slice3A_239 = vector.extract_strided_slice %add3A_237 {offsets = [0, 128], sizes = [64, 128], strides = [1, 1]} : vector<64x512xf32> to vector<64x128xf32>
      %slice3A_240 = vector.extract_strided_slice %tanh3A_231 {offsets = [0, 256], sizes = [64, 128], strides = [1, 1]} : vector<64x512xf32> to vector<64x128xf32>
      %slice3A_241 = vector.extract_strided_slice %add3A_237 {offsets = [0, 384], sizes = [64, 128], strides = [1, 1]} : vector<64x512xf32> to vector<64x128xf32>
      %mul3A_242 = arith.mulf %slice3A_239, %add3A_170 : vector<64x128xf32>
      %mul3A_243 = arith.mulf %slice3A_238, %slice3A_240 : vector<64x128xf32>
      %add3A_244 = arith.addf %mul3A_242, %mul3A_243 : vector<64x128xf32>
      %tanh3A_245 = math.tanh %add3A_244 : vector<64x128xf32>
      %mul3A_246 = arith.mulf %slice3A_241, %tanh3A_245 : vector<64x128xf32>
      %min3A_247 = arith.constant 79 : i32
      %min3A_248 = arith.minsi %scan3A_230, %min3A_247 : i32
      %mul3A_249 = arith.constant 128 : i32
      %mul3A_250 = arith.muli %min3A_248, %mul3A_249 : i32
      %get3A_251 = arith.index_cast %mul3A_250 : i32 to index
      %get3A_252 = arith.constant 0 : index
      %get3A_253 = vector.load %arg0[%get3A_251, %get3A_252] : memref<10240x128xf32, #tpu.memory_space<vmem>>, vector<64x128xf32>
      %concatenate3A_254 = tpu.concatenate %mul3A_206, %get3A_253 in 1 : vector<64x128xf32>, vector<64x128xf32> -> vector<64x256xf32>
      %get3A_255 = arith.constant 0 : index
      %get3A_256 = arith.constant 0 : index
      %get3A_257 = vector.load %arg1[%get3A_255, %get3A_256] : memref<256x512xf32, #tpu.memory_space<vmem>>, vector<256x512xf32>
      %dot_general3A_258 = arith.constant dense<0.000000e+00> : vector<64x512xf32>
      %dot_general3A_259 = tpu.matmul %concatenate3A_254, %get3A_257, %dot_general3A_258 {dimension_numbers = #tpu.dot_dimension_numbers<[1], [0], [0], [1], [0, 0, 1, 1], [], []>, transpose_lhs_hint = false} : vector<64x256xf32>, vector<256x512xf32>, vector<64x512xf32> -> vector<64x512xf32>
      %get3A_260 = arith.constant 0 : index
      %get3A_261 = arith.constant 0 : index
      %get3A_262 = vector.load %arg2[%get3A_260, %get3A_261] : memref<1x512xf32, #tpu.memory_space<vmem>>, vector<1x512xf32>
      %add3A_263 = vector.broadcast %get3A_262 : vector<1x512xf32> to vector<64x512xf32>
      %add3A_264 = arith.addf %dot_general3A_259, %add3A_263 : vector<64x512xf32>
      %tanh3A_265 = math.tanh %add3A_264 : vector<64x512xf32>
      %mul3A_266 = arith.constant 5.000000e-01 : f32
      %mul3A_267 = vector.broadcast %mul3A_266 : f32 to vector<64x512xf32>
      %mul3A_268 = arith.mulf %mul3A_267, %tanh3A_265 : vector<64x512xf32>
      %add3A_269 = arith.constant 5.000000e-01 : f32
      %add3A_270 = vector.broadcast %add3A_269 : f32 to vector<64x512xf32>
      %add3A_271 = arith.addf %mul3A_268, %add3A_270 : vector<64x512xf32>
      %slice3A_272 = vector.extract_strided_slice %add3A_271 {offsets = [0, 0], sizes = [64, 128], strides = [1, 1]} : vector<64x512xf32> to vector<64x128xf32>
      %slice3A_273 = vector.extract_strided_slice %add3A_271 {offsets = [0, 128], sizes = [64, 128], strides = [1, 1]} : vector<64x512xf32> to vector<64x128xf32>
      %slice3A_274 = vector.extract_strided_slice %tanh3A_265 {offsets = [0, 256], sizes = [64, 128], strides = [1, 1]} : vector<64x512xf32> to vector<64x128xf32>
      %slice3A_275 = vector.extract_strided_slice %add3A_271 {offsets = [0, 384], sizes = [64, 128], strides = [1, 1]} : vector<64x512xf32> to vector<64x128xf32>
      %mul3A_276 = arith.mulf %slice3A_273, %add3A_204 : vector<64x128xf32>
      %mul3A_277 = arith.mulf %slice3A_272, %slice3A_274 : vector<64x128xf32>
      %add3A_278 = arith.addf %mul3A_276, %mul3A_277 : vector<64x128xf32>
      %tanh3A_279 = math.tanh %add3A_278 : vector<64x128xf32>
      %mul3A_280 = arith.mulf %slice3A_275, %tanh3A_279 : vector<64x128xf32>
      %add3A_281 = arith.constant 1 : i32
      %add3A_282 = arith.addi %scan3A_230, %add3A_281 : i32
      %min3A_283 = arith.constant 79 : i32
      %min3A_284 = arith.minsi %add3A_282, %min3A_283 : i32
      %mul3A_285 = arith.constant 128 : i32
      %mul3A_286 = arith.muli %min3A_284, %mul3A_285 : i32
      %add3A_287 = arith.constant 64 : i32
      %add3A_288 = arith.addi %mul3A_286, %add3A_287 : i32
      %get3A_289 = arith.index_cast %add3A_288 : i32 to index
      %get3A_290 = arith.constant 0 : index
      %get3A_291 = vector.load %arg0[%get3A_289, %get3A_290] : memref<10240x128xf32, #tpu.memory_space<vmem>>, vector<64x128xf32>
      %concatenate3A_292 = tpu.concatenate %mul3A_246, %get3A_291 in 1 : vector<64x128xf32>, vector<64x128xf32> -> vector<64x256xf32>
      %get3A_293 = arith.constant 0 : index
      %get3A_294 = arith.constant 0 : index
      %get3A_295 = vector.load %arg1[%get3A_293, %get3A_294] : memref<256x512xf32, #tpu.memory_space<vmem>>, vector<256x512xf32>
      %dot_general3A_296 = arith.constant dense<0.000000e+00> : vector<64x512xf32>
      %dot_general3A_297 = tpu.matmul %concatenate3A_292, %get3A_295, %dot_general3A_296 {dimension_numbers = #tpu.dot_dimension_numbers<[1], [0], [0], [1], [0, 0, 1, 1], [], []>, transpose_lhs_hint = false} : vector<64x256xf32>, vector<256x512xf32>, vector<64x512xf32> -> vector<64x512xf32>
      %get3A_298 = arith.constant 0 : index
      %get3A_299 = arith.constant 0 : index
      %get3A_300 = vector.load %arg2[%get3A_298, %get3A_299] : memref<1x512xf32, #tpu.memory_space<vmem>>, vector<1x512xf32>
      %add3A_301 = vector.broadcast %get3A_300 : vector<1x512xf32> to vector<64x512xf32>
      %add3A_302 = arith.addf %dot_general3A_297, %add3A_301 : vector<64x512xf32>
      %scan3A_303 = arith.constant 3 : i32
      %scan3A_304 = arith.addi %scan3A_78, %scan3A_303 : i32
      %tanh3A_305 = math.tanh %add3A_302 : vector<64x512xf32>
      %mul3A_306 = arith.constant 5.000000e-01 : f32
      %mul3A_307 = vector.broadcast %mul3A_306 : f32 to vector<64x512xf32>
      %mul3A_308 = arith.mulf %mul3A_307, %tanh3A_305 : vector<64x512xf32>
      %add3A_309 = arith.constant 5.000000e-01 : f32
      %add3A_310 = vector.broadcast %add3A_309 : f32 to vector<64x512xf32>
      %add3A_311 = arith.addf %mul3A_308, %add3A_310 : vector<64x512xf32>
      %slice3A_312 = vector.extract_strided_slice %add3A_311 {offsets = [0, 0], sizes = [64, 128], strides = [1, 1]} : vector<64x512xf32> to vector<64x128xf32>
      %slice3A_313 = vector.extract_strided_slice %add3A_311 {offsets = [0, 128], sizes = [64, 128], strides = [1, 1]} : vector<64x512xf32> to vector<64x128xf32>
      %slice3A_314 = vector.extract_strided_slice %tanh3A_305 {offsets = [0, 256], sizes = [64, 128], strides = [1, 1]} : vector<64x512xf32> to vector<64x128xf32>
      %slice3A_315 = vector.extract_strided_slice %add3A_311 {offsets = [0, 384], sizes = [64, 128], strides = [1, 1]} : vector<64x512xf32> to vector<64x128xf32>
      %mul3A_316 = arith.mulf %slice3A_313, %add3A_244 : vector<64x128xf32>
      %mul3A_317 = arith.mulf %slice3A_312, %slice3A_314 : vector<64x128xf32>
      %add3A_318 = arith.addf %mul3A_316, %mul3A_317 : vector<64x128xf32>
      %tanh3A_319 = math.tanh %add3A_318 : vector<64x128xf32>
      %mul3A_320 = arith.mulf %slice3A_315, %tanh3A_319 : vector<64x128xf32>
      %min3A_321 = arith.constant 79 : i32
      %min3A_322 = arith.minsi %scan3A_304, %min3A_321 : i32
      %mul3A_323 = arith.constant 128 : i32
      %mul3A_324 = arith.muli %min3A_322, %mul3A_323 : i32
      %get3A_325 = arith.index_cast %mul3A_324 : i32 to index
      %get3A_326 = arith.constant 0 : index
      %get3A_327 = vector.load %arg0[%get3A_325, %get3A_326] : memref<10240x128xf32, #tpu.memory_space<vmem>>, vector<64x128xf32>
      %concatenate3A_328 = tpu.concatenate %mul3A_280, %get3A_327 in 1 : vector<64x128xf32>, vector<64x128xf32> -> vector<64x256xf32>
      %get3A_329 = arith.constant 0 : index
      %get3A_330 = arith.constant 0 : index
      %get3A_331 = vector.load %arg1[%get3A_329, %get3A_330] : memref<256x512xf32, #tpu.memory_space<vmem>>, vector<256x512xf32>
      %dot_general3A_332 = arith.constant dense<0.000000e+00> : vector<64x512xf32>
      %dot_general3A_333 = tpu.matmul %concatenate3A_328, %get3A_331, %dot_general3A_332 {dimension_numbers = #tpu.dot_dimension_numbers<[1], [0], [0], [1], [0, 0, 1, 1], [], []>, transpose_lhs_hint = false} : vector<64x256xf32>, vector<256x512xf32>, vector<64x512xf32> -> vector<64x512xf32>
      %get3A_334 = arith.constant 0 : index
      %get3A_335 = arith.constant 0 : index
      %get3A_336 = vector.load %arg2[%get3A_334, %get3A_335] : memref<1x512xf32, #tpu.memory_space<vmem>>, vector<1x512xf32>
      %add3A_337 = vector.broadcast %get3A_336 : vector<1x512xf32> to vector<64x512xf32>
      %add3A_338 = arith.addf %dot_general3A_333, %add3A_337 : vector<64x512xf32>
      %tanh3A_339 = math.tanh %add3A_338 : vector<64x512xf32>
      %mul3A_340 = arith.constant 5.000000e-01 : f32
      %mul3A_341 = vector.broadcast %mul3A_340 : f32 to vector<64x512xf32>
      %mul3A_342 = arith.mulf %mul3A_341, %tanh3A_339 : vector<64x512xf32>
      %add3A_343 = arith.constant 5.000000e-01 : f32
      %add3A_344 = vector.broadcast %add3A_343 : f32 to vector<64x512xf32>
      %add3A_345 = arith.addf %mul3A_342, %add3A_344 : vector<64x512xf32>
      %slice3A_346 = vector.extract_strided_slice %add3A_345 {offsets = [0, 0], sizes = [64, 128], strides = [1, 1]} : vector<64x512xf32> to vector<64x128xf32>
      %slice3A_347 = vector.extract_strided_slice %add3A_345 {offsets = [0, 128], sizes = [64, 128], strides = [1, 1]} : vector<64x512xf32> to vector<64x128xf32>
      %slice3A_348 = vector.extract_strided_slice %tanh3A_339 {offsets = [0, 256], sizes = [64, 128], strides = [1, 1]} : vector<64x512xf32> to vector<64x128xf32>
      %slice3A_349 = vector.extract_strided_slice %add3A_345 {offsets = [0, 384], sizes = [64, 128], strides = [1, 1]} : vector<64x512xf32> to vector<64x128xf32>
      %mul3A_350 = arith.mulf %slice3A_347, %add3A_278 : vector<64x128xf32>
      %mul3A_351 = arith.mulf %slice3A_346, %slice3A_348 : vector<64x128xf32>
      %add3A_352 = arith.addf %mul3A_350, %mul3A_351 : vector<64x128xf32>
      %tanh3A_353 = math.tanh %add3A_352 : vector<64x128xf32>
      %mul3A_354 = arith.mulf %slice3A_349, %tanh3A_353 : vector<64x128xf32>
      %add3A_355 = arith.constant 1 : i32
      %add3A_356 = arith.addi %scan3A_304, %add3A_355 : i32
      %min3A_357 = arith.constant 79 : i32
      %min3A_358 = arith.minsi %add3A_356, %min3A_357 : i32
      %mul3A_359 = arith.constant 128 : i32
      %mul3A_360 = arith.muli %min3A_358, %mul3A_359 : i32
      %add3A_361 = arith.constant 64 : i32
      %add3A_362 = arith.addi %mul3A_360, %add3A_361 : i32
      %get3A_363 = arith.index_cast %add3A_362 : i32 to index
      %get3A_364 = arith.constant 0 : index
      %get3A_365 = vector.load %arg0[%get3A_363, %get3A_364] : memref<10240x128xf32, #tpu.memory_space<vmem>>, vector<64x128xf32>
      %concatenate3A_366 = tpu.concatenate %mul3A_320, %get3A_365 in 1 : vector<64x128xf32>, vector<64x128xf32> -> vector<64x256xf32>
      %get3A_367 = arith.constant 0 : index
      %get3A_368 = arith.constant 0 : index
      %get3A_369 = vector.load %arg1[%get3A_367, %get3A_368] : memref<256x512xf32, #tpu.memory_space<vmem>>, vector<256x512xf32>
      %dot_general3A_370 = arith.constant dense<0.000000e+00> : vector<64x512xf32>
      %dot_general3A_371 = tpu.matmul %concatenate3A_366, %get3A_369, %dot_general3A_370 {dimension_numbers = #tpu.dot_dimension_numbers<[1], [0], [0], [1], [0, 0, 1, 1], [], []>, transpose_lhs_hint = false} : vector<64x256xf32>, vector<256x512xf32>, vector<64x512xf32> -> vector<64x512xf32>
      %get3A_372 = arith.constant 0 : index
      %get3A_373 = arith.constant 0 : index
      %get3A_374 = vector.load %arg2[%get3A_372, %get3A_373] : memref<1x512xf32, #tpu.memory_space<vmem>>, vector<1x512xf32>
      %add3A_375 = vector.broadcast %get3A_374 : vector<1x512xf32> to vector<64x512xf32>
      %add3A_376 = arith.addf %dot_general3A_371, %add3A_375 : vector<64x512xf32>
      %scan3A_377 = arith.constant 4 : i32
      %scan3A_378 = arith.addi %scan3A_78, %scan3A_377 : i32
      %tanh3A_379 = math.tanh %add3A_376 : vector<64x512xf32>
      %mul3A_380 = arith.constant 5.000000e-01 : f32
      %mul3A_381 = vector.broadcast %mul3A_380 : f32 to vector<64x512xf32>
      %mul3A_382 = arith.mulf %mul3A_381, %tanh3A_379 : vector<64x512xf32>
      %add3A_383 = arith.constant 5.000000e-01 : f32
      %add3A_384 = vector.broadcast %add3A_383 : f32 to vector<64x512xf32>
      %add3A_385 = arith.addf %mul3A_382, %add3A_384 : vector<64x512xf32>
      %slice3A_386 = vector.extract_strided_slice %add3A_385 {offsets = [0, 0], sizes = [64, 128], strides = [1, 1]} : vector<64x512xf32> to vector<64x128xf32>
      %slice3A_387 = vector.extract_strided_slice %add3A_385 {offsets = [0, 128], sizes = [64, 128], strides = [1, 1]} : vector<64x512xf32> to vector<64x128xf32>
      %slice3A_388 = vector.extract_strided_slice %tanh3A_379 {offsets = [0, 256], sizes = [64, 128], strides = [1, 1]} : vector<64x512xf32> to vector<64x128xf32>
      %slice3A_389 = vector.extract_strided_slice %add3A_385 {offsets = [0, 384], sizes = [64, 128], strides = [1, 1]} : vector<64x512xf32> to vector<64x128xf32>
      %mul3A_390 = arith.mulf %slice3A_387, %add3A_318 : vector<64x128xf32>
      %mul3A_391 = arith.mulf %slice3A_386, %slice3A_388 : vector<64x128xf32>
      %add3A_392 = arith.addf %mul3A_390, %mul3A_391 : vector<64x128xf32>
      %tanh3A_393 = math.tanh %add3A_392 : vector<64x128xf32>
      %mul3A_394 = arith.mulf %slice3A_389, %tanh3A_393 : vector<64x128xf32>
      %min3A_395 = arith.constant 79 : i32
      %min3A_396 = arith.minsi %scan3A_378, %min3A_395 : i32
      %mul3A_397 = arith.constant 128 : i32
      %mul3A_398 = arith.muli %min3A_396, %mul3A_397 : i32
      %get3A_399 = arith.index_cast %mul3A_398 : i32 to index
      %get3A_400 = arith.constant 0 : index
      %get3A_401 = vector.load %arg0[%get3A_399, %get3A_400] : memref<10240x128xf32, #tpu.memory_space<vmem>>, vector<64x128xf32>
      %concatenate3A_402 = tpu.concatenate %mul3A_354, %get3A_401 in 1 : vector<64x128xf32>, vector<64x128xf32> -> vector<64x256xf32>
      %get3A_403 = arith.constant 0 : index
      %get3A_404 = arith.constant 0 : index
      %get3A_405 = vector.load %arg1[%get3A_403, %get3A_404] : memref<256x512xf32, #tpu.memory_space<vmem>>, vector<256x512xf32>
      %dot_general3A_406 = arith.constant dense<0.000000e+00> : vector<64x512xf32>
      %dot_general3A_407 = tpu.matmul %concatenate3A_402, %get3A_405, %dot_general3A_406 {dimension_numbers = #tpu.dot_dimension_numbers<[1], [0], [0], [1], [0, 0, 1, 1], [], []>, transpose_lhs_hint = false} : vector<64x256xf32>, vector<256x512xf32>, vector<64x512xf32> -> vector<64x512xf32>
      %get3A_408 = arith.constant 0 : index
      %get3A_409 = arith.constant 0 : index
      %get3A_410 = vector.load %arg2[%get3A_408, %get3A_409] : memref<1x512xf32, #tpu.memory_space<vmem>>, vector<1x512xf32>
      %add3A_411 = vector.broadcast %get3A_410 : vector<1x512xf32> to vector<64x512xf32>
      %add3A_412 = arith.addf %dot_general3A_407, %add3A_411 : vector<64x512xf32>
      %tanh3A_413 = math.tanh %add3A_412 : vector<64x512xf32>
      %mul3A_414 = arith.constant 5.000000e-01 : f32
      %mul3A_415 = vector.broadcast %mul3A_414 : f32 to vector<64x512xf32>
      %mul3A_416 = arith.mulf %mul3A_415, %tanh3A_413 : vector<64x512xf32>
      %add3A_417 = arith.constant 5.000000e-01 : f32
      %add3A_418 = vector.broadcast %add3A_417 : f32 to vector<64x512xf32>
      %add3A_419 = arith.addf %mul3A_416, %add3A_418 : vector<64x512xf32>
      %slice3A_420 = vector.extract_strided_slice %add3A_419 {offsets = [0, 0], sizes = [64, 128], strides = [1, 1]} : vector<64x512xf32> to vector<64x128xf32>
      %slice3A_421 = vector.extract_strided_slice %add3A_419 {offsets = [0, 128], sizes = [64, 128], strides = [1, 1]} : vector<64x512xf32> to vector<64x128xf32>
      %slice3A_422 = vector.extract_strided_slice %tanh3A_413 {offsets = [0, 256], sizes = [64, 128], strides = [1, 1]} : vector<64x512xf32> to vector<64x128xf32>
      %slice3A_423 = vector.extract_strided_slice %add3A_419 {offsets = [0, 384], sizes = [64, 128], strides = [1, 1]} : vector<64x512xf32> to vector<64x128xf32>
      %mul3A_424 = arith.mulf %slice3A_421, %add3A_352 : vector<64x128xf32>
      %mul3A_425 = arith.mulf %slice3A_420, %slice3A_422 : vector<64x128xf32>
      %add3A_426 = arith.addf %mul3A_424, %mul3A_425 : vector<64x128xf32>
      %tanh3A_427 = math.tanh %add3A_426 : vector<64x128xf32>
      %mul3A_428 = arith.mulf %slice3A_423, %tanh3A_427 : vector<64x128xf32>
      %add3A_429 = arith.constant 1 : i32
      %add3A_430 = arith.addi %scan3A_378, %add3A_429 : i32
      %min3A_431 = arith.constant 79 : i32
      %min3A_432 = arith.minsi %add3A_430, %min3A_431 : i32
      %mul3A_433 = arith.constant 128 : i32
      %mul3A_434 = arith.muli %min3A_432, %mul3A_433 : i32
      %add3A_435 = arith.constant 64 : i32
      %add3A_436 = arith.addi %mul3A_434, %add3A_435 : i32
      %get3A_437 = arith.index_cast %add3A_436 : i32 to index
      %get3A_438 = arith.constant 0 : index
      %get3A_439 = vector.load %arg0[%get3A_437, %get3A_438] : memref<10240x128xf32, #tpu.memory_space<vmem>>, vector<64x128xf32>
      %concatenate3A_440 = tpu.concatenate %mul3A_394, %get3A_439 in 1 : vector<64x128xf32>, vector<64x128xf32> -> vector<64x256xf32>
      %get3A_441 = arith.constant 0 : index
      %get3A_442 = arith.constant 0 : index
      %get3A_443 = vector.load %arg1[%get3A_441, %get3A_442] : memref<256x512xf32, #tpu.memory_space<vmem>>, vector<256x512xf32>
      %dot_general3A_444 = arith.constant dense<0.000000e+00> : vector<64x512xf32>
      %dot_general3A_445 = tpu.matmul %concatenate3A_440, %get3A_443, %dot_general3A_444 {dimension_numbers = #tpu.dot_dimension_numbers<[1], [0], [0], [1], [0, 0, 1, 1], [], []>, transpose_lhs_hint = false} : vector<64x256xf32>, vector<256x512xf32>, vector<64x512xf32> -> vector<64x512xf32>
      %get3A_446 = arith.constant 0 : index
      %get3A_447 = arith.constant 0 : index
      %get3A_448 = vector.load %arg2[%get3A_446, %get3A_447] : memref<1x512xf32, #tpu.memory_space<vmem>>, vector<1x512xf32>
      %add3A_449 = vector.broadcast %get3A_448 : vector<1x512xf32> to vector<64x512xf32>
      %add3A_450 = arith.addf %dot_general3A_445, %add3A_449 : vector<64x512xf32>
      %scan3A_451 = arith.constant 5 : i32
      %scan3A_452 = arith.addi %scan3A_78, %scan3A_451 : i32
      %tanh3A_453 = math.tanh %add3A_450 : vector<64x512xf32>
      %mul3A_454 = arith.constant 5.000000e-01 : f32
      %mul3A_455 = vector.broadcast %mul3A_454 : f32 to vector<64x512xf32>
      %mul3A_456 = arith.mulf %mul3A_455, %tanh3A_453 : vector<64x512xf32>
      %add3A_457 = arith.constant 5.000000e-01 : f32
      %add3A_458 = vector.broadcast %add3A_457 : f32 to vector<64x512xf32>
      %add3A_459 = arith.addf %mul3A_456, %add3A_458 : vector<64x512xf32>
      %slice3A_460 = vector.extract_strided_slice %add3A_459 {offsets = [0, 0], sizes = [64, 128], strides = [1, 1]} : vector<64x512xf32> to vector<64x128xf32>
      %slice3A_461 = vector.extract_strided_slice %add3A_459 {offsets = [0, 128], sizes = [64, 128], strides = [1, 1]} : vector<64x512xf32> to vector<64x128xf32>
      %slice3A_462 = vector.extract_strided_slice %tanh3A_453 {offsets = [0, 256], sizes = [64, 128], strides = [1, 1]} : vector<64x512xf32> to vector<64x128xf32>
      %slice3A_463 = vector.extract_strided_slice %add3A_459 {offsets = [0, 384], sizes = [64, 128], strides = [1, 1]} : vector<64x512xf32> to vector<64x128xf32>
      %mul3A_464 = arith.mulf %slice3A_461, %add3A_392 : vector<64x128xf32>
      %mul3A_465 = arith.mulf %slice3A_460, %slice3A_462 : vector<64x128xf32>
      %add3A_466 = arith.addf %mul3A_464, %mul3A_465 : vector<64x128xf32>
      %tanh3A_467 = math.tanh %add3A_466 : vector<64x128xf32>
      %mul3A_468 = arith.mulf %slice3A_463, %tanh3A_467 : vector<64x128xf32>
      %min3A_469 = arith.constant 79 : i32
      %min3A_470 = arith.minsi %scan3A_452, %min3A_469 : i32
      %mul3A_471 = arith.constant 128 : i32
      %mul3A_472 = arith.muli %min3A_470, %mul3A_471 : i32
      %get3A_473 = arith.index_cast %mul3A_472 : i32 to index
      %get3A_474 = arith.constant 0 : index
      %get3A_475 = vector.load %arg0[%get3A_473, %get3A_474] : memref<10240x128xf32, #tpu.memory_space<vmem>>, vector<64x128xf32>
      %concatenate3A_476 = tpu.concatenate %mul3A_428, %get3A_475 in 1 : vector<64x128xf32>, vector<64x128xf32> -> vector<64x256xf32>
      %get3A_477 = arith.constant 0 : index
      %get3A_478 = arith.constant 0 : index
      %get3A_479 = vector.load %arg1[%get3A_477, %get3A_478] : memref<256x512xf32, #tpu.memory_space<vmem>>, vector<256x512xf32>
      %dot_general3A_480 = arith.constant dense<0.000000e+00> : vector<64x512xf32>
      %dot_general3A_481 = tpu.matmul %concatenate3A_476, %get3A_479, %dot_general3A_480 {dimension_numbers = #tpu.dot_dimension_numbers<[1], [0], [0], [1], [0, 0, 1, 1], [], []>, transpose_lhs_hint = false} : vector<64x256xf32>, vector<256x512xf32>, vector<64x512xf32> -> vector<64x512xf32>
      %get3A_482 = arith.constant 0 : index
      %get3A_483 = arith.constant 0 : index
      %get3A_484 = vector.load %arg2[%get3A_482, %get3A_483] : memref<1x512xf32, #tpu.memory_space<vmem>>, vector<1x512xf32>
      %add3A_485 = vector.broadcast %get3A_484 : vector<1x512xf32> to vector<64x512xf32>
      %add3A_486 = arith.addf %dot_general3A_481, %add3A_485 : vector<64x512xf32>
      %tanh3A_487 = math.tanh %add3A_486 : vector<64x512xf32>
      %mul3A_488 = arith.constant 5.000000e-01 : f32
      %mul3A_489 = vector.broadcast %mul3A_488 : f32 to vector<64x512xf32>
      %mul3A_490 = arith.mulf %mul3A_489, %tanh3A_487 : vector<64x512xf32>
      %add3A_491 = arith.constant 5.000000e-01 : f32
      %add3A_492 = vector.broadcast %add3A_491 : f32 to vector<64x512xf32>
      %add3A_493 = arith.addf %mul3A_490, %add3A_492 : vector<64x512xf32>
      %slice3A_494 = vector.extract_strided_slice %add3A_493 {offsets = [0, 0], sizes = [64, 128], strides = [1, 1]} : vector<64x512xf32> to vector<64x128xf32>
      %slice3A_495 = vector.extract_strided_slice %add3A_493 {offsets = [0, 128], sizes = [64, 128], strides = [1, 1]} : vector<64x512xf32> to vector<64x128xf32>
      %slice3A_496 = vector.extract_strided_slice %tanh3A_487 {offsets = [0, 256], sizes = [64, 128], strides = [1, 1]} : vector<64x512xf32> to vector<64x128xf32>
      %slice3A_497 = vector.extract_strided_slice %add3A_493 {offsets = [0, 384], sizes = [64, 128], strides = [1, 1]} : vector<64x512xf32> to vector<64x128xf32>
      %mul3A_498 = arith.mulf %slice3A_495, %add3A_426 : vector<64x128xf32>
      %mul3A_499 = arith.mulf %slice3A_494, %slice3A_496 : vector<64x128xf32>
      %add3A_500 = arith.addf %mul3A_498, %mul3A_499 : vector<64x128xf32>
      %tanh3A_501 = math.tanh %add3A_500 : vector<64x128xf32>
      %mul3A_502 = arith.mulf %slice3A_497, %tanh3A_501 : vector<64x128xf32>
      %add3A_503 = arith.constant 1 : i32
      %add3A_504 = arith.addi %scan3A_452, %add3A_503 : i32
      %min3A_505 = arith.constant 79 : i32
      %min3A_506 = arith.minsi %add3A_504, %min3A_505 : i32
      %mul3A_507 = arith.constant 128 : i32
      %mul3A_508 = arith.muli %min3A_506, %mul3A_507 : i32
      %add3A_509 = arith.constant 64 : i32
      %add3A_510 = arith.addi %mul3A_508, %add3A_509 : i32
      %get3A_511 = arith.index_cast %add3A_510 : i32 to index
      %get3A_512 = arith.constant 0 : index
      %get3A_513 = vector.load %arg0[%get3A_511, %get3A_512] : memref<10240x128xf32, #tpu.memory_space<vmem>>, vector<64x128xf32>
      %concatenate3A_514 = tpu.concatenate %mul3A_468, %get3A_513 in 1 : vector<64x128xf32>, vector<64x128xf32> -> vector<64x256xf32>
      %get3A_515 = arith.constant 0 : index
      %get3A_516 = arith.constant 0 : index
      %get3A_517 = vector.load %arg1[%get3A_515, %get3A_516] : memref<256x512xf32, #tpu.memory_space<vmem>>, vector<256x512xf32>
      %dot_general3A_518 = arith.constant dense<0.000000e+00> : vector<64x512xf32>
      %dot_general3A_519 = tpu.matmul %concatenate3A_514, %get3A_517, %dot_general3A_518 {dimension_numbers = #tpu.dot_dimension_numbers<[1], [0], [0], [1], [0, 0, 1, 1], [], []>, transpose_lhs_hint = false} : vector<64x256xf32>, vector<256x512xf32>, vector<64x512xf32> -> vector<64x512xf32>
      %get3A_520 = arith.constant 0 : index
      %get3A_521 = arith.constant 0 : index
      %get3A_522 = vector.load %arg2[%get3A_520, %get3A_521] : memref<1x512xf32, #tpu.memory_space<vmem>>, vector<1x512xf32>
      %add3A_523 = vector.broadcast %get3A_522 : vector<1x512xf32> to vector<64x512xf32>
      %add3A_524 = arith.addf %dot_general3A_519, %add3A_523 : vector<64x512xf32>
      %scan3A_525 = arith.constant 6 : i32
      %scan3A_526 = arith.addi %scan3A_78, %scan3A_525 : i32
      %tanh3A_527 = math.tanh %add3A_524 : vector<64x512xf32>
      %mul3A_528 = arith.constant 5.000000e-01 : f32
      %mul3A_529 = vector.broadcast %mul3A_528 : f32 to vector<64x512xf32>
      %mul3A_530 = arith.mulf %mul3A_529, %tanh3A_527 : vector<64x512xf32>
      %add3A_531 = arith.constant 5.000000e-01 : f32
      %add3A_532 = vector.broadcast %add3A_531 : f32 to vector<64x512xf32>
      %add3A_533 = arith.addf %mul3A_530, %add3A_532 : vector<64x512xf32>
      %slice3A_534 = vector.extract_strided_slice %add3A_533 {offsets = [0, 0], sizes = [64, 128], strides = [1, 1]} : vector<64x512xf32> to vector<64x128xf32>
      %slice3A_535 = vector.extract_strided_slice %add3A_533 {offsets = [0, 128], sizes = [64, 128], strides = [1, 1]} : vector<64x512xf32> to vector<64x128xf32>
      %slice3A_536 = vector.extract_strided_slice %tanh3A_527 {offsets = [0, 256], sizes = [64, 128], strides = [1, 1]} : vector<64x512xf32> to vector<64x128xf32>
      %slice3A_537 = vector.extract_strided_slice %add3A_533 {offsets = [0, 384], sizes = [64, 128], strides = [1, 1]} : vector<64x512xf32> to vector<64x128xf32>
      %mul3A_538 = arith.mulf %slice3A_535, %add3A_466 : vector<64x128xf32>
      %mul3A_539 = arith.mulf %slice3A_534, %slice3A_536 : vector<64x128xf32>
      %add3A_540 = arith.addf %mul3A_538, %mul3A_539 : vector<64x128xf32>
      %tanh3A_541 = math.tanh %add3A_540 : vector<64x128xf32>
      %mul3A_542 = arith.mulf %slice3A_537, %tanh3A_541 : vector<64x128xf32>
      %min3A_543 = arith.constant 79 : i32
      %min3A_544 = arith.minsi %scan3A_526, %min3A_543 : i32
      %mul3A_545 = arith.constant 128 : i32
      %mul3A_546 = arith.muli %min3A_544, %mul3A_545 : i32
      %get3A_547 = arith.index_cast %mul3A_546 : i32 to index
      %get3A_548 = arith.constant 0 : index
      %get3A_549 = vector.load %arg0[%get3A_547, %get3A_548] : memref<10240x128xf32, #tpu.memory_space<vmem>>, vector<64x128xf32>
      %concatenate3A_550 = tpu.concatenate %mul3A_502, %get3A_549 in 1 : vector<64x128xf32>, vector<64x128xf32> -> vector<64x256xf32>
      %get3A_551 = arith.constant 0 : index
      %get3A_552 = arith.constant 0 : index
      %get3A_553 = vector.load %arg1[%get3A_551, %get3A_552] : memref<256x512xf32, #tpu.memory_space<vmem>>, vector<256x512xf32>
      %dot_general3A_554 = arith.constant dense<0.000000e+00> : vector<64x512xf32>
      %dot_general3A_555 = tpu.matmul %concatenate3A_550, %get3A_553, %dot_general3A_554 {dimension_numbers = #tpu.dot_dimension_numbers<[1], [0], [0], [1], [0, 0, 1, 1], [], []>, transpose_lhs_hint = false} : vector<64x256xf32>, vector<256x512xf32>, vector<64x512xf32> -> vector<64x512xf32>
      %get3A_556 = arith.constant 0 : index
      %get3A_557 = arith.constant 0 : index
      %get3A_558 = vector.load %arg2[%get3A_556, %get3A_557] : memref<1x512xf32, #tpu.memory_space<vmem>>, vector<1x512xf32>
      %add3A_559 = vector.broadcast %get3A_558 : vector<1x512xf32> to vector<64x512xf32>
      %add3A_560 = arith.addf %dot_general3A_555, %add3A_559 : vector<64x512xf32>
      %tanh3A_561 = math.tanh %add3A_560 : vector<64x512xf32>
      %mul3A_562 = arith.constant 5.000000e-01 : f32
      %mul3A_563 = vector.broadcast %mul3A_562 : f32 to vector<64x512xf32>
      %mul3A_564 = arith.mulf %mul3A_563, %tanh3A_561 : vector<64x512xf32>
      %add3A_565 = arith.constant 5.000000e-01 : f32
      %add3A_566 = vector.broadcast %add3A_565 : f32 to vector<64x512xf32>
      %add3A_567 = arith.addf %mul3A_564, %add3A_566 : vector<64x512xf32>
      %slice3A_568 = vector.extract_strided_slice %add3A_567 {offsets = [0, 0], sizes = [64, 128], strides = [1, 1]} : vector<64x512xf32> to vector<64x128xf32>
      %slice3A_569 = vector.extract_strided_slice %add3A_567 {offsets = [0, 128], sizes = [64, 128], strides = [1, 1]} : vector<64x512xf32> to vector<64x128xf32>
      %slice3A_570 = vector.extract_strided_slice %tanh3A_561 {offsets = [0, 256], sizes = [64, 128], strides = [1, 1]} : vector<64x512xf32> to vector<64x128xf32>
      %slice3A_571 = vector.extract_strided_slice %add3A_567 {offsets = [0, 384], sizes = [64, 128], strides = [1, 1]} : vector<64x512xf32> to vector<64x128xf32>
      %mul3A_572 = arith.mulf %slice3A_569, %add3A_500 : vector<64x128xf32>
      %mul3A_573 = arith.mulf %slice3A_568, %slice3A_570 : vector<64x128xf32>
      %add3A_574 = arith.addf %mul3A_572, %mul3A_573 : vector<64x128xf32>
      %tanh3A_575 = math.tanh %add3A_574 : vector<64x128xf32>
      %mul3A_576 = arith.mulf %slice3A_571, %tanh3A_575 : vector<64x128xf32>
      %add3A_577 = arith.constant 1 : i32
      %add3A_578 = arith.addi %scan3A_526, %add3A_577 : i32
      %min3A_579 = arith.constant 79 : i32
      %min3A_580 = arith.minsi %add3A_578, %min3A_579 : i32
      %mul3A_581 = arith.constant 128 : i32
      %mul3A_582 = arith.muli %min3A_580, %mul3A_581 : i32
      %add3A_583 = arith.constant 64 : i32
      %add3A_584 = arith.addi %mul3A_582, %add3A_583 : i32
      %get3A_585 = arith.index_cast %add3A_584 : i32 to index
      %get3A_586 = arith.constant 0 : index
      %get3A_587 = vector.load %arg0[%get3A_585, %get3A_586] : memref<10240x128xf32, #tpu.memory_space<vmem>>, vector<64x128xf32>
      %concatenate3A_588 = tpu.concatenate %mul3A_542, %get3A_587 in 1 : vector<64x128xf32>, vector<64x128xf32> -> vector<64x256xf32>
      %get3A_589 = arith.constant 0 : index
      %get3A_590 = arith.constant 0 : index
      %get3A_591 = vector.load %arg1[%get3A_589, %get3A_590] : memref<256x512xf32, #tpu.memory_space<vmem>>, vector<256x512xf32>
      %dot_general3A_592 = arith.constant dense<0.000000e+00> : vector<64x512xf32>
      %dot_general3A_593 = tpu.matmul %concatenate3A_588, %get3A_591, %dot_general3A_592 {dimension_numbers = #tpu.dot_dimension_numbers<[1], [0], [0], [1], [0, 0, 1, 1], [], []>, transpose_lhs_hint = false} : vector<64x256xf32>, vector<256x512xf32>, vector<64x512xf32> -> vector<64x512xf32>
      %get3A_594 = arith.constant 0 : index
      %get3A_595 = arith.constant 0 : index
      %get3A_596 = vector.load %arg2[%get3A_594, %get3A_595] : memref<1x512xf32, #tpu.memory_space<vmem>>, vector<1x512xf32>
      %add3A_597 = vector.broadcast %get3A_596 : vector<1x512xf32> to vector<64x512xf32>
      %add3A_598 = arith.addf %dot_general3A_593, %add3A_597 : vector<64x512xf32>
      %scan3A_599 = arith.constant 7 : i32
      %scan3A_600 = arith.addi %scan3A_78, %scan3A_599 : i32
      %tanh3A_601 = math.tanh %add3A_598 : vector<64x512xf32>
      %mul3A_602 = arith.constant 5.000000e-01 : f32
      %mul3A_603 = vector.broadcast %mul3A_602 : f32 to vector<64x512xf32>
      %mul3A_604 = arith.mulf %mul3A_603, %tanh3A_601 : vector<64x512xf32>
      %add3A_605 = arith.constant 5.000000e-01 : f32
      %add3A_606 = vector.broadcast %add3A_605 : f32 to vector<64x512xf32>
      %add3A_607 = arith.addf %mul3A_604, %add3A_606 : vector<64x512xf32>
      %slice3A_608 = vector.extract_strided_slice %add3A_607 {offsets = [0, 0], sizes = [64, 128], strides = [1, 1]} : vector<64x512xf32> to vector<64x128xf32>
      %slice3A_609 = vector.extract_strided_slice %add3A_607 {offsets = [0, 128], sizes = [64, 128], strides = [1, 1]} : vector<64x512xf32> to vector<64x128xf32>
      %slice3A_610 = vector.extract_strided_slice %tanh3A_601 {offsets = [0, 256], sizes = [64, 128], strides = [1, 1]} : vector<64x512xf32> to vector<64x128xf32>
      %slice3A_611 = vector.extract_strided_slice %add3A_607 {offsets = [0, 384], sizes = [64, 128], strides = [1, 1]} : vector<64x512xf32> to vector<64x128xf32>
      %mul3A_612 = arith.mulf %slice3A_609, %add3A_540 : vector<64x128xf32>
      %mul3A_613 = arith.mulf %slice3A_608, %slice3A_610 : vector<64x128xf32>
      %add3A_614 = arith.addf %mul3A_612, %mul3A_613 : vector<64x128xf32>
      %tanh3A_615 = math.tanh %add3A_614 : vector<64x128xf32>
      %mul3A_616 = arith.mulf %slice3A_611, %tanh3A_615 : vector<64x128xf32>
      %min3A_617 = arith.constant 79 : i32
      %min3A_618 = arith.minsi %scan3A_600, %min3A_617 : i32
      %mul3A_619 = arith.constant 128 : i32
      %mul3A_620 = arith.muli %min3A_618, %mul3A_619 : i32
      %get3A_621 = arith.index_cast %mul3A_620 : i32 to index
      %get3A_622 = arith.constant 0 : index
      %get3A_623 = vector.load %arg0[%get3A_621, %get3A_622] : memref<10240x128xf32, #tpu.memory_space<vmem>>, vector<64x128xf32>
      %concatenate3A_624 = tpu.concatenate %mul3A_576, %get3A_623 in 1 : vector<64x128xf32>, vector<64x128xf32> -> vector<64x256xf32>
      %get3A_625 = arith.constant 0 : index
      %get3A_626 = arith.constant 0 : index
      %get3A_627 = vector.load %arg1[%get3A_625, %get3A_626] : memref<256x512xf32, #tpu.memory_space<vmem>>, vector<256x512xf32>
      %dot_general3A_628 = arith.constant dense<0.000000e+00> : vector<64x512xf32>
      %dot_general3A_629 = tpu.matmul %concatenate3A_624, %get3A_627, %dot_general3A_628 {dimension_numbers = #tpu.dot_dimension_numbers<[1], [0], [0], [1], [0, 0, 1, 1], [], []>, transpose_lhs_hint = false} : vector<64x256xf32>, vector<256x512xf32>, vector<64x512xf32> -> vector<64x512xf32>
      %get3A_630 = arith.constant 0 : index
      %get3A_631 = arith.constant 0 : index
      %get3A_632 = vector.load %arg2[%get3A_630, %get3A_631] : memref<1x512xf32, #tpu.memory_space<vmem>>, vector<1x512xf32>
      %add3A_633 = vector.broadcast %get3A_632 : vector<1x512xf32> to vector<64x512xf32>
      %add3A_634 = arith.addf %dot_general3A_629, %add3A_633 : vector<64x512xf32>
      %tanh3A_635 = math.tanh %add3A_634 : vector<64x512xf32>
      %mul3A_636 = arith.constant 5.000000e-01 : f32
      %mul3A_637 = vector.broadcast %mul3A_636 : f32 to vector<64x512xf32>
      %mul3A_638 = arith.mulf %mul3A_637, %tanh3A_635 : vector<64x512xf32>
      %add3A_639 = arith.constant 5.000000e-01 : f32
      %add3A_640 = vector.broadcast %add3A_639 : f32 to vector<64x512xf32>
      %add3A_641 = arith.addf %mul3A_638, %add3A_640 : vector<64x512xf32>
      %slice3A_642 = vector.extract_strided_slice %add3A_641 {offsets = [0, 0], sizes = [64, 128], strides = [1, 1]} : vector<64x512xf32> to vector<64x128xf32>
      %slice3A_643 = vector.extract_strided_slice %add3A_641 {offsets = [0, 128], sizes = [64, 128], strides = [1, 1]} : vector<64x512xf32> to vector<64x128xf32>
      %slice3A_644 = vector.extract_strided_slice %tanh3A_635 {offsets = [0, 256], sizes = [64, 128], strides = [1, 1]} : vector<64x512xf32> to vector<64x128xf32>
      %slice3A_645 = vector.extract_strided_slice %add3A_641 {offsets = [0, 384], sizes = [64, 128], strides = [1, 1]} : vector<64x512xf32> to vector<64x128xf32>
      %mul3A_646 = arith.mulf %slice3A_643, %add3A_574 : vector<64x128xf32>
      %mul3A_647 = arith.mulf %slice3A_642, %slice3A_644 : vector<64x128xf32>
      %add3A_648 = arith.addf %mul3A_646, %mul3A_647 : vector<64x128xf32>
      %tanh3A_649 = math.tanh %add3A_648 : vector<64x128xf32>
      %mul3A_650 = arith.mulf %slice3A_645, %tanh3A_649 : vector<64x128xf32>
      %add3A_651 = arith.constant 1 : i32
      %add3A_652 = arith.addi %scan3A_600, %add3A_651 : i32
      %min3A_653 = arith.constant 79 : i32
      %min3A_654 = arith.minsi %add3A_652, %min3A_653 : i32
      %mul3A_655 = arith.constant 128 : i32
      %mul3A_656 = arith.muli %min3A_654, %mul3A_655 : i32
      %add3A_657 = arith.constant 64 : i32
      %add3A_658 = arith.addi %mul3A_656, %add3A_657 : i32
      %get3A_659 = arith.index_cast %add3A_658 : i32 to index
      %get3A_660 = arith.constant 0 : index
      %get3A_661 = vector.load %arg0[%get3A_659, %get3A_660] : memref<10240x128xf32, #tpu.memory_space<vmem>>, vector<64x128xf32>
      %concatenate3A_662 = tpu.concatenate %mul3A_616, %get3A_661 in 1 : vector<64x128xf32>, vector<64x128xf32> -> vector<64x256xf32>
      %get3A_663 = arith.constant 0 : index
      %get3A_664 = arith.constant 0 : index
      %get3A_665 = vector.load %arg1[%get3A_663, %get3A_664] : memref<256x512xf32, #tpu.memory_space<vmem>>, vector<256x512xf32>
      %dot_general3A_666 = arith.constant dense<0.000000e+00> : vector<64x512xf32>
      %dot_general3A_667 = tpu.matmul %concatenate3A_662, %get3A_665, %dot_general3A_666 {dimension_numbers = #tpu.dot_dimension_numbers<[1], [0], [0], [1], [0, 0, 1, 1], [], []>, transpose_lhs_hint = false} : vector<64x256xf32>, vector<256x512xf32>, vector<64x512xf32> -> vector<64x512xf32>
      %get3A_668 = arith.constant 0 : index
      %get3A_669 = arith.constant 0 : index
      %get3A_670 = vector.load %arg2[%get3A_668, %get3A_669] : memref<1x512xf32, #tpu.memory_space<vmem>>, vector<1x512xf32>
      %add3A_671 = vector.broadcast %get3A_670 : vector<1x512xf32> to vector<64x512xf32>
      %add3A_672 = arith.addf %dot_general3A_667, %add3A_671 : vector<64x512xf32>
      %scan3A_673 = arith.constant 8 : i32
      %scan3A_674 = arith.addi %scan3A_78, %scan3A_673 : i32
      %tanh3A_675 = math.tanh %add3A_672 : vector<64x512xf32>
      %mul3A_676 = arith.constant 5.000000e-01 : f32
      %mul3A_677 = vector.broadcast %mul3A_676 : f32 to vector<64x512xf32>
      %mul3A_678 = arith.mulf %mul3A_677, %tanh3A_675 : vector<64x512xf32>
      %add3A_679 = arith.constant 5.000000e-01 : f32
      %add3A_680 = vector.broadcast %add3A_679 : f32 to vector<64x512xf32>
      %add3A_681 = arith.addf %mul3A_678, %add3A_680 : vector<64x512xf32>
      %slice3A_682 = vector.extract_strided_slice %add3A_681 {offsets = [0, 0], sizes = [64, 128], strides = [1, 1]} : vector<64x512xf32> to vector<64x128xf32>
      %slice3A_683 = vector.extract_strided_slice %add3A_681 {offsets = [0, 128], sizes = [64, 128], strides = [1, 1]} : vector<64x512xf32> to vector<64x128xf32>
      %slice3A_684 = vector.extract_strided_slice %tanh3A_675 {offsets = [0, 256], sizes = [64, 128], strides = [1, 1]} : vector<64x512xf32> to vector<64x128xf32>
      %slice3A_685 = vector.extract_strided_slice %add3A_681 {offsets = [0, 384], sizes = [64, 128], strides = [1, 1]} : vector<64x512xf32> to vector<64x128xf32>
      %mul3A_686 = arith.mulf %slice3A_683, %add3A_614 : vector<64x128xf32>
      %mul3A_687 = arith.mulf %slice3A_682, %slice3A_684 : vector<64x128xf32>
      %add3A_688 = arith.addf %mul3A_686, %mul3A_687 : vector<64x128xf32>
      %tanh3A_689 = math.tanh %add3A_688 : vector<64x128xf32>
      %mul3A_690 = arith.mulf %slice3A_685, %tanh3A_689 : vector<64x128xf32>
      %min3A_691 = arith.constant 79 : i32
      %min3A_692 = arith.minsi %scan3A_674, %min3A_691 : i32
      %mul3A_693 = arith.constant 128 : i32
      %mul3A_694 = arith.muli %min3A_692, %mul3A_693 : i32
      %get3A_695 = arith.index_cast %mul3A_694 : i32 to index
      %get3A_696 = arith.constant 0 : index
      %get3A_697 = vector.load %arg0[%get3A_695, %get3A_696] : memref<10240x128xf32, #tpu.memory_space<vmem>>, vector<64x128xf32>
      %concatenate3A_698 = tpu.concatenate %mul3A_650, %get3A_697 in 1 : vector<64x128xf32>, vector<64x128xf32> -> vector<64x256xf32>
      %get3A_699 = arith.constant 0 : index
      %get3A_700 = arith.constant 0 : index
      %get3A_701 = vector.load %arg1[%get3A_699, %get3A_700] : memref<256x512xf32, #tpu.memory_space<vmem>>, vector<256x512xf32>
      %dot_general3A_702 = arith.constant dense<0.000000e+00> : vector<64x512xf32>
      %dot_general3A_703 = tpu.matmul %concatenate3A_698, %get3A_701, %dot_general3A_702 {dimension_numbers = #tpu.dot_dimension_numbers<[1], [0], [0], [1], [0, 0, 1, 1], [], []>, transpose_lhs_hint = false} : vector<64x256xf32>, vector<256x512xf32>, vector<64x512xf32> -> vector<64x512xf32>
      %get3A_704 = arith.constant 0 : index
      %get3A_705 = arith.constant 0 : index
      %get3A_706 = vector.load %arg2[%get3A_704, %get3A_705] : memref<1x512xf32, #tpu.memory_space<vmem>>, vector<1x512xf32>
      %add3A_707 = vector.broadcast %get3A_706 : vector<1x512xf32> to vector<64x512xf32>
      %add3A_708 = arith.addf %dot_general3A_703, %add3A_707 : vector<64x512xf32>
      %tanh3A_709 = math.tanh %add3A_708 : vector<64x512xf32>
      %mul3A_710 = arith.constant 5.000000e-01 : f32
      %mul3A_711 = vector.broadcast %mul3A_710 : f32 to vector<64x512xf32>
      %mul3A_712 = arith.mulf %mul3A_711, %tanh3A_709 : vector<64x512xf32>
      %add3A_713 = arith.constant 5.000000e-01 : f32
      %add3A_714 = vector.broadcast %add3A_713 : f32 to vector<64x512xf32>
      %add3A_715 = arith.addf %mul3A_712, %add3A_714 : vector<64x512xf32>
      %slice3A_716 = vector.extract_strided_slice %add3A_715 {offsets = [0, 0], sizes = [64, 128], strides = [1, 1]} : vector<64x512xf32> to vector<64x128xf32>
      %slice3A_717 = vector.extract_strided_slice %add3A_715 {offsets = [0, 128], sizes = [64, 128], strides = [1, 1]} : vector<64x512xf32> to vector<64x128xf32>
      %slice3A_718 = vector.extract_strided_slice %tanh3A_709 {offsets = [0, 256], sizes = [64, 128], strides = [1, 1]} : vector<64x512xf32> to vector<64x128xf32>
      %slice3A_719 = vector.extract_strided_slice %add3A_715 {offsets = [0, 384], sizes = [64, 128], strides = [1, 1]} : vector<64x512xf32> to vector<64x128xf32>
      %mul3A_720 = arith.mulf %slice3A_717, %add3A_648 : vector<64x128xf32>
      %mul3A_721 = arith.mulf %slice3A_716, %slice3A_718 : vector<64x128xf32>
      %add3A_722 = arith.addf %mul3A_720, %mul3A_721 : vector<64x128xf32>
      %tanh3A_723 = math.tanh %add3A_722 : vector<64x128xf32>
      %mul3A_724 = arith.mulf %slice3A_719, %tanh3A_723 : vector<64x128xf32>
      %add3A_725 = arith.constant 1 : i32
      %add3A_726 = arith.addi %scan3A_674, %add3A_725 : i32
      %min3A_727 = arith.constant 79 : i32
      %min3A_728 = arith.minsi %add3A_726, %min3A_727 : i32
      %mul3A_729 = arith.constant 128 : i32
      %mul3A_730 = arith.muli %min3A_728, %mul3A_729 : i32
      %add3A_731 = arith.constant 64 : i32
      %add3A_732 = arith.addi %mul3A_730, %add3A_731 : i32
      %get3A_733 = arith.index_cast %add3A_732 : i32 to index
      %get3A_734 = arith.constant 0 : index
      %get3A_735 = vector.load %arg0[%get3A_733, %get3A_734] : memref<10240x128xf32, #tpu.memory_space<vmem>>, vector<64x128xf32>
      %concatenate3A_736 = tpu.concatenate %mul3A_690, %get3A_735 in 1 : vector<64x128xf32>, vector<64x128xf32> -> vector<64x256xf32>
      %get3A_737 = arith.constant 0 : index
      %get3A_738 = arith.constant 0 : index
      %get3A_739 = vector.load %arg1[%get3A_737, %get3A_738] : memref<256x512xf32, #tpu.memory_space<vmem>>, vector<256x512xf32>
      %dot_general3A_740 = arith.constant dense<0.000000e+00> : vector<64x512xf32>
      %dot_general3A_741 = tpu.matmul %concatenate3A_736, %get3A_739, %dot_general3A_740 {dimension_numbers = #tpu.dot_dimension_numbers<[1], [0], [0], [1], [0, 0, 1, 1], [], []>, transpose_lhs_hint = false} : vector<64x256xf32>, vector<256x512xf32>, vector<64x512xf32> -> vector<64x512xf32>
      %get3A_742 = arith.constant 0 : index
      %get3A_743 = arith.constant 0 : index
      %get3A_744 = vector.load %arg2[%get3A_742, %get3A_743] : memref<1x512xf32, #tpu.memory_space<vmem>>, vector<1x512xf32>
      %add3A_745 = vector.broadcast %get3A_744 : vector<1x512xf32> to vector<64x512xf32>
      %add3A_746 = arith.addf %dot_general3A_741, %add3A_745 : vector<64x512xf32>
      %scan3A_747 = arith.constant 9 : i32
      %scan3A_748 = arith.addi %scan3A_78, %scan3A_747 : i32
      %tanh3A_749 = math.tanh %add3A_746 : vector<64x512xf32>
      %mul3A_750 = arith.constant 5.000000e-01 : f32
      %mul3A_751 = vector.broadcast %mul3A_750 : f32 to vector<64x512xf32>
      %mul3A_752 = arith.mulf %mul3A_751, %tanh3A_749 : vector<64x512xf32>
      %add3A_753 = arith.constant 5.000000e-01 : f32
      %add3A_754 = vector.broadcast %add3A_753 : f32 to vector<64x512xf32>
      %add3A_755 = arith.addf %mul3A_752, %add3A_754 : vector<64x512xf32>
      %slice3A_756 = vector.extract_strided_slice %add3A_755 {offsets = [0, 0], sizes = [64, 128], strides = [1, 1]} : vector<64x512xf32> to vector<64x128xf32>
      %slice3A_757 = vector.extract_strided_slice %add3A_755 {offsets = [0, 128], sizes = [64, 128], strides = [1, 1]} : vector<64x512xf32> to vector<64x128xf32>
      %slice3A_758 = vector.extract_strided_slice %tanh3A_749 {offsets = [0, 256], sizes = [64, 128], strides = [1, 1]} : vector<64x512xf32> to vector<64x128xf32>
      %slice3A_759 = vector.extract_strided_slice %add3A_755 {offsets = [0, 384], sizes = [64, 128], strides = [1, 1]} : vector<64x512xf32> to vector<64x128xf32>
      %mul3A_760 = arith.mulf %slice3A_757, %add3A_688 : vector<64x128xf32>
      %mul3A_761 = arith.mulf %slice3A_756, %slice3A_758 : vector<64x128xf32>
      %add3A_762 = arith.addf %mul3A_760, %mul3A_761 : vector<64x128xf32>
      %tanh3A_763 = math.tanh %add3A_762 : vector<64x128xf32>
      %mul3A_764 = arith.mulf %slice3A_759, %tanh3A_763 : vector<64x128xf32>
      %min3A_765 = arith.constant 79 : i32
      %min3A_766 = arith.minsi %scan3A_748, %min3A_765 : i32
      %mul3A_767 = arith.constant 128 : i32
      %mul3A_768 = arith.muli %min3A_766, %mul3A_767 : i32
      %get3A_769 = arith.index_cast %mul3A_768 : i32 to index
      %get3A_770 = arith.constant 0 : index
      %get3A_771 = vector.load %arg0[%get3A_769, %get3A_770] : memref<10240x128xf32, #tpu.memory_space<vmem>>, vector<64x128xf32>
      %concatenate3A_772 = tpu.concatenate %mul3A_724, %get3A_771 in 1 : vector<64x128xf32>, vector<64x128xf32> -> vector<64x256xf32>
      %get3A_773 = arith.constant 0 : index
      %get3A_774 = arith.constant 0 : index
      %get3A_775 = vector.load %arg1[%get3A_773, %get3A_774] : memref<256x512xf32, #tpu.memory_space<vmem>>, vector<256x512xf32>
      %dot_general3A_776 = arith.constant dense<0.000000e+00> : vector<64x512xf32>
      %dot_general3A_777 = tpu.matmul %concatenate3A_772, %get3A_775, %dot_general3A_776 {dimension_numbers = #tpu.dot_dimension_numbers<[1], [0], [0], [1], [0, 0, 1, 1], [], []>, transpose_lhs_hint = false} : vector<64x256xf32>, vector<256x512xf32>, vector<64x512xf32> -> vector<64x512xf32>
      %get3A_778 = arith.constant 0 : index
      %get3A_779 = arith.constant 0 : index
      %get3A_780 = vector.load %arg2[%get3A_778, %get3A_779] : memref<1x512xf32, #tpu.memory_space<vmem>>, vector<1x512xf32>
      %add3A_781 = vector.broadcast %get3A_780 : vector<1x512xf32> to vector<64x512xf32>
      %add3A_782 = arith.addf %dot_general3A_777, %add3A_781 : vector<64x512xf32>
      %tanh3A_783 = math.tanh %add3A_782 : vector<64x512xf32>
      %mul3A_784 = arith.constant 5.000000e-01 : f32
      %mul3A_785 = vector.broadcast %mul3A_784 : f32 to vector<64x512xf32>
      %mul3A_786 = arith.mulf %mul3A_785, %tanh3A_783 : vector<64x512xf32>
      %add3A_787 = arith.constant 5.000000e-01 : f32
      %add3A_788 = vector.broadcast %add3A_787 : f32 to vector<64x512xf32>
      %add3A_789 = arith.addf %mul3A_786, %add3A_788 : vector<64x512xf32>
      %slice3A_790 = vector.extract_strided_slice %add3A_789 {offsets = [0, 0], sizes = [64, 128], strides = [1, 1]} : vector<64x512xf32> to vector<64x128xf32>
      %slice3A_791 = vector.extract_strided_slice %add3A_789 {offsets = [0, 128], sizes = [64, 128], strides = [1, 1]} : vector<64x512xf32> to vector<64x128xf32>
      %slice3A_792 = vector.extract_strided_slice %tanh3A_783 {offsets = [0, 256], sizes = [64, 128], strides = [1, 1]} : vector<64x512xf32> to vector<64x128xf32>
      %slice3A_793 = vector.extract_strided_slice %add3A_789 {offsets = [0, 384], sizes = [64, 128], strides = [1, 1]} : vector<64x512xf32> to vector<64x128xf32>
      %mul3A_794 = arith.mulf %slice3A_791, %add3A_722 : vector<64x128xf32>
      %mul3A_795 = arith.mulf %slice3A_790, %slice3A_792 : vector<64x128xf32>
      %add3A_796 = arith.addf %mul3A_794, %mul3A_795 : vector<64x128xf32>
      %tanh3A_797 = math.tanh %add3A_796 : vector<64x128xf32>
      %mul3A_798 = arith.mulf %slice3A_793, %tanh3A_797 : vector<64x128xf32>
      %add3A_799 = arith.constant 1 : i32
      %add3A_800 = arith.addi %scan3A_748, %add3A_799 : i32
      %min3A_801 = arith.constant 79 : i32
      %min3A_802 = arith.minsi %add3A_800, %min3A_801 : i32
      %mul3A_803 = arith.constant 128 : i32
      %mul3A_804 = arith.muli %min3A_802, %mul3A_803 : i32
      %add3A_805 = arith.constant 64 : i32
      %add3A_806 = arith.addi %mul3A_804, %add3A_805 : i32
      %get3A_807 = arith.index_cast %add3A_806 : i32 to index
      %get3A_808 = arith.constant 0 : index
      %get3A_809 = vector.load %arg0[%get3A_807, %get3A_808] : memref<10240x128xf32, #tpu.memory_space<vmem>>, vector<64x128xf32>
      %concatenate3A_810 = tpu.concatenate %mul3A_764, %get3A_809 in 1 : vector<64x128xf32>, vector<64x128xf32> -> vector<64x256xf32>
      %get3A_811 = arith.constant 0 : index
      %get3A_812 = arith.constant 0 : index
      %get3A_813 = vector.load %arg1[%get3A_811, %get3A_812] : memref<256x512xf32, #tpu.memory_space<vmem>>, vector<256x512xf32>
      %dot_general3A_814 = arith.constant dense<0.000000e+00> : vector<64x512xf32>
      %dot_general3A_815 = tpu.matmul %concatenate3A_810, %get3A_813, %dot_general3A_814 {dimension_numbers = #tpu.dot_dimension_numbers<[1], [0], [0], [1], [0, 0, 1, 1], [], []>, transpose_lhs_hint = false} : vector<64x256xf32>, vector<256x512xf32>, vector<64x512xf32> -> vector<64x512xf32>
      %get3A_816 = arith.constant 0 : index
      %get3A_817 = arith.constant 0 : index
      %get3A_818 = vector.load %arg2[%get3A_816, %get3A_817] : memref<1x512xf32, #tpu.memory_space<vmem>>, vector<1x512xf32>
      %add3A_819 = vector.broadcast %get3A_818 : vector<1x512xf32> to vector<64x512xf32>
      %add3A_820 = arith.addf %dot_general3A_815, %add3A_819 : vector<64x512xf32>
      %scan3A_821 = arith.constant 10 : i32
      %scan3A_822 = arith.addi %scan3A_78, %scan3A_821 : i32
      %tanh3A_823 = math.tanh %add3A_820 : vector<64x512xf32>
      %mul3A_824 = arith.constant 5.000000e-01 : f32
      %mul3A_825 = vector.broadcast %mul3A_824 : f32 to vector<64x512xf32>
      %mul3A_826 = arith.mulf %mul3A_825, %tanh3A_823 : vector<64x512xf32>
      %add3A_827 = arith.constant 5.000000e-01 : f32
      %add3A_828 = vector.broadcast %add3A_827 : f32 to vector<64x512xf32>
      %add3A_829 = arith.addf %mul3A_826, %add3A_828 : vector<64x512xf32>
      %slice3A_830 = vector.extract_strided_slice %add3A_829 {offsets = [0, 0], sizes = [64, 128], strides = [1, 1]} : vector<64x512xf32> to vector<64x128xf32>
      %slice3A_831 = vector.extract_strided_slice %add3A_829 {offsets = [0, 128], sizes = [64, 128], strides = [1, 1]} : vector<64x512xf32> to vector<64x128xf32>
      %slice3A_832 = vector.extract_strided_slice %tanh3A_823 {offsets = [0, 256], sizes = [64, 128], strides = [1, 1]} : vector<64x512xf32> to vector<64x128xf32>
      %slice3A_833 = vector.extract_strided_slice %add3A_829 {offsets = [0, 384], sizes = [64, 128], strides = [1, 1]} : vector<64x512xf32> to vector<64x128xf32>
      %mul3A_834 = arith.mulf %slice3A_831, %add3A_762 : vector<64x128xf32>
      %mul3A_835 = arith.mulf %slice3A_830, %slice3A_832 : vector<64x128xf32>
      %add3A_836 = arith.addf %mul3A_834, %mul3A_835 : vector<64x128xf32>
      %tanh3A_837 = math.tanh %add3A_836 : vector<64x128xf32>
      %mul3A_838 = arith.mulf %slice3A_833, %tanh3A_837 : vector<64x128xf32>
      %min3A_839 = arith.constant 79 : i32
      %min3A_840 = arith.minsi %scan3A_822, %min3A_839 : i32
      %mul3A_841 = arith.constant 128 : i32
      %mul3A_842 = arith.muli %min3A_840, %mul3A_841 : i32
      %get3A_843 = arith.index_cast %mul3A_842 : i32 to index
      %get3A_844 = arith.constant 0 : index
      %get3A_845 = vector.load %arg0[%get3A_843, %get3A_844] : memref<10240x128xf32, #tpu.memory_space<vmem>>, vector<64x128xf32>
      %concatenate3A_846 = tpu.concatenate %mul3A_798, %get3A_845 in 1 : vector<64x128xf32>, vector<64x128xf32> -> vector<64x256xf32>
      %get3A_847 = arith.constant 0 : index
      %get3A_848 = arith.constant 0 : index
      %get3A_849 = vector.load %arg1[%get3A_847, %get3A_848] : memref<256x512xf32, #tpu.memory_space<vmem>>, vector<256x512xf32>
      %dot_general3A_850 = arith.constant dense<0.000000e+00> : vector<64x512xf32>
      %dot_general3A_851 = tpu.matmul %concatenate3A_846, %get3A_849, %dot_general3A_850 {dimension_numbers = #tpu.dot_dimension_numbers<[1], [0], [0], [1], [0, 0, 1, 1], [], []>, transpose_lhs_hint = false} : vector<64x256xf32>, vector<256x512xf32>, vector<64x512xf32> -> vector<64x512xf32>
      %get3A_852 = arith.constant 0 : index
      %get3A_853 = arith.constant 0 : index
      %get3A_854 = vector.load %arg2[%get3A_852, %get3A_853] : memref<1x512xf32, #tpu.memory_space<vmem>>, vector<1x512xf32>
      %add3A_855 = vector.broadcast %get3A_854 : vector<1x512xf32> to vector<64x512xf32>
      %add3A_856 = arith.addf %dot_general3A_851, %add3A_855 : vector<64x512xf32>
      %tanh3A_857 = math.tanh %add3A_856 : vector<64x512xf32>
      %mul3A_858 = arith.constant 5.000000e-01 : f32
      %mul3A_859 = vector.broadcast %mul3A_858 : f32 to vector<64x512xf32>
      %mul3A_860 = arith.mulf %mul3A_859, %tanh3A_857 : vector<64x512xf32>
      %add3A_861 = arith.constant 5.000000e-01 : f32
      %add3A_862 = vector.broadcast %add3A_861 : f32 to vector<64x512xf32>
      %add3A_863 = arith.addf %mul3A_860, %add3A_862 : vector<64x512xf32>
      %slice3A_864 = vector.extract_strided_slice %add3A_863 {offsets = [0, 0], sizes = [64, 128], strides = [1, 1]} : vector<64x512xf32> to vector<64x128xf32>
      %slice3A_865 = vector.extract_strided_slice %add3A_863 {offsets = [0, 128], sizes = [64, 128], strides = [1, 1]} : vector<64x512xf32> to vector<64x128xf32>
      %slice3A_866 = vector.extract_strided_slice %tanh3A_857 {offsets = [0, 256], sizes = [64, 128], strides = [1, 1]} : vector<64x512xf32> to vector<64x128xf32>
      %slice3A_867 = vector.extract_strided_slice %add3A_863 {offsets = [0, 384], sizes = [64, 128], strides = [1, 1]} : vector<64x512xf32> to vector<64x128xf32>
      %mul3A_868 = arith.mulf %slice3A_865, %add3A_796 : vector<64x128xf32>
      %mul3A_869 = arith.mulf %slice3A_864, %slice3A_866 : vector<64x128xf32>
      %add3A_870 = arith.addf %mul3A_868, %mul3A_869 : vector<64x128xf32>
      %tanh3A_871 = math.tanh %add3A_870 : vector<64x128xf32>
      %mul3A_872 = arith.mulf %slice3A_867, %tanh3A_871 : vector<64x128xf32>
      %add3A_873 = arith.constant 1 : i32
      %add3A_874 = arith.addi %scan3A_822, %add3A_873 : i32
      %min3A_875 = arith.constant 79 : i32
      %min3A_876 = arith.minsi %add3A_874, %min3A_875 : i32
      %mul3A_877 = arith.constant 128 : i32
      %mul3A_878 = arith.muli %min3A_876, %mul3A_877 : i32
      %add3A_879 = arith.constant 64 : i32
      %add3A_880 = arith.addi %mul3A_878, %add3A_879 : i32
      %get3A_881 = arith.index_cast %add3A_880 : i32 to index
      %get3A_882 = arith.constant 0 : index
      %get3A_883 = vector.load %arg0[%get3A_881, %get3A_882] : memref<10240x128xf32, #tpu.memory_space<vmem>>, vector<64x128xf32>
      %concatenate3A_884 = tpu.concatenate %mul3A_838, %get3A_883 in 1 : vector<64x128xf32>, vector<64x128xf32> -> vector<64x256xf32>
      %get3A_885 = arith.constant 0 : index
      %get3A_886 = arith.constant 0 : index
      %get3A_887 = vector.load %arg1[%get3A_885, %get3A_886] : memref<256x512xf32, #tpu.memory_space<vmem>>, vector<256x512xf32>
      %dot_general3A_888 = arith.constant dense<0.000000e+00> : vector<64x512xf32>
      %dot_general3A_889 = tpu.matmul %concatenate3A_884, %get3A_887, %dot_general3A_888 {dimension_numbers = #tpu.dot_dimension_numbers<[1], [0], [0], [1], [0, 0, 1, 1], [], []>, transpose_lhs_hint = false} : vector<64x256xf32>, vector<256x512xf32>, vector<64x512xf32> -> vector<64x512xf32>
      %get3A_890 = arith.constant 0 : index
      %get3A_891 = arith.constant 0 : index
      %get3A_892 = vector.load %arg2[%get3A_890, %get3A_891] : memref<1x512xf32, #tpu.memory_space<vmem>>, vector<1x512xf32>
      %add3A_893 = vector.broadcast %get3A_892 : vector<1x512xf32> to vector<64x512xf32>
      %add3A_894 = arith.addf %dot_general3A_889, %add3A_893 : vector<64x512xf32>
      %scan3A_895 = arith.constant 11 : i32
      %scan3A_896 = arith.addi %scan3A_78, %scan3A_895 : i32
      %tanh3A_897 = math.tanh %add3A_894 : vector<64x512xf32>
      %mul3A_898 = arith.constant 5.000000e-01 : f32
      %mul3A_899 = vector.broadcast %mul3A_898 : f32 to vector<64x512xf32>
      %mul3A_900 = arith.mulf %mul3A_899, %tanh3A_897 : vector<64x512xf32>
      %add3A_901 = arith.constant 5.000000e-01 : f32
      %add3A_902 = vector.broadcast %add3A_901 : f32 to vector<64x512xf32>
      %add3A_903 = arith.addf %mul3A_900, %add3A_902 : vector<64x512xf32>
      %slice3A_904 = vector.extract_strided_slice %add3A_903 {offsets = [0, 0], sizes = [64, 128], strides = [1, 1]} : vector<64x512xf32> to vector<64x128xf32>
      %slice3A_905 = vector.extract_strided_slice %add3A_903 {offsets = [0, 128], sizes = [64, 128], strides = [1, 1]} : vector<64x512xf32> to vector<64x128xf32>
      %slice3A_906 = vector.extract_strided_slice %tanh3A_897 {offsets = [0, 256], sizes = [64, 128], strides = [1, 1]} : vector<64x512xf32> to vector<64x128xf32>
      %slice3A_907 = vector.extract_strided_slice %add3A_903 {offsets = [0, 384], sizes = [64, 128], strides = [1, 1]} : vector<64x512xf32> to vector<64x128xf32>
      %mul3A_908 = arith.mulf %slice3A_905, %add3A_836 : vector<64x128xf32>
      %mul3A_909 = arith.mulf %slice3A_904, %slice3A_906 : vector<64x128xf32>
      %add3A_910 = arith.addf %mul3A_908, %mul3A_909 : vector<64x128xf32>
      %tanh3A_911 = math.tanh %add3A_910 : vector<64x128xf32>
      %mul3A_912 = arith.mulf %slice3A_907, %tanh3A_911 : vector<64x128xf32>
      %min3A_913 = arith.constant 79 : i32
      %min3A_914 = arith.minsi %scan3A_896, %min3A_913 : i32
      %mul3A_915 = arith.constant 128 : i32
      %mul3A_916 = arith.muli %min3A_914, %mul3A_915 : i32
      %get3A_917 = arith.index_cast %mul3A_916 : i32 to index
      %get3A_918 = arith.constant 0 : index
      %get3A_919 = vector.load %arg0[%get3A_917, %get3A_918] : memref<10240x128xf32, #tpu.memory_space<vmem>>, vector<64x128xf32>
      %concatenate3A_920 = tpu.concatenate %mul3A_872, %get3A_919 in 1 : vector<64x128xf32>, vector<64x128xf32> -> vector<64x256xf32>
      %get3A_921 = arith.constant 0 : index
      %get3A_922 = arith.constant 0 : index
      %get3A_923 = vector.load %arg1[%get3A_921, %get3A_922] : memref<256x512xf32, #tpu.memory_space<vmem>>, vector<256x512xf32>
      %dot_general3A_924 = arith.constant dense<0.000000e+00> : vector<64x512xf32>
      %dot_general3A_925 = tpu.matmul %concatenate3A_920, %get3A_923, %dot_general3A_924 {dimension_numbers = #tpu.dot_dimension_numbers<[1], [0], [0], [1], [0, 0, 1, 1], [], []>, transpose_lhs_hint = false} : vector<64x256xf32>, vector<256x512xf32>, vector<64x512xf32> -> vector<64x512xf32>
      %get3A_926 = arith.constant 0 : index
      %get3A_927 = arith.constant 0 : index
      %get3A_928 = vector.load %arg2[%get3A_926, %get3A_927] : memref<1x512xf32, #tpu.memory_space<vmem>>, vector<1x512xf32>
      %add3A_929 = vector.broadcast %get3A_928 : vector<1x512xf32> to vector<64x512xf32>
      %add3A_930 = arith.addf %dot_general3A_925, %add3A_929 : vector<64x512xf32>
      %tanh3A_931 = math.tanh %add3A_930 : vector<64x512xf32>
      %mul3A_932 = arith.constant 5.000000e-01 : f32
      %mul3A_933 = vector.broadcast %mul3A_932 : f32 to vector<64x512xf32>
      %mul3A_934 = arith.mulf %mul3A_933, %tanh3A_931 : vector<64x512xf32>
      %add3A_935 = arith.constant 5.000000e-01 : f32
      %add3A_936 = vector.broadcast %add3A_935 : f32 to vector<64x512xf32>
      %add3A_937 = arith.addf %mul3A_934, %add3A_936 : vector<64x512xf32>
      %slice3A_938 = vector.extract_strided_slice %add3A_937 {offsets = [0, 0], sizes = [64, 128], strides = [1, 1]} : vector<64x512xf32> to vector<64x128xf32>
      %slice3A_939 = vector.extract_strided_slice %add3A_937 {offsets = [0, 128], sizes = [64, 128], strides = [1, 1]} : vector<64x512xf32> to vector<64x128xf32>
      %slice3A_940 = vector.extract_strided_slice %tanh3A_931 {offsets = [0, 256], sizes = [64, 128], strides = [1, 1]} : vector<64x512xf32> to vector<64x128xf32>
      %slice3A_941 = vector.extract_strided_slice %add3A_937 {offsets = [0, 384], sizes = [64, 128], strides = [1, 1]} : vector<64x512xf32> to vector<64x128xf32>
      %mul3A_942 = arith.mulf %slice3A_939, %add3A_870 : vector<64x128xf32>
      %mul3A_943 = arith.mulf %slice3A_938, %slice3A_940 : vector<64x128xf32>
      %add3A_944 = arith.addf %mul3A_942, %mul3A_943 : vector<64x128xf32>
      %tanh3A_945 = math.tanh %add3A_944 : vector<64x128xf32>
      %mul3A_946 = arith.mulf %slice3A_941, %tanh3A_945 : vector<64x128xf32>
      %add3A_947 = arith.constant 1 : i32
      %add3A_948 = arith.addi %scan3A_896, %add3A_947 : i32
      %min3A_949 = arith.constant 79 : i32
      %min3A_950 = arith.minsi %add3A_948, %min3A_949 : i32
      %mul3A_951 = arith.constant 128 : i32
      %mul3A_952 = arith.muli %min3A_950, %mul3A_951 : i32
      %add3A_953 = arith.constant 64 : i32
      %add3A_954 = arith.addi %mul3A_952, %add3A_953 : i32
      %get3A_955 = arith.index_cast %add3A_954 : i32 to index
      %get3A_956 = arith.constant 0 : index
      %get3A_957 = vector.load %arg0[%get3A_955, %get3A_956] : memref<10240x128xf32, #tpu.memory_space<vmem>>, vector<64x128xf32>
      %concatenate3A_958 = tpu.concatenate %mul3A_912, %get3A_957 in 1 : vector<64x128xf32>, vector<64x128xf32> -> vector<64x256xf32>
      %get3A_959 = arith.constant 0 : index
      %get3A_960 = arith.constant 0 : index
      %get3A_961 = vector.load %arg1[%get3A_959, %get3A_960] : memref<256x512xf32, #tpu.memory_space<vmem>>, vector<256x512xf32>
      %dot_general3A_962 = arith.constant dense<0.000000e+00> : vector<64x512xf32>
      %dot_general3A_963 = tpu.matmul %concatenate3A_958, %get3A_961, %dot_general3A_962 {dimension_numbers = #tpu.dot_dimension_numbers<[1], [0], [0], [1], [0, 0, 1, 1], [], []>, transpose_lhs_hint = false} : vector<64x256xf32>, vector<256x512xf32>, vector<64x512xf32> -> vector<64x512xf32>
      %get3A_964 = arith.constant 0 : index
      %get3A_965 = arith.constant 0 : index
      %get3A_966 = vector.load %arg2[%get3A_964, %get3A_965] : memref<1x512xf32, #tpu.memory_space<vmem>>, vector<1x512xf32>
      %add3A_967 = vector.broadcast %get3A_966 : vector<1x512xf32> to vector<64x512xf32>
      %add3A_968 = arith.addf %dot_general3A_963, %add3A_967 : vector<64x512xf32>
      %scan3A_969 = arith.constant 12 : i32
      %scan3A_970 = arith.addi %scan3A_78, %scan3A_969 : i32
      %tanh3A_971 = math.tanh %add3A_968 : vector<64x512xf32>
      %mul3A_972 = arith.constant 5.000000e-01 : f32
      %mul3A_973 = vector.broadcast %mul3A_972 : f32 to vector<64x512xf32>
      %mul3A_974 = arith.mulf %mul3A_973, %tanh3A_971 : vector<64x512xf32>
      %add3A_975 = arith.constant 5.000000e-01 : f32
      %add3A_976 = vector.broadcast %add3A_975 : f32 to vector<64x512xf32>
      %add3A_977 = arith.addf %mul3A_974, %add3A_976 : vector<64x512xf32>
      %slice3A_978 = vector.extract_strided_slice %add3A_977 {offsets = [0, 0], sizes = [64, 128], strides = [1, 1]} : vector<64x512xf32> to vector<64x128xf32>
      %slice3A_979 = vector.extract_strided_slice %add3A_977 {offsets = [0, 128], sizes = [64, 128], strides = [1, 1]} : vector<64x512xf32> to vector<64x128xf32>
      %slice3A_980 = vector.extract_strided_slice %tanh3A_971 {offsets = [0, 256], sizes = [64, 128], strides = [1, 1]} : vector<64x512xf32> to vector<64x128xf32>
      %slice3A_981 = vector.extract_strided_slice %add3A_977 {offsets = [0, 384], sizes = [64, 128], strides = [1, 1]} : vector<64x512xf32> to vector<64x128xf32>
      %mul3A_982 = arith.mulf %slice3A_979, %add3A_910 : vector<64x128xf32>
      %mul3A_983 = arith.mulf %slice3A_978, %slice3A_980 : vector<64x128xf32>
      %add3A_984 = arith.addf %mul3A_982, %mul3A_983 : vector<64x128xf32>
      %tanh3A_985 = math.tanh %add3A_984 : vector<64x128xf32>
      %mul3A_986 = arith.mulf %slice3A_981, %tanh3A_985 : vector<64x128xf32>
      %min3A_987 = arith.constant 79 : i32
      %min3A_988 = arith.minsi %scan3A_970, %min3A_987 : i32
      %mul3A_989 = arith.constant 128 : i32
      %mul3A_990 = arith.muli %min3A_988, %mul3A_989 : i32
      %get3A_991 = arith.index_cast %mul3A_990 : i32 to index
      %get3A_992 = arith.constant 0 : index
      %get3A_993 = vector.load %arg0[%get3A_991, %get3A_992] : memref<10240x128xf32, #tpu.memory_space<vmem>>, vector<64x128xf32>
      %concatenate3A_994 = tpu.concatenate %mul3A_946, %get3A_993 in 1 : vector<64x128xf32>, vector<64x128xf32> -> vector<64x256xf32>
      %get3A_995 = arith.constant 0 : index
      %get3A_996 = arith.constant 0 : index
      %get3A_997 = vector.load %arg1[%get3A_995, %get3A_996] : memref<256x512xf32, #tpu.memory_space<vmem>>, vector<256x512xf32>
      %dot_general3A_998 = arith.constant dense<0.000000e+00> : vector<64x512xf32>
      %dot_general3A_999 = tpu.matmul %concatenate3A_994, %get3A_997, %dot_general3A_998 {dimension_numbers = #tpu.dot_dimension_numbers<[1], [0], [0], [1], [0, 0, 1, 1], [], []>, transpose_lhs_hint = false} : vector<64x256xf32>, vector<256x512xf32>, vector<64x512xf32> -> vector<64x512xf32>
      %get3A_1000 = arith.constant 0 : index
      %get3A_1001 = arith.constant 0 : index
      %get3A_1002 = vector.load %arg2[%get3A_1000, %get3A_1001] : memref<1x512xf32, #tpu.memory_space<vmem>>, vector<1x512xf32>
      %add3A_1003 = vector.broadcast %get3A_1002 : vector<1x512xf32> to vector<64x512xf32>
      %add3A_1004 = arith.addf %dot_general3A_999, %add3A_1003 : vector<64x512xf32>
      %tanh3A_1005 = math.tanh %add3A_1004 : vector<64x512xf32>
      %mul3A_1006 = arith.constant 5.000000e-01 : f32
      %mul3A_1007 = vector.broadcast %mul3A_1006 : f32 to vector<64x512xf32>
      %mul3A_1008 = arith.mulf %mul3A_1007, %tanh3A_1005 : vector<64x512xf32>
      %add3A_1009 = arith.constant 5.000000e-01 : f32
      %add3A_1010 = vector.broadcast %add3A_1009 : f32 to vector<64x512xf32>
      %add3A_1011 = arith.addf %mul3A_1008, %add3A_1010 : vector<64x512xf32>
      %slice3A_1012 = vector.extract_strided_slice %add3A_1011 {offsets = [0, 0], sizes = [64, 128], strides = [1, 1]} : vector<64x512xf32> to vector<64x128xf32>
      %slice3A_1013 = vector.extract_strided_slice %add3A_1011 {offsets = [0, 128], sizes = [64, 128], strides = [1, 1]} : vector<64x512xf32> to vector<64x128xf32>
      %slice3A_1014 = vector.extract_strided_slice %tanh3A_1005 {offsets = [0, 256], sizes = [64, 128], strides = [1, 1]} : vector<64x512xf32> to vector<64x128xf32>
      %slice3A_1015 = vector.extract_strided_slice %add3A_1011 {offsets = [0, 384], sizes = [64, 128], strides = [1, 1]} : vector<64x512xf32> to vector<64x128xf32>
      %mul3A_1016 = arith.mulf %slice3A_1013, %add3A_944 : vector<64x128xf32>
      %mul3A_1017 = arith.mulf %slice3A_1012, %slice3A_1014 : vector<64x128xf32>
      %add3A_1018 = arith.addf %mul3A_1016, %mul3A_1017 : vector<64x128xf32>
      %tanh3A_1019 = math.tanh %add3A_1018 : vector<64x128xf32>
      %mul3A_1020 = arith.mulf %slice3A_1015, %tanh3A_1019 : vector<64x128xf32>
      %add3A_1021 = arith.constant 1 : i32
      %add3A_1022 = arith.addi %scan3A_970, %add3A_1021 : i32
      %min3A_1023 = arith.constant 79 : i32
      %min3A_1024 = arith.minsi %add3A_1022, %min3A_1023 : i32
      %mul3A_1025 = arith.constant 128 : i32
      %mul3A_1026 = arith.muli %min3A_1024, %mul3A_1025 : i32
      %add3A_1027 = arith.constant 64 : i32
      %add3A_1028 = arith.addi %mul3A_1026, %add3A_1027 : i32
      %get3A_1029 = arith.index_cast %add3A_1028 : i32 to index
      %get3A_1030 = arith.constant 0 : index
      %get3A_1031 = vector.load %arg0[%get3A_1029, %get3A_1030] : memref<10240x128xf32, #tpu.memory_space<vmem>>, vector<64x128xf32>
      %concatenate3A_1032 = tpu.concatenate %mul3A_986, %get3A_1031 in 1 : vector<64x128xf32>, vector<64x128xf32> -> vector<64x256xf32>
      %get3A_1033 = arith.constant 0 : index
      %get3A_1034 = arith.constant 0 : index
      %get3A_1035 = vector.load %arg1[%get3A_1033, %get3A_1034] : memref<256x512xf32, #tpu.memory_space<vmem>>, vector<256x512xf32>
      %dot_general3A_1036 = arith.constant dense<0.000000e+00> : vector<64x512xf32>
      %dot_general3A_1037 = tpu.matmul %concatenate3A_1032, %get3A_1035, %dot_general3A_1036 {dimension_numbers = #tpu.dot_dimension_numbers<[1], [0], [0], [1], [0, 0, 1, 1], [], []>, transpose_lhs_hint = false} : vector<64x256xf32>, vector<256x512xf32>, vector<64x512xf32> -> vector<64x512xf32>
      %get3A_1038 = arith.constant 0 : index
      %get3A_1039 = arith.constant 0 : index
      %get3A_1040 = vector.load %arg2[%get3A_1038, %get3A_1039] : memref<1x512xf32, #tpu.memory_space<vmem>>, vector<1x512xf32>
      %add3A_1041 = vector.broadcast %get3A_1040 : vector<1x512xf32> to vector<64x512xf32>
      %add3A_1042 = arith.addf %dot_general3A_1037, %add3A_1041 : vector<64x512xf32>
      %scan3A_1043 = arith.constant 13 : i32
      %scan3A_1044 = arith.addi %scan3A_78, %scan3A_1043 : i32
      %tanh3A_1045 = math.tanh %add3A_1042 : vector<64x512xf32>
      %mul3A_1046 = arith.constant 5.000000e-01 : f32
      %mul3A_1047 = vector.broadcast %mul3A_1046 : f32 to vector<64x512xf32>
      %mul3A_1048 = arith.mulf %mul3A_1047, %tanh3A_1045 : vector<64x512xf32>
      %add3A_1049 = arith.constant 5.000000e-01 : f32
      %add3A_1050 = vector.broadcast %add3A_1049 : f32 to vector<64x512xf32>
      %add3A_1051 = arith.addf %mul3A_1048, %add3A_1050 : vector<64x512xf32>
      %slice3A_1052 = vector.extract_strided_slice %add3A_1051 {offsets = [0, 0], sizes = [64, 128], strides = [1, 1]} : vector<64x512xf32> to vector<64x128xf32>
      %slice3A_1053 = vector.extract_strided_slice %add3A_1051 {offsets = [0, 128], sizes = [64, 128], strides = [1, 1]} : vector<64x512xf32> to vector<64x128xf32>
      %slice3A_1054 = vector.extract_strided_slice %tanh3A_1045 {offsets = [0, 256], sizes = [64, 128], strides = [1, 1]} : vector<64x512xf32> to vector<64x128xf32>
      %slice3A_1055 = vector.extract_strided_slice %add3A_1051 {offsets = [0, 384], sizes = [64, 128], strides = [1, 1]} : vector<64x512xf32> to vector<64x128xf32>
      %mul3A_1056 = arith.mulf %slice3A_1053, %add3A_984 : vector<64x128xf32>
      %mul3A_1057 = arith.mulf %slice3A_1052, %slice3A_1054 : vector<64x128xf32>
      %add3A_1058 = arith.addf %mul3A_1056, %mul3A_1057 : vector<64x128xf32>
      %tanh3A_1059 = math.tanh %add3A_1058 : vector<64x128xf32>
      %mul3A_1060 = arith.mulf %slice3A_1055, %tanh3A_1059 : vector<64x128xf32>
      %min3A_1061 = arith.constant 79 : i32
      %min3A_1062 = arith.minsi %scan3A_1044, %min3A_1061 : i32
      %mul3A_1063 = arith.constant 128 : i32
      %mul3A_1064 = arith.muli %min3A_1062, %mul3A_1063 : i32
      %get3A_1065 = arith.index_cast %mul3A_1064 : i32 to index
      %get3A_1066 = arith.constant 0 : index
      %get3A_1067 = vector.load %arg0[%get3A_1065, %get3A_1066] : memref<10240x128xf32, #tpu.memory_space<vmem>>, vector<64x128xf32>
      %concatenate3A_1068 = tpu.concatenate %mul3A_1020, %get3A_1067 in 1 : vector<64x128xf32>, vector<64x128xf32> -> vector<64x256xf32>
      %get3A_1069 = arith.constant 0 : index
      %get3A_1070 = arith.constant 0 : index
      %get3A_1071 = vector.load %arg1[%get3A_1069, %get3A_1070] : memref<256x512xf32, #tpu.memory_space<vmem>>, vector<256x512xf32>
      %dot_general3A_1072 = arith.constant dense<0.000000e+00> : vector<64x512xf32>
      %dot_general3A_1073 = tpu.matmul %concatenate3A_1068, %get3A_1071, %dot_general3A_1072 {dimension_numbers = #tpu.dot_dimension_numbers<[1], [0], [0], [1], [0, 0, 1, 1], [], []>, transpose_lhs_hint = false} : vector<64x256xf32>, vector<256x512xf32>, vector<64x512xf32> -> vector<64x512xf32>
      %get3A_1074 = arith.constant 0 : index
      %get3A_1075 = arith.constant 0 : index
      %get3A_1076 = vector.load %arg2[%get3A_1074, %get3A_1075] : memref<1x512xf32, #tpu.memory_space<vmem>>, vector<1x512xf32>
      %add3A_1077 = vector.broadcast %get3A_1076 : vector<1x512xf32> to vector<64x512xf32>
      %add3A_1078 = arith.addf %dot_general3A_1073, %add3A_1077 : vector<64x512xf32>
      %tanh3A_1079 = math.tanh %add3A_1078 : vector<64x512xf32>
      %mul3A_1080 = arith.constant 5.000000e-01 : f32
      %mul3A_1081 = vector.broadcast %mul3A_1080 : f32 to vector<64x512xf32>
      %mul3A_1082 = arith.mulf %mul3A_1081, %tanh3A_1079 : vector<64x512xf32>
      %add3A_1083 = arith.constant 5.000000e-01 : f32
      %add3A_1084 = vector.broadcast %add3A_1083 : f32 to vector<64x512xf32>
      %add3A_1085 = arith.addf %mul3A_1082, %add3A_1084 : vector<64x512xf32>
      %slice3A_1086 = vector.extract_strided_slice %add3A_1085 {offsets = [0, 0], sizes = [64, 128], strides = [1, 1]} : vector<64x512xf32> to vector<64x128xf32>
      %slice3A_1087 = vector.extract_strided_slice %add3A_1085 {offsets = [0, 128], sizes = [64, 128], strides = [1, 1]} : vector<64x512xf32> to vector<64x128xf32>
      %slice3A_1088 = vector.extract_strided_slice %tanh3A_1079 {offsets = [0, 256], sizes = [64, 128], strides = [1, 1]} : vector<64x512xf32> to vector<64x128xf32>
      %slice3A_1089 = vector.extract_strided_slice %add3A_1085 {offsets = [0, 384], sizes = [64, 128], strides = [1, 1]} : vector<64x512xf32> to vector<64x128xf32>
      %mul3A_1090 = arith.mulf %slice3A_1087, %add3A_1018 : vector<64x128xf32>
      %mul3A_1091 = arith.mulf %slice3A_1086, %slice3A_1088 : vector<64x128xf32>
      %add3A_1092 = arith.addf %mul3A_1090, %mul3A_1091 : vector<64x128xf32>
      %tanh3A_1093 = math.tanh %add3A_1092 : vector<64x128xf32>
      %mul3A_1094 = arith.mulf %slice3A_1089, %tanh3A_1093 : vector<64x128xf32>
      %add3A_1095 = arith.constant 1 : i32
      %add3A_1096 = arith.addi %scan3A_1044, %add3A_1095 : i32
      %min3A_1097 = arith.constant 79 : i32
      %min3A_1098 = arith.minsi %add3A_1096, %min3A_1097 : i32
      %mul3A_1099 = arith.constant 128 : i32
      %mul3A_1100 = arith.muli %min3A_1098, %mul3A_1099 : i32
      %add3A_1101 = arith.constant 64 : i32
      %add3A_1102 = arith.addi %mul3A_1100, %add3A_1101 : i32
      %get3A_1103 = arith.index_cast %add3A_1102 : i32 to index
      %get3A_1104 = arith.constant 0 : index
      %get3A_1105 = vector.load %arg0[%get3A_1103, %get3A_1104] : memref<10240x128xf32, #tpu.memory_space<vmem>>, vector<64x128xf32>
      %concatenate3A_1106 = tpu.concatenate %mul3A_1060, %get3A_1105 in 1 : vector<64x128xf32>, vector<64x128xf32> -> vector<64x256xf32>
      %get3A_1107 = arith.constant 0 : index
      %get3A_1108 = arith.constant 0 : index
      %get3A_1109 = vector.load %arg1[%get3A_1107, %get3A_1108] : memref<256x512xf32, #tpu.memory_space<vmem>>, vector<256x512xf32>
      %dot_general3A_1110 = arith.constant dense<0.000000e+00> : vector<64x512xf32>
      %dot_general3A_1111 = tpu.matmul %concatenate3A_1106, %get3A_1109, %dot_general3A_1110 {dimension_numbers = #tpu.dot_dimension_numbers<[1], [0], [0], [1], [0, 0, 1, 1], [], []>, transpose_lhs_hint = false} : vector<64x256xf32>, vector<256x512xf32>, vector<64x512xf32> -> vector<64x512xf32>
      %get3A_1112 = arith.constant 0 : index
      %get3A_1113 = arith.constant 0 : index
      %get3A_1114 = vector.load %arg2[%get3A_1112, %get3A_1113] : memref<1x512xf32, #tpu.memory_space<vmem>>, vector<1x512xf32>
      %add3A_1115 = vector.broadcast %get3A_1114 : vector<1x512xf32> to vector<64x512xf32>
      %add3A_1116 = arith.addf %dot_general3A_1111, %add3A_1115 : vector<64x512xf32>
      %scan3A_1117 = arith.constant 14 : i32
      %scan3A_1118 = arith.addi %scan3A_78, %scan3A_1117 : i32
      %tanh3A_1119 = math.tanh %add3A_1116 : vector<64x512xf32>
      %mul3A_1120 = arith.constant 5.000000e-01 : f32
      %mul3A_1121 = vector.broadcast %mul3A_1120 : f32 to vector<64x512xf32>
      %mul3A_1122 = arith.mulf %mul3A_1121, %tanh3A_1119 : vector<64x512xf32>
      %add3A_1123 = arith.constant 5.000000e-01 : f32
      %add3A_1124 = vector.broadcast %add3A_1123 : f32 to vector<64x512xf32>
      %add3A_1125 = arith.addf %mul3A_1122, %add3A_1124 : vector<64x512xf32>
      %slice3A_1126 = vector.extract_strided_slice %add3A_1125 {offsets = [0, 0], sizes = [64, 128], strides = [1, 1]} : vector<64x512xf32> to vector<64x128xf32>
      %slice3A_1127 = vector.extract_strided_slice %add3A_1125 {offsets = [0, 128], sizes = [64, 128], strides = [1, 1]} : vector<64x512xf32> to vector<64x128xf32>
      %slice3A_1128 = vector.extract_strided_slice %tanh3A_1119 {offsets = [0, 256], sizes = [64, 128], strides = [1, 1]} : vector<64x512xf32> to vector<64x128xf32>
      %slice3A_1129 = vector.extract_strided_slice %add3A_1125 {offsets = [0, 384], sizes = [64, 128], strides = [1, 1]} : vector<64x512xf32> to vector<64x128xf32>
      %mul3A_1130 = arith.mulf %slice3A_1127, %add3A_1058 : vector<64x128xf32>
      %mul3A_1131 = arith.mulf %slice3A_1126, %slice3A_1128 : vector<64x128xf32>
      %add3A_1132 = arith.addf %mul3A_1130, %mul3A_1131 : vector<64x128xf32>
      %tanh3A_1133 = math.tanh %add3A_1132 : vector<64x128xf32>
      %mul3A_1134 = arith.mulf %slice3A_1129, %tanh3A_1133 : vector<64x128xf32>
      %min3A_1135 = arith.constant 79 : i32
      %min3A_1136 = arith.minsi %scan3A_1118, %min3A_1135 : i32
      %mul3A_1137 = arith.constant 128 : i32
      %mul3A_1138 = arith.muli %min3A_1136, %mul3A_1137 : i32
      %get3A_1139 = arith.index_cast %mul3A_1138 : i32 to index
      %get3A_1140 = arith.constant 0 : index
      %get3A_1141 = vector.load %arg0[%get3A_1139, %get3A_1140] : memref<10240x128xf32, #tpu.memory_space<vmem>>, vector<64x128xf32>
      %concatenate3A_1142 = tpu.concatenate %mul3A_1094, %get3A_1141 in 1 : vector<64x128xf32>, vector<64x128xf32> -> vector<64x256xf32>
      %get3A_1143 = arith.constant 0 : index
      %get3A_1144 = arith.constant 0 : index
      %get3A_1145 = vector.load %arg1[%get3A_1143, %get3A_1144] : memref<256x512xf32, #tpu.memory_space<vmem>>, vector<256x512xf32>
      %dot_general3A_1146 = arith.constant dense<0.000000e+00> : vector<64x512xf32>
      %dot_general3A_1147 = tpu.matmul %concatenate3A_1142, %get3A_1145, %dot_general3A_1146 {dimension_numbers = #tpu.dot_dimension_numbers<[1], [0], [0], [1], [0, 0, 1, 1], [], []>, transpose_lhs_hint = false} : vector<64x256xf32>, vector<256x512xf32>, vector<64x512xf32> -> vector<64x512xf32>
      %get3A_1148 = arith.constant 0 : index
      %get3A_1149 = arith.constant 0 : index
      %get3A_1150 = vector.load %arg2[%get3A_1148, %get3A_1149] : memref<1x512xf32, #tpu.memory_space<vmem>>, vector<1x512xf32>
      %add3A_1151 = vector.broadcast %get3A_1150 : vector<1x512xf32> to vector<64x512xf32>
      %add3A_1152 = arith.addf %dot_general3A_1147, %add3A_1151 : vector<64x512xf32>
      %tanh3A_1153 = math.tanh %add3A_1152 : vector<64x512xf32>
      %mul3A_1154 = arith.constant 5.000000e-01 : f32
      %mul3A_1155 = vector.broadcast %mul3A_1154 : f32 to vector<64x512xf32>
      %mul3A_1156 = arith.mulf %mul3A_1155, %tanh3A_1153 : vector<64x512xf32>
      %add3A_1157 = arith.constant 5.000000e-01 : f32
      %add3A_1158 = vector.broadcast %add3A_1157 : f32 to vector<64x512xf32>
      %add3A_1159 = arith.addf %mul3A_1156, %add3A_1158 : vector<64x512xf32>
      %slice3A_1160 = vector.extract_strided_slice %add3A_1159 {offsets = [0, 0], sizes = [64, 128], strides = [1, 1]} : vector<64x512xf32> to vector<64x128xf32>
      %slice3A_1161 = vector.extract_strided_slice %add3A_1159 {offsets = [0, 128], sizes = [64, 128], strides = [1, 1]} : vector<64x512xf32> to vector<64x128xf32>
      %slice3A_1162 = vector.extract_strided_slice %tanh3A_1153 {offsets = [0, 256], sizes = [64, 128], strides = [1, 1]} : vector<64x512xf32> to vector<64x128xf32>
      %slice3A_1163 = vector.extract_strided_slice %add3A_1159 {offsets = [0, 384], sizes = [64, 128], strides = [1, 1]} : vector<64x512xf32> to vector<64x128xf32>
      %mul3A_1164 = arith.mulf %slice3A_1161, %add3A_1092 : vector<64x128xf32>
      %mul3A_1165 = arith.mulf %slice3A_1160, %slice3A_1162 : vector<64x128xf32>
      %add3A_1166 = arith.addf %mul3A_1164, %mul3A_1165 : vector<64x128xf32>
      %tanh3A_1167 = math.tanh %add3A_1166 : vector<64x128xf32>
      %mul3A_1168 = arith.mulf %slice3A_1163, %tanh3A_1167 : vector<64x128xf32>
      %add3A_1169 = arith.constant 1 : i32
      %add3A_1170 = arith.addi %scan3A_1118, %add3A_1169 : i32
      %min3A_1171 = arith.constant 79 : i32
      %min3A_1172 = arith.minsi %add3A_1170, %min3A_1171 : i32
      %mul3A_1173 = arith.constant 128 : i32
      %mul3A_1174 = arith.muli %min3A_1172, %mul3A_1173 : i32
      %add3A_1175 = arith.constant 64 : i32
      %add3A_1176 = arith.addi %mul3A_1174, %add3A_1175 : i32
      %get3A_1177 = arith.index_cast %add3A_1176 : i32 to index
      %get3A_1178 = arith.constant 0 : index
      %get3A_1179 = vector.load %arg0[%get3A_1177, %get3A_1178] : memref<10240x128xf32, #tpu.memory_space<vmem>>, vector<64x128xf32>
      %concatenate3A_1180 = tpu.concatenate %mul3A_1134, %get3A_1179 in 1 : vector<64x128xf32>, vector<64x128xf32> -> vector<64x256xf32>
      %get3A_1181 = arith.constant 0 : index
      %get3A_1182 = arith.constant 0 : index
      %get3A_1183 = vector.load %arg1[%get3A_1181, %get3A_1182] : memref<256x512xf32, #tpu.memory_space<vmem>>, vector<256x512xf32>
      %dot_general3A_1184 = arith.constant dense<0.000000e+00> : vector<64x512xf32>
      %dot_general3A_1185 = tpu.matmul %concatenate3A_1180, %get3A_1183, %dot_general3A_1184 {dimension_numbers = #tpu.dot_dimension_numbers<[1], [0], [0], [1], [0, 0, 1, 1], [], []>, transpose_lhs_hint = false} : vector<64x256xf32>, vector<256x512xf32>, vector<64x512xf32> -> vector<64x512xf32>
      %get3A_1186 = arith.constant 0 : index
      %get3A_1187 = arith.constant 0 : index
      %get3A_1188 = vector.load %arg2[%get3A_1186, %get3A_1187] : memref<1x512xf32, #tpu.memory_space<vmem>>, vector<1x512xf32>
      %add3A_1189 = vector.broadcast %get3A_1188 : vector<1x512xf32> to vector<64x512xf32>
      %add3A_1190 = arith.addf %dot_general3A_1185, %add3A_1189 : vector<64x512xf32>
      %scan3A_1191 = arith.constant 15 : i32
      %scan3A_1192 = arith.addi %scan3A_78, %scan3A_1191 : i32
      %tanh3A_1193 = math.tanh %add3A_1190 : vector<64x512xf32>
      %mul3A_1194 = arith.constant 5.000000e-01 : f32
      %mul3A_1195 = vector.broadcast %mul3A_1194 : f32 to vector<64x512xf32>
      %mul3A_1196 = arith.mulf %mul3A_1195, %tanh3A_1193 : vector<64x512xf32>
      %add3A_1197 = arith.constant 5.000000e-01 : f32
      %add3A_1198 = vector.broadcast %add3A_1197 : f32 to vector<64x512xf32>
      %add3A_1199 = arith.addf %mul3A_1196, %add3A_1198 : vector<64x512xf32>
      %slice3A_1200 = vector.extract_strided_slice %add3A_1199 {offsets = [0, 0], sizes = [64, 128], strides = [1, 1]} : vector<64x512xf32> to vector<64x128xf32>
      %slice3A_1201 = vector.extract_strided_slice %add3A_1199 {offsets = [0, 128], sizes = [64, 128], strides = [1, 1]} : vector<64x512xf32> to vector<64x128xf32>
      %slice3A_1202 = vector.extract_strided_slice %tanh3A_1193 {offsets = [0, 256], sizes = [64, 128], strides = [1, 1]} : vector<64x512xf32> to vector<64x128xf32>
      %slice3A_1203 = vector.extract_strided_slice %add3A_1199 {offsets = [0, 384], sizes = [64, 128], strides = [1, 1]} : vector<64x512xf32> to vector<64x128xf32>
      %mul3A_1204 = arith.mulf %slice3A_1201, %add3A_1132 : vector<64x128xf32>
      %mul3A_1205 = arith.mulf %slice3A_1200, %slice3A_1202 : vector<64x128xf32>
      %add3A_1206 = arith.addf %mul3A_1204, %mul3A_1205 : vector<64x128xf32>
      %tanh3A_1207 = math.tanh %add3A_1206 : vector<64x128xf32>
      %mul3A_1208 = arith.mulf %slice3A_1203, %tanh3A_1207 : vector<64x128xf32>
      %min3A_1209 = arith.constant 79 : i32
      %min3A_1210 = arith.minsi %scan3A_1192, %min3A_1209 : i32
      %mul3A_1211 = arith.constant 128 : i32
      %mul3A_1212 = arith.muli %min3A_1210, %mul3A_1211 : i32
      %get3A_1213 = arith.index_cast %mul3A_1212 : i32 to index
      %get3A_1214 = arith.constant 0 : index
      %get3A_1215 = vector.load %arg0[%get3A_1213, %get3A_1214] : memref<10240x128xf32, #tpu.memory_space<vmem>>, vector<64x128xf32>
      %concatenate3A_1216 = tpu.concatenate %mul3A_1168, %get3A_1215 in 1 : vector<64x128xf32>, vector<64x128xf32> -> vector<64x256xf32>
      %get3A_1217 = arith.constant 0 : index
      %get3A_1218 = arith.constant 0 : index
      %get3A_1219 = vector.load %arg1[%get3A_1217, %get3A_1218] : memref<256x512xf32, #tpu.memory_space<vmem>>, vector<256x512xf32>
      %dot_general3A_1220 = arith.constant dense<0.000000e+00> : vector<64x512xf32>
      %dot_general3A_1221 = tpu.matmul %concatenate3A_1216, %get3A_1219, %dot_general3A_1220 {dimension_numbers = #tpu.dot_dimension_numbers<[1], [0], [0], [1], [0, 0, 1, 1], [], []>, transpose_lhs_hint = false} : vector<64x256xf32>, vector<256x512xf32>, vector<64x512xf32> -> vector<64x512xf32>
      %get3A_1222 = arith.constant 0 : index
      %get3A_1223 = arith.constant 0 : index
      %get3A_1224 = vector.load %arg2[%get3A_1222, %get3A_1223] : memref<1x512xf32, #tpu.memory_space<vmem>>, vector<1x512xf32>
      %add3A_1225 = vector.broadcast %get3A_1224 : vector<1x512xf32> to vector<64x512xf32>
      %add3A_1226 = arith.addf %dot_general3A_1221, %add3A_1225 : vector<64x512xf32>
      %tanh3A_1227 = math.tanh %add3A_1226 : vector<64x512xf32>
      %mul3A_1228 = arith.constant 5.000000e-01 : f32
      %mul3A_1229 = vector.broadcast %mul3A_1228 : f32 to vector<64x512xf32>
      %mul3A_1230 = arith.mulf %mul3A_1229, %tanh3A_1227 : vector<64x512xf32>
      %add3A_1231 = arith.constant 5.000000e-01 : f32
      %add3A_1232 = vector.broadcast %add3A_1231 : f32 to vector<64x512xf32>
      %add3A_1233 = arith.addf %mul3A_1230, %add3A_1232 : vector<64x512xf32>
      %slice3A_1234 = vector.extract_strided_slice %add3A_1233 {offsets = [0, 0], sizes = [64, 128], strides = [1, 1]} : vector<64x512xf32> to vector<64x128xf32>
      %slice3A_1235 = vector.extract_strided_slice %add3A_1233 {offsets = [0, 128], sizes = [64, 128], strides = [1, 1]} : vector<64x512xf32> to vector<64x128xf32>
      %slice3A_1236 = vector.extract_strided_slice %tanh3A_1227 {offsets = [0, 256], sizes = [64, 128], strides = [1, 1]} : vector<64x512xf32> to vector<64x128xf32>
      %slice3A_1237 = vector.extract_strided_slice %add3A_1233 {offsets = [0, 384], sizes = [64, 128], strides = [1, 1]} : vector<64x512xf32> to vector<64x128xf32>
      %mul3A_1238 = arith.mulf %slice3A_1235, %add3A_1166 : vector<64x128xf32>
      %mul3A_1239 = arith.mulf %slice3A_1234, %slice3A_1236 : vector<64x128xf32>
      %add3A_1240 = arith.addf %mul3A_1238, %mul3A_1239 : vector<64x128xf32>
      %tanh3A_1241 = math.tanh %add3A_1240 : vector<64x128xf32>
      %mul3A_1242 = arith.mulf %slice3A_1237, %tanh3A_1241 : vector<64x128xf32>
      %add3A_1243 = arith.constant 1 : i32
      %add3A_1244 = arith.addi %scan3A_1192, %add3A_1243 : i32
      %min3A_1245 = arith.constant 79 : i32
      %min3A_1246 = arith.minsi %add3A_1244, %min3A_1245 : i32
      %mul3A_1247 = arith.constant 128 : i32
      %mul3A_1248 = arith.muli %min3A_1246, %mul3A_1247 : i32
      %add3A_1249 = arith.constant 64 : i32
      %add3A_1250 = arith.addi %mul3A_1248, %add3A_1249 : i32
      %get3A_1251 = arith.index_cast %add3A_1250 : i32 to index
      %get3A_1252 = arith.constant 0 : index
      %get3A_1253 = vector.load %arg0[%get3A_1251, %get3A_1252] : memref<10240x128xf32, #tpu.memory_space<vmem>>, vector<64x128xf32>
      %concatenate3A_1254 = tpu.concatenate %mul3A_1208, %get3A_1253 in 1 : vector<64x128xf32>, vector<64x128xf32> -> vector<64x256xf32>
      %get3A_1255 = arith.constant 0 : index
      %get3A_1256 = arith.constant 0 : index
      %get3A_1257 = vector.load %arg1[%get3A_1255, %get3A_1256] : memref<256x512xf32, #tpu.memory_space<vmem>>, vector<256x512xf32>
      %dot_general3A_1258 = arith.constant dense<0.000000e+00> : vector<64x512xf32>
      %dot_general3A_1259 = tpu.matmul %concatenate3A_1254, %get3A_1257, %dot_general3A_1258 {dimension_numbers = #tpu.dot_dimension_numbers<[1], [0], [0], [1], [0, 0, 1, 1], [], []>, transpose_lhs_hint = false} : vector<64x256xf32>, vector<256x512xf32>, vector<64x512xf32> -> vector<64x512xf32>
      %get3A_1260 = arith.constant 0 : index
      %get3A_1261 = arith.constant 0 : index
      %get3A_1262 = vector.load %arg2[%get3A_1260, %get3A_1261] : memref<1x512xf32, #tpu.memory_space<vmem>>, vector<1x512xf32>
      %add3A_1263 = vector.broadcast %get3A_1262 : vector<1x512xf32> to vector<64x512xf32>
      %add3A_1264 = arith.addf %dot_general3A_1259, %add3A_1263 : vector<64x512xf32>
      %scan3A_1265 = arith.constant 16 : i32
      %scan3A_1266 = arith.addi %scan3A_78, %scan3A_1265 : i32
      %tanh3A_1267 = math.tanh %add3A_1264 : vector<64x512xf32>
      %mul3A_1268 = arith.constant 5.000000e-01 : f32
      %mul3A_1269 = vector.broadcast %mul3A_1268 : f32 to vector<64x512xf32>
      %mul3A_1270 = arith.mulf %mul3A_1269, %tanh3A_1267 : vector<64x512xf32>
      %add3A_1271 = arith.constant 5.000000e-01 : f32
      %add3A_1272 = vector.broadcast %add3A_1271 : f32 to vector<64x512xf32>
      %add3A_1273 = arith.addf %mul3A_1270, %add3A_1272 : vector<64x512xf32>
      %slice3A_1274 = vector.extract_strided_slice %add3A_1273 {offsets = [0, 0], sizes = [64, 128], strides = [1, 1]} : vector<64x512xf32> to vector<64x128xf32>
      %slice3A_1275 = vector.extract_strided_slice %add3A_1273 {offsets = [0, 128], sizes = [64, 128], strides = [1, 1]} : vector<64x512xf32> to vector<64x128xf32>
      %slice3A_1276 = vector.extract_strided_slice %tanh3A_1267 {offsets = [0, 256], sizes = [64, 128], strides = [1, 1]} : vector<64x512xf32> to vector<64x128xf32>
      %slice3A_1277 = vector.extract_strided_slice %add3A_1273 {offsets = [0, 384], sizes = [64, 128], strides = [1, 1]} : vector<64x512xf32> to vector<64x128xf32>
      %mul3A_1278 = arith.mulf %slice3A_1275, %add3A_1206 : vector<64x128xf32>
      %mul3A_1279 = arith.mulf %slice3A_1274, %slice3A_1276 : vector<64x128xf32>
      %add3A_1280 = arith.addf %mul3A_1278, %mul3A_1279 : vector<64x128xf32>
      %tanh3A_1281 = math.tanh %add3A_1280 : vector<64x128xf32>
      %mul3A_1282 = arith.mulf %slice3A_1277, %tanh3A_1281 : vector<64x128xf32>
      %min3A_1283 = arith.constant 79 : i32
      %min3A_1284 = arith.minsi %scan3A_1266, %min3A_1283 : i32
      %mul3A_1285 = arith.constant 128 : i32
      %mul3A_1286 = arith.muli %min3A_1284, %mul3A_1285 : i32
      %get3A_1287 = arith.index_cast %mul3A_1286 : i32 to index
      %get3A_1288 = arith.constant 0 : index
      %get3A_1289 = vector.load %arg0[%get3A_1287, %get3A_1288] : memref<10240x128xf32, #tpu.memory_space<vmem>>, vector<64x128xf32>
      %concatenate3A_1290 = tpu.concatenate %mul3A_1242, %get3A_1289 in 1 : vector<64x128xf32>, vector<64x128xf32> -> vector<64x256xf32>
      %get3A_1291 = arith.constant 0 : index
      %get3A_1292 = arith.constant 0 : index
      %get3A_1293 = vector.load %arg1[%get3A_1291, %get3A_1292] : memref<256x512xf32, #tpu.memory_space<vmem>>, vector<256x512xf32>
      %dot_general3A_1294 = arith.constant dense<0.000000e+00> : vector<64x512xf32>
      %dot_general3A_1295 = tpu.matmul %concatenate3A_1290, %get3A_1293, %dot_general3A_1294 {dimension_numbers = #tpu.dot_dimension_numbers<[1], [0], [0], [1], [0, 0, 1, 1], [], []>, transpose_lhs_hint = false} : vector<64x256xf32>, vector<256x512xf32>, vector<64x512xf32> -> vector<64x512xf32>
      %get3A_1296 = arith.constant 0 : index
      %get3A_1297 = arith.constant 0 : index
      %get3A_1298 = vector.load %arg2[%get3A_1296, %get3A_1297] : memref<1x512xf32, #tpu.memory_space<vmem>>, vector<1x512xf32>
      %add3A_1299 = vector.broadcast %get3A_1298 : vector<1x512xf32> to vector<64x512xf32>
      %add3A_1300 = arith.addf %dot_general3A_1295, %add3A_1299 : vector<64x512xf32>
      %tanh3A_1301 = math.tanh %add3A_1300 : vector<64x512xf32>
      %mul3A_1302 = arith.constant 5.000000e-01 : f32
      %mul3A_1303 = vector.broadcast %mul3A_1302 : f32 to vector<64x512xf32>
      %mul3A_1304 = arith.mulf %mul3A_1303, %tanh3A_1301 : vector<64x512xf32>
      %add3A_1305 = arith.constant 5.000000e-01 : f32
      %add3A_1306 = vector.broadcast %add3A_1305 : f32 to vector<64x512xf32>
      %add3A_1307 = arith.addf %mul3A_1304, %add3A_1306 : vector<64x512xf32>
      %slice3A_1308 = vector.extract_strided_slice %add3A_1307 {offsets = [0, 0], sizes = [64, 128], strides = [1, 1]} : vector<64x512xf32> to vector<64x128xf32>
      %slice3A_1309 = vector.extract_strided_slice %add3A_1307 {offsets = [0, 128], sizes = [64, 128], strides = [1, 1]} : vector<64x512xf32> to vector<64x128xf32>
      %slice3A_1310 = vector.extract_strided_slice %tanh3A_1301 {offsets = [0, 256], sizes = [64, 128], strides = [1, 1]} : vector<64x512xf32> to vector<64x128xf32>
      %slice3A_1311 = vector.extract_strided_slice %add3A_1307 {offsets = [0, 384], sizes = [64, 128], strides = [1, 1]} : vector<64x512xf32> to vector<64x128xf32>
      %mul3A_1312 = arith.mulf %slice3A_1309, %add3A_1240 : vector<64x128xf32>
      %mul3A_1313 = arith.mulf %slice3A_1308, %slice3A_1310 : vector<64x128xf32>
      %add3A_1314 = arith.addf %mul3A_1312, %mul3A_1313 : vector<64x128xf32>
      %tanh3A_1315 = math.tanh %add3A_1314 : vector<64x128xf32>
      %mul3A_1316 = arith.mulf %slice3A_1311, %tanh3A_1315 : vector<64x128xf32>
      %add3A_1317 = arith.constant 1 : i32
      %add3A_1318 = arith.addi %scan3A_1266, %add3A_1317 : i32
      %min3A_1319 = arith.constant 79 : i32
      %min3A_1320 = arith.minsi %add3A_1318, %min3A_1319 : i32
      %mul3A_1321 = arith.constant 128 : i32
      %mul3A_1322 = arith.muli %min3A_1320, %mul3A_1321 : i32
      %add3A_1323 = arith.constant 64 : i32
      %add3A_1324 = arith.addi %mul3A_1322, %add3A_1323 : i32
      %get3A_1325 = arith.index_cast %add3A_1324 : i32 to index
      %get3A_1326 = arith.constant 0 : index
      %get3A_1327 = vector.load %arg0[%get3A_1325, %get3A_1326] : memref<10240x128xf32, #tpu.memory_space<vmem>>, vector<64x128xf32>
      %concatenate3A_1328 = tpu.concatenate %mul3A_1282, %get3A_1327 in 1 : vector<64x128xf32>, vector<64x128xf32> -> vector<64x256xf32>
      %get3A_1329 = arith.constant 0 : index
      %get3A_1330 = arith.constant 0 : index
      %get3A_1331 = vector.load %arg1[%get3A_1329, %get3A_1330] : memref<256x512xf32, #tpu.memory_space<vmem>>, vector<256x512xf32>
      %dot_general3A_1332 = arith.constant dense<0.000000e+00> : vector<64x512xf32>
      %dot_general3A_1333 = tpu.matmul %concatenate3A_1328, %get3A_1331, %dot_general3A_1332 {dimension_numbers = #tpu.dot_dimension_numbers<[1], [0], [0], [1], [0, 0, 1, 1], [], []>, transpose_lhs_hint = false} : vector<64x256xf32>, vector<256x512xf32>, vector<64x512xf32> -> vector<64x512xf32>
      %get3A_1334 = arith.constant 0 : index
      %get3A_1335 = arith.constant 0 : index
      %get3A_1336 = vector.load %arg2[%get3A_1334, %get3A_1335] : memref<1x512xf32, #tpu.memory_space<vmem>>, vector<1x512xf32>
      %add3A_1337 = vector.broadcast %get3A_1336 : vector<1x512xf32> to vector<64x512xf32>
      %add3A_1338 = arith.addf %dot_general3A_1333, %add3A_1337 : vector<64x512xf32>
      %scan3A_1339 = arith.constant 17 : i32
      %scan3A_1340 = arith.addi %scan3A_78, %scan3A_1339 : i32
      %tanh3A_1341 = math.tanh %add3A_1338 : vector<64x512xf32>
      %mul3A_1342 = arith.constant 5.000000e-01 : f32
      %mul3A_1343 = vector.broadcast %mul3A_1342 : f32 to vector<64x512xf32>
      %mul3A_1344 = arith.mulf %mul3A_1343, %tanh3A_1341 : vector<64x512xf32>
      %add3A_1345 = arith.constant 5.000000e-01 : f32
      %add3A_1346 = vector.broadcast %add3A_1345 : f32 to vector<64x512xf32>
      %add3A_1347 = arith.addf %mul3A_1344, %add3A_1346 : vector<64x512xf32>
      %slice3A_1348 = vector.extract_strided_slice %add3A_1347 {offsets = [0, 0], sizes = [64, 128], strides = [1, 1]} : vector<64x512xf32> to vector<64x128xf32>
      %slice3A_1349 = vector.extract_strided_slice %add3A_1347 {offsets = [0, 128], sizes = [64, 128], strides = [1, 1]} : vector<64x512xf32> to vector<64x128xf32>
      %slice3A_1350 = vector.extract_strided_slice %tanh3A_1341 {offsets = [0, 256], sizes = [64, 128], strides = [1, 1]} : vector<64x512xf32> to vector<64x128xf32>
      %slice3A_1351 = vector.extract_strided_slice %add3A_1347 {offsets = [0, 384], sizes = [64, 128], strides = [1, 1]} : vector<64x512xf32> to vector<64x128xf32>
      %mul3A_1352 = arith.mulf %slice3A_1349, %add3A_1280 : vector<64x128xf32>
      %mul3A_1353 = arith.mulf %slice3A_1348, %slice3A_1350 : vector<64x128xf32>
      %add3A_1354 = arith.addf %mul3A_1352, %mul3A_1353 : vector<64x128xf32>
      %tanh3A_1355 = math.tanh %add3A_1354 : vector<64x128xf32>
      %mul3A_1356 = arith.mulf %slice3A_1351, %tanh3A_1355 : vector<64x128xf32>
      %min3A_1357 = arith.constant 79 : i32
      %min3A_1358 = arith.minsi %scan3A_1340, %min3A_1357 : i32
      %mul3A_1359 = arith.constant 128 : i32
      %mul3A_1360 = arith.muli %min3A_1358, %mul3A_1359 : i32
      %get3A_1361 = arith.index_cast %mul3A_1360 : i32 to index
      %get3A_1362 = arith.constant 0 : index
      %get3A_1363 = vector.load %arg0[%get3A_1361, %get3A_1362] : memref<10240x128xf32, #tpu.memory_space<vmem>>, vector<64x128xf32>
      %concatenate3A_1364 = tpu.concatenate %mul3A_1316, %get3A_1363 in 1 : vector<64x128xf32>, vector<64x128xf32> -> vector<64x256xf32>
      %get3A_1365 = arith.constant 0 : index
      %get3A_1366 = arith.constant 0 : index
      %get3A_1367 = vector.load %arg1[%get3A_1365, %get3A_1366] : memref<256x512xf32, #tpu.memory_space<vmem>>, vector<256x512xf32>
      %dot_general3A_1368 = arith.constant dense<0.000000e+00> : vector<64x512xf32>
      %dot_general3A_1369 = tpu.matmul %concatenate3A_1364, %get3A_1367, %dot_general3A_1368 {dimension_numbers = #tpu.dot_dimension_numbers<[1], [0], [0], [1], [0, 0, 1, 1], [], []>, transpose_lhs_hint = false} : vector<64x256xf32>, vector<256x512xf32>, vector<64x512xf32> -> vector<64x512xf32>
      %get3A_1370 = arith.constant 0 : index
      %get3A_1371 = arith.constant 0 : index
      %get3A_1372 = vector.load %arg2[%get3A_1370, %get3A_1371] : memref<1x512xf32, #tpu.memory_space<vmem>>, vector<1x512xf32>
      %add3A_1373 = vector.broadcast %get3A_1372 : vector<1x512xf32> to vector<64x512xf32>
      %add3A_1374 = arith.addf %dot_general3A_1369, %add3A_1373 : vector<64x512xf32>
      %tanh3A_1375 = math.tanh %add3A_1374 : vector<64x512xf32>
      %mul3A_1376 = arith.constant 5.000000e-01 : f32
      %mul3A_1377 = vector.broadcast %mul3A_1376 : f32 to vector<64x512xf32>
      %mul3A_1378 = arith.mulf %mul3A_1377, %tanh3A_1375 : vector<64x512xf32>
      %add3A_1379 = arith.constant 5.000000e-01 : f32
      %add3A_1380 = vector.broadcast %add3A_1379 : f32 to vector<64x512xf32>
      %add3A_1381 = arith.addf %mul3A_1378, %add3A_1380 : vector<64x512xf32>
      %slice3A_1382 = vector.extract_strided_slice %add3A_1381 {offsets = [0, 0], sizes = [64, 128], strides = [1, 1]} : vector<64x512xf32> to vector<64x128xf32>
      %slice3A_1383 = vector.extract_strided_slice %add3A_1381 {offsets = [0, 128], sizes = [64, 128], strides = [1, 1]} : vector<64x512xf32> to vector<64x128xf32>
      %slice3A_1384 = vector.extract_strided_slice %tanh3A_1375 {offsets = [0, 256], sizes = [64, 128], strides = [1, 1]} : vector<64x512xf32> to vector<64x128xf32>
      %slice3A_1385 = vector.extract_strided_slice %add3A_1381 {offsets = [0, 384], sizes = [64, 128], strides = [1, 1]} : vector<64x512xf32> to vector<64x128xf32>
      %mul3A_1386 = arith.mulf %slice3A_1383, %add3A_1314 : vector<64x128xf32>
      %mul3A_1387 = arith.mulf %slice3A_1382, %slice3A_1384 : vector<64x128xf32>
      %add3A_1388 = arith.addf %mul3A_1386, %mul3A_1387 : vector<64x128xf32>
      %tanh3A_1389 = math.tanh %add3A_1388 : vector<64x128xf32>
      %mul3A_1390 = arith.mulf %slice3A_1385, %tanh3A_1389 : vector<64x128xf32>
      %add3A_1391 = arith.constant 1 : i32
      %add3A_1392 = arith.addi %scan3A_1340, %add3A_1391 : i32
      %min3A_1393 = arith.constant 79 : i32
      %min3A_1394 = arith.minsi %add3A_1392, %min3A_1393 : i32
      %mul3A_1395 = arith.constant 128 : i32
      %mul3A_1396 = arith.muli %min3A_1394, %mul3A_1395 : i32
      %add3A_1397 = arith.constant 64 : i32
      %add3A_1398 = arith.addi %mul3A_1396, %add3A_1397 : i32
      %get3A_1399 = arith.index_cast %add3A_1398 : i32 to index
      %get3A_1400 = arith.constant 0 : index
      %get3A_1401 = vector.load %arg0[%get3A_1399, %get3A_1400] : memref<10240x128xf32, #tpu.memory_space<vmem>>, vector<64x128xf32>
      %concatenate3A_1402 = tpu.concatenate %mul3A_1356, %get3A_1401 in 1 : vector<64x128xf32>, vector<64x128xf32> -> vector<64x256xf32>
      %get3A_1403 = arith.constant 0 : index
      %get3A_1404 = arith.constant 0 : index
      %get3A_1405 = vector.load %arg1[%get3A_1403, %get3A_1404] : memref<256x512xf32, #tpu.memory_space<vmem>>, vector<256x512xf32>
      %dot_general3A_1406 = arith.constant dense<0.000000e+00> : vector<64x512xf32>
      %dot_general3A_1407 = tpu.matmul %concatenate3A_1402, %get3A_1405, %dot_general3A_1406 {dimension_numbers = #tpu.dot_dimension_numbers<[1], [0], [0], [1], [0, 0, 1, 1], [], []>, transpose_lhs_hint = false} : vector<64x256xf32>, vector<256x512xf32>, vector<64x512xf32> -> vector<64x512xf32>
      %get3A_1408 = arith.constant 0 : index
      %get3A_1409 = arith.constant 0 : index
      %get3A_1410 = vector.load %arg2[%get3A_1408, %get3A_1409] : memref<1x512xf32, #tpu.memory_space<vmem>>, vector<1x512xf32>
      %add3A_1411 = vector.broadcast %get3A_1410 : vector<1x512xf32> to vector<64x512xf32>
      %add3A_1412 = arith.addf %dot_general3A_1407, %add3A_1411 : vector<64x512xf32>
      %scan3A_1413 = arith.constant 18 : i32
      %scan3A_1414 = arith.addi %scan3A_78, %scan3A_1413 : i32
      %tanh3A_1415 = math.tanh %add3A_1412 : vector<64x512xf32>
      %mul3A_1416 = arith.constant 5.000000e-01 : f32
      %mul3A_1417 = vector.broadcast %mul3A_1416 : f32 to vector<64x512xf32>
      %mul3A_1418 = arith.mulf %mul3A_1417, %tanh3A_1415 : vector<64x512xf32>
      %add3A_1419 = arith.constant 5.000000e-01 : f32
      %add3A_1420 = vector.broadcast %add3A_1419 : f32 to vector<64x512xf32>
      %add3A_1421 = arith.addf %mul3A_1418, %add3A_1420 : vector<64x512xf32>
      %slice3A_1422 = vector.extract_strided_slice %add3A_1421 {offsets = [0, 0], sizes = [64, 128], strides = [1, 1]} : vector<64x512xf32> to vector<64x128xf32>
      %slice3A_1423 = vector.extract_strided_slice %add3A_1421 {offsets = [0, 128], sizes = [64, 128], strides = [1, 1]} : vector<64x512xf32> to vector<64x128xf32>
      %slice3A_1424 = vector.extract_strided_slice %tanh3A_1415 {offsets = [0, 256], sizes = [64, 128], strides = [1, 1]} : vector<64x512xf32> to vector<64x128xf32>
      %slice3A_1425 = vector.extract_strided_slice %add3A_1421 {offsets = [0, 384], sizes = [64, 128], strides = [1, 1]} : vector<64x512xf32> to vector<64x128xf32>
      %mul3A_1426 = arith.mulf %slice3A_1423, %add3A_1354 : vector<64x128xf32>
      %mul3A_1427 = arith.mulf %slice3A_1422, %slice3A_1424 : vector<64x128xf32>
      %add3A_1428 = arith.addf %mul3A_1426, %mul3A_1427 : vector<64x128xf32>
      %tanh3A_1429 = math.tanh %add3A_1428 : vector<64x128xf32>
      %mul3A_1430 = arith.mulf %slice3A_1425, %tanh3A_1429 : vector<64x128xf32>
      %min3A_1431 = arith.constant 79 : i32
      %min3A_1432 = arith.minsi %scan3A_1414, %min3A_1431 : i32
      %mul3A_1433 = arith.constant 128 : i32
      %mul3A_1434 = arith.muli %min3A_1432, %mul3A_1433 : i32
      %get3A_1435 = arith.index_cast %mul3A_1434 : i32 to index
      %get3A_1436 = arith.constant 0 : index
      %get3A_1437 = vector.load %arg0[%get3A_1435, %get3A_1436] : memref<10240x128xf32, #tpu.memory_space<vmem>>, vector<64x128xf32>
      %concatenate3A_1438 = tpu.concatenate %mul3A_1390, %get3A_1437 in 1 : vector<64x128xf32>, vector<64x128xf32> -> vector<64x256xf32>
      %get3A_1439 = arith.constant 0 : index
      %get3A_1440 = arith.constant 0 : index
      %get3A_1441 = vector.load %arg1[%get3A_1439, %get3A_1440] : memref<256x512xf32, #tpu.memory_space<vmem>>, vector<256x512xf32>
      %dot_general3A_1442 = arith.constant dense<0.000000e+00> : vector<64x512xf32>
      %dot_general3A_1443 = tpu.matmul %concatenate3A_1438, %get3A_1441, %dot_general3A_1442 {dimension_numbers = #tpu.dot_dimension_numbers<[1], [0], [0], [1], [0, 0, 1, 1], [], []>, transpose_lhs_hint = false} : vector<64x256xf32>, vector<256x512xf32>, vector<64x512xf32> -> vector<64x512xf32>
      %get3A_1444 = arith.constant 0 : index
      %get3A_1445 = arith.constant 0 : index
      %get3A_1446 = vector.load %arg2[%get3A_1444, %get3A_1445] : memref<1x512xf32, #tpu.memory_space<vmem>>, vector<1x512xf32>
      %add3A_1447 = vector.broadcast %get3A_1446 : vector<1x512xf32> to vector<64x512xf32>
      %add3A_1448 = arith.addf %dot_general3A_1443, %add3A_1447 : vector<64x512xf32>
      %tanh3A_1449 = math.tanh %add3A_1448 : vector<64x512xf32>
      %mul3A_1450 = arith.constant 5.000000e-01 : f32
      %mul3A_1451 = vector.broadcast %mul3A_1450 : f32 to vector<64x512xf32>
      %mul3A_1452 = arith.mulf %mul3A_1451, %tanh3A_1449 : vector<64x512xf32>
      %add3A_1453 = arith.constant 5.000000e-01 : f32
      %add3A_1454 = vector.broadcast %add3A_1453 : f32 to vector<64x512xf32>
      %add3A_1455 = arith.addf %mul3A_1452, %add3A_1454 : vector<64x512xf32>
      %slice3A_1456 = vector.extract_strided_slice %add3A_1455 {offsets = [0, 0], sizes = [64, 128], strides = [1, 1]} : vector<64x512xf32> to vector<64x128xf32>
      %slice3A_1457 = vector.extract_strided_slice %add3A_1455 {offsets = [0, 128], sizes = [64, 128], strides = [1, 1]} : vector<64x512xf32> to vector<64x128xf32>
      %slice3A_1458 = vector.extract_strided_slice %tanh3A_1449 {offsets = [0, 256], sizes = [64, 128], strides = [1, 1]} : vector<64x512xf32> to vector<64x128xf32>
      %slice3A_1459 = vector.extract_strided_slice %add3A_1455 {offsets = [0, 384], sizes = [64, 128], strides = [1, 1]} : vector<64x512xf32> to vector<64x128xf32>
      %mul3A_1460 = arith.mulf %slice3A_1457, %add3A_1388 : vector<64x128xf32>
      %mul3A_1461 = arith.mulf %slice3A_1456, %slice3A_1458 : vector<64x128xf32>
      %add3A_1462 = arith.addf %mul3A_1460, %mul3A_1461 : vector<64x128xf32>
      %tanh3A_1463 = math.tanh %add3A_1462 : vector<64x128xf32>
      %mul3A_1464 = arith.mulf %slice3A_1459, %tanh3A_1463 : vector<64x128xf32>
      %add3A_1465 = arith.constant 1 : i32
      %add3A_1466 = arith.addi %scan3A_1414, %add3A_1465 : i32
      %min3A_1467 = arith.constant 79 : i32
      %min3A_1468 = arith.minsi %add3A_1466, %min3A_1467 : i32
      %mul3A_1469 = arith.constant 128 : i32
      %mul3A_1470 = arith.muli %min3A_1468, %mul3A_1469 : i32
      %add3A_1471 = arith.constant 64 : i32
      %add3A_1472 = arith.addi %mul3A_1470, %add3A_1471 : i32
      %get3A_1473 = arith.index_cast %add3A_1472 : i32 to index
      %get3A_1474 = arith.constant 0 : index
      %get3A_1475 = vector.load %arg0[%get3A_1473, %get3A_1474] : memref<10240x128xf32, #tpu.memory_space<vmem>>, vector<64x128xf32>
      %concatenate3A_1476 = tpu.concatenate %mul3A_1430, %get3A_1475 in 1 : vector<64x128xf32>, vector<64x128xf32> -> vector<64x256xf32>
      %get3A_1477 = arith.constant 0 : index
      %get3A_1478 = arith.constant 0 : index
      %get3A_1479 = vector.load %arg1[%get3A_1477, %get3A_1478] : memref<256x512xf32, #tpu.memory_space<vmem>>, vector<256x512xf32>
      %dot_general3A_1480 = arith.constant dense<0.000000e+00> : vector<64x512xf32>
      %dot_general3A_1481 = tpu.matmul %concatenate3A_1476, %get3A_1479, %dot_general3A_1480 {dimension_numbers = #tpu.dot_dimension_numbers<[1], [0], [0], [1], [0, 0, 1, 1], [], []>, transpose_lhs_hint = false} : vector<64x256xf32>, vector<256x512xf32>, vector<64x512xf32> -> vector<64x512xf32>
      %get3A_1482 = arith.constant 0 : index
      %get3A_1483 = arith.constant 0 : index
      %get3A_1484 = vector.load %arg2[%get3A_1482, %get3A_1483] : memref<1x512xf32, #tpu.memory_space<vmem>>, vector<1x512xf32>
      %add3A_1485 = vector.broadcast %get3A_1484 : vector<1x512xf32> to vector<64x512xf32>
      %add3A_1486 = arith.addf %dot_general3A_1481, %add3A_1485 : vector<64x512xf32>
      %scan3A_1487 = arith.constant 19 : i32
      %scan3A_1488 = arith.addi %scan3A_78, %scan3A_1487 : i32
      %tanh3A_1489 = math.tanh %add3A_1486 : vector<64x512xf32>
      %mul3A_1490 = arith.constant 5.000000e-01 : f32
      %mul3A_1491 = vector.broadcast %mul3A_1490 : f32 to vector<64x512xf32>
      %mul3A_1492 = arith.mulf %mul3A_1491, %tanh3A_1489 : vector<64x512xf32>
      %add3A_1493 = arith.constant 5.000000e-01 : f32
      %add3A_1494 = vector.broadcast %add3A_1493 : f32 to vector<64x512xf32>
      %add3A_1495 = arith.addf %mul3A_1492, %add3A_1494 : vector<64x512xf32>
      %slice3A_1496 = vector.extract_strided_slice %add3A_1495 {offsets = [0, 0], sizes = [64, 128], strides = [1, 1]} : vector<64x512xf32> to vector<64x128xf32>
      %slice3A_1497 = vector.extract_strided_slice %add3A_1495 {offsets = [0, 128], sizes = [64, 128], strides = [1, 1]} : vector<64x512xf32> to vector<64x128xf32>
      %slice3A_1498 = vector.extract_strided_slice %tanh3A_1489 {offsets = [0, 256], sizes = [64, 128], strides = [1, 1]} : vector<64x512xf32> to vector<64x128xf32>
      %slice3A_1499 = vector.extract_strided_slice %add3A_1495 {offsets = [0, 384], sizes = [64, 128], strides = [1, 1]} : vector<64x512xf32> to vector<64x128xf32>
      %mul3A_1500 = arith.mulf %slice3A_1497, %add3A_1428 : vector<64x128xf32>
      %mul3A_1501 = arith.mulf %slice3A_1496, %slice3A_1498 : vector<64x128xf32>
      %add3A_1502 = arith.addf %mul3A_1500, %mul3A_1501 : vector<64x128xf32>
      %tanh3A_1503 = math.tanh %add3A_1502 : vector<64x128xf32>
      %mul3A_1504 = arith.mulf %slice3A_1499, %tanh3A_1503 : vector<64x128xf32>
      %min3A_1505 = arith.constant 79 : i32
      %min3A_1506 = arith.minsi %scan3A_1488, %min3A_1505 : i32
      %mul3A_1507 = arith.constant 128 : i32
      %mul3A_1508 = arith.muli %min3A_1506, %mul3A_1507 : i32
      %get3A_1509 = arith.index_cast %mul3A_1508 : i32 to index
      %get3A_1510 = arith.constant 0 : index
      %get3A_1511 = vector.load %arg0[%get3A_1509, %get3A_1510] : memref<10240x128xf32, #tpu.memory_space<vmem>>, vector<64x128xf32>
      %concatenate3A_1512 = tpu.concatenate %mul3A_1464, %get3A_1511 in 1 : vector<64x128xf32>, vector<64x128xf32> -> vector<64x256xf32>
      %get3A_1513 = arith.constant 0 : index
      %get3A_1514 = arith.constant 0 : index
      %get3A_1515 = vector.load %arg1[%get3A_1513, %get3A_1514] : memref<256x512xf32, #tpu.memory_space<vmem>>, vector<256x512xf32>
      %dot_general3A_1516 = arith.constant dense<0.000000e+00> : vector<64x512xf32>
      %dot_general3A_1517 = tpu.matmul %concatenate3A_1512, %get3A_1515, %dot_general3A_1516 {dimension_numbers = #tpu.dot_dimension_numbers<[1], [0], [0], [1], [0, 0, 1, 1], [], []>, transpose_lhs_hint = false} : vector<64x256xf32>, vector<256x512xf32>, vector<64x512xf32> -> vector<64x512xf32>
      %get3A_1518 = arith.constant 0 : index
      %get3A_1519 = arith.constant 0 : index
      %get3A_1520 = vector.load %arg2[%get3A_1518, %get3A_1519] : memref<1x512xf32, #tpu.memory_space<vmem>>, vector<1x512xf32>
      %add3A_1521 = vector.broadcast %get3A_1520 : vector<1x512xf32> to vector<64x512xf32>
      %add3A_1522 = arith.addf %dot_general3A_1517, %add3A_1521 : vector<64x512xf32>
      %tanh3A_1523 = math.tanh %add3A_1522 : vector<64x512xf32>
      %mul3A_1524 = arith.constant 5.000000e-01 : f32
      %mul3A_1525 = vector.broadcast %mul3A_1524 : f32 to vector<64x512xf32>
      %mul3A_1526 = arith.mulf %mul3A_1525, %tanh3A_1523 : vector<64x512xf32>
      %add3A_1527 = arith.constant 5.000000e-01 : f32
      %add3A_1528 = vector.broadcast %add3A_1527 : f32 to vector<64x512xf32>
      %add3A_1529 = arith.addf %mul3A_1526, %add3A_1528 : vector<64x512xf32>
      %slice3A_1530 = vector.extract_strided_slice %add3A_1529 {offsets = [0, 0], sizes = [64, 128], strides = [1, 1]} : vector<64x512xf32> to vector<64x128xf32>
      %slice3A_1531 = vector.extract_strided_slice %add3A_1529 {offsets = [0, 128], sizes = [64, 128], strides = [1, 1]} : vector<64x512xf32> to vector<64x128xf32>
      %slice3A_1532 = vector.extract_strided_slice %tanh3A_1523 {offsets = [0, 256], sizes = [64, 128], strides = [1, 1]} : vector<64x512xf32> to vector<64x128xf32>
      %slice3A_1533 = vector.extract_strided_slice %add3A_1529 {offsets = [0, 384], sizes = [64, 128], strides = [1, 1]} : vector<64x512xf32> to vector<64x128xf32>
      %mul3A_1534 = arith.mulf %slice3A_1531, %add3A_1462 : vector<64x128xf32>
      %mul3A_1535 = arith.mulf %slice3A_1530, %slice3A_1532 : vector<64x128xf32>
      %add3A_1536 = arith.addf %mul3A_1534, %mul3A_1535 : vector<64x128xf32>
      %tanh3A_1537 = math.tanh %add3A_1536 : vector<64x128xf32>
      %mul3A_1538 = arith.mulf %slice3A_1533, %tanh3A_1537 : vector<64x128xf32>
      %add3A_1539 = arith.constant 1 : i32
      %add3A_1540 = arith.addi %scan3A_1488, %add3A_1539 : i32
      %min3A_1541 = arith.constant 79 : i32
      %min3A_1542 = arith.minsi %add3A_1540, %min3A_1541 : i32
      %mul3A_1543 = arith.constant 128 : i32
      %mul3A_1544 = arith.muli %min3A_1542, %mul3A_1543 : i32
      %add3A_1545 = arith.constant 64 : i32
      %add3A_1546 = arith.addi %mul3A_1544, %add3A_1545 : i32
      %get3A_1547 = arith.index_cast %add3A_1546 : i32 to index
      %get3A_1548 = arith.constant 0 : index
      %get3A_1549 = vector.load %arg0[%get3A_1547, %get3A_1548] : memref<10240x128xf32, #tpu.memory_space<vmem>>, vector<64x128xf32>
      %concatenate3A_1550 = tpu.concatenate %mul3A_1504, %get3A_1549 in 1 : vector<64x128xf32>, vector<64x128xf32> -> vector<64x256xf32>
      %get3A_1551 = arith.constant 0 : index
      %get3A_1552 = arith.constant 0 : index
      %get3A_1553 = vector.load %arg1[%get3A_1551, %get3A_1552] : memref<256x512xf32, #tpu.memory_space<vmem>>, vector<256x512xf32>
      %dot_general3A_1554 = arith.constant dense<0.000000e+00> : vector<64x512xf32>
      %dot_general3A_1555 = tpu.matmul %concatenate3A_1550, %get3A_1553, %dot_general3A_1554 {dimension_numbers = #tpu.dot_dimension_numbers<[1], [0], [0], [1], [0, 0, 1, 1], [], []>, transpose_lhs_hint = false} : vector<64x256xf32>, vector<256x512xf32>, vector<64x512xf32> -> vector<64x512xf32>
      %get3A_1556 = arith.constant 0 : index
      %get3A_1557 = arith.constant 0 : index
      %get3A_1558 = vector.load %arg2[%get3A_1556, %get3A_1557] : memref<1x512xf32, #tpu.memory_space<vmem>>, vector<1x512xf32>
      %add3A_1559 = vector.broadcast %get3A_1558 : vector<1x512xf32> to vector<64x512xf32>
      %add3A_1560 = arith.addf %dot_general3A_1555, %add3A_1559 : vector<64x512xf32>
      %scan3A_1561 = arith.constant 20 : i32
      %scan3A_1562 = arith.addi %scan3A_78, %scan3A_1561 : i32
      %tanh3A_1563 = math.tanh %add3A_1560 : vector<64x512xf32>
      %mul3A_1564 = arith.constant 5.000000e-01 : f32
      %mul3A_1565 = vector.broadcast %mul3A_1564 : f32 to vector<64x512xf32>
      %mul3A_1566 = arith.mulf %mul3A_1565, %tanh3A_1563 : vector<64x512xf32>
      %add3A_1567 = arith.constant 5.000000e-01 : f32
      %add3A_1568 = vector.broadcast %add3A_1567 : f32 to vector<64x512xf32>
      %add3A_1569 = arith.addf %mul3A_1566, %add3A_1568 : vector<64x512xf32>
      %slice3A_1570 = vector.extract_strided_slice %add3A_1569 {offsets = [0, 0], sizes = [64, 128], strides = [1, 1]} : vector<64x512xf32> to vector<64x128xf32>
      %slice3A_1571 = vector.extract_strided_slice %add3A_1569 {offsets = [0, 128], sizes = [64, 128], strides = [1, 1]} : vector<64x512xf32> to vector<64x128xf32>
      %slice3A_1572 = vector.extract_strided_slice %tanh3A_1563 {offsets = [0, 256], sizes = [64, 128], strides = [1, 1]} : vector<64x512xf32> to vector<64x128xf32>
      %slice3A_1573 = vector.extract_strided_slice %add3A_1569 {offsets = [0, 384], sizes = [64, 128], strides = [1, 1]} : vector<64x512xf32> to vector<64x128xf32>
      %mul3A_1574 = arith.mulf %slice3A_1571, %add3A_1502 : vector<64x128xf32>
      %mul3A_1575 = arith.mulf %slice3A_1570, %slice3A_1572 : vector<64x128xf32>
      %add3A_1576 = arith.addf %mul3A_1574, %mul3A_1575 : vector<64x128xf32>
      %tanh3A_1577 = math.tanh %add3A_1576 : vector<64x128xf32>
      %mul3A_1578 = arith.mulf %slice3A_1573, %tanh3A_1577 : vector<64x128xf32>
      %min3A_1579 = arith.constant 79 : i32
      %min3A_1580 = arith.minsi %scan3A_1562, %min3A_1579 : i32
      %mul3A_1581 = arith.constant 128 : i32
      %mul3A_1582 = arith.muli %min3A_1580, %mul3A_1581 : i32
      %get3A_1583 = arith.index_cast %mul3A_1582 : i32 to index
      %get3A_1584 = arith.constant 0 : index
      %get3A_1585 = vector.load %arg0[%get3A_1583, %get3A_1584] : memref<10240x128xf32, #tpu.memory_space<vmem>>, vector<64x128xf32>
      %concatenate3A_1586 = tpu.concatenate %mul3A_1538, %get3A_1585 in 1 : vector<64x128xf32>, vector<64x128xf32> -> vector<64x256xf32>
      %get3A_1587 = arith.constant 0 : index
      %get3A_1588 = arith.constant 0 : index
      %get3A_1589 = vector.load %arg1[%get3A_1587, %get3A_1588] : memref<256x512xf32, #tpu.memory_space<vmem>>, vector<256x512xf32>
      %dot_general3A_1590 = arith.constant dense<0.000000e+00> : vector<64x512xf32>
      %dot_general3A_1591 = tpu.matmul %concatenate3A_1586, %get3A_1589, %dot_general3A_1590 {dimension_numbers = #tpu.dot_dimension_numbers<[1], [0], [0], [1], [0, 0, 1, 1], [], []>, transpose_lhs_hint = false} : vector<64x256xf32>, vector<256x512xf32>, vector<64x512xf32> -> vector<64x512xf32>
      %get3A_1592 = arith.constant 0 : index
      %get3A_1593 = arith.constant 0 : index
      %get3A_1594 = vector.load %arg2[%get3A_1592, %get3A_1593] : memref<1x512xf32, #tpu.memory_space<vmem>>, vector<1x512xf32>
      %add3A_1595 = vector.broadcast %get3A_1594 : vector<1x512xf32> to vector<64x512xf32>
      %add3A_1596 = arith.addf %dot_general3A_1591, %add3A_1595 : vector<64x512xf32>
      %tanh3A_1597 = math.tanh %add3A_1596 : vector<64x512xf32>
      %mul3A_1598 = arith.constant 5.000000e-01 : f32
      %mul3A_1599 = vector.broadcast %mul3A_1598 : f32 to vector<64x512xf32>
      %mul3A_1600 = arith.mulf %mul3A_1599, %tanh3A_1597 : vector<64x512xf32>
      %add3A_1601 = arith.constant 5.000000e-01 : f32
      %add3A_1602 = vector.broadcast %add3A_1601 : f32 to vector<64x512xf32>
      %add3A_1603 = arith.addf %mul3A_1600, %add3A_1602 : vector<64x512xf32>
      %slice3A_1604 = vector.extract_strided_slice %add3A_1603 {offsets = [0, 0], sizes = [64, 128], strides = [1, 1]} : vector<64x512xf32> to vector<64x128xf32>
      %slice3A_1605 = vector.extract_strided_slice %add3A_1603 {offsets = [0, 128], sizes = [64, 128], strides = [1, 1]} : vector<64x512xf32> to vector<64x128xf32>
      %slice3A_1606 = vector.extract_strided_slice %tanh3A_1597 {offsets = [0, 256], sizes = [64, 128], strides = [1, 1]} : vector<64x512xf32> to vector<64x128xf32>
      %slice3A_1607 = vector.extract_strided_slice %add3A_1603 {offsets = [0, 384], sizes = [64, 128], strides = [1, 1]} : vector<64x512xf32> to vector<64x128xf32>
      %mul3A_1608 = arith.mulf %slice3A_1605, %add3A_1536 : vector<64x128xf32>
      %mul3A_1609 = arith.mulf %slice3A_1604, %slice3A_1606 : vector<64x128xf32>
      %add3A_1610 = arith.addf %mul3A_1608, %mul3A_1609 : vector<64x128xf32>
      %tanh3A_1611 = math.tanh %add3A_1610 : vector<64x128xf32>
      %mul3A_1612 = arith.mulf %slice3A_1607, %tanh3A_1611 : vector<64x128xf32>
      %add3A_1613 = arith.constant 1 : i32
      %add3A_1614 = arith.addi %scan3A_1562, %add3A_1613 : i32
      %min3A_1615 = arith.constant 79 : i32
      %min3A_1616 = arith.minsi %add3A_1614, %min3A_1615 : i32
      %mul3A_1617 = arith.constant 128 : i32
      %mul3A_1618 = arith.muli %min3A_1616, %mul3A_1617 : i32
      %add3A_1619 = arith.constant 64 : i32
      %add3A_1620 = arith.addi %mul3A_1618, %add3A_1619 : i32
      %get3A_1621 = arith.index_cast %add3A_1620 : i32 to index
      %get3A_1622 = arith.constant 0 : index
      %get3A_1623 = vector.load %arg0[%get3A_1621, %get3A_1622] : memref<10240x128xf32, #tpu.memory_space<vmem>>, vector<64x128xf32>
      %concatenate3A_1624 = tpu.concatenate %mul3A_1578, %get3A_1623 in 1 : vector<64x128xf32>, vector<64x128xf32> -> vector<64x256xf32>
      %get3A_1625 = arith.constant 0 : index
      %get3A_1626 = arith.constant 0 : index
      %get3A_1627 = vector.load %arg1[%get3A_1625, %get3A_1626] : memref<256x512xf32, #tpu.memory_space<vmem>>, vector<256x512xf32>
      %dot_general3A_1628 = arith.constant dense<0.000000e+00> : vector<64x512xf32>
      %dot_general3A_1629 = tpu.matmul %concatenate3A_1624, %get3A_1627, %dot_general3A_1628 {dimension_numbers = #tpu.dot_dimension_numbers<[1], [0], [0], [1], [0, 0, 1, 1], [], []>, transpose_lhs_hint = false} : vector<64x256xf32>, vector<256x512xf32>, vector<64x512xf32> -> vector<64x512xf32>
      %get3A_1630 = arith.constant 0 : index
      %get3A_1631 = arith.constant 0 : index
      %get3A_1632 = vector.load %arg2[%get3A_1630, %get3A_1631] : memref<1x512xf32, #tpu.memory_space<vmem>>, vector<1x512xf32>
      %add3A_1633 = vector.broadcast %get3A_1632 : vector<1x512xf32> to vector<64x512xf32>
      %add3A_1634 = arith.addf %dot_general3A_1629, %add3A_1633 : vector<64x512xf32>
      %scan3A_1635 = arith.constant 21 : i32
      %scan3A_1636 = arith.addi %scan3A_78, %scan3A_1635 : i32
      %tanh3A_1637 = math.tanh %add3A_1634 : vector<64x512xf32>
      %mul3A_1638 = arith.constant 5.000000e-01 : f32
      %mul3A_1639 = vector.broadcast %mul3A_1638 : f32 to vector<64x512xf32>
      %mul3A_1640 = arith.mulf %mul3A_1639, %tanh3A_1637 : vector<64x512xf32>
      %add3A_1641 = arith.constant 5.000000e-01 : f32
      %add3A_1642 = vector.broadcast %add3A_1641 : f32 to vector<64x512xf32>
      %add3A_1643 = arith.addf %mul3A_1640, %add3A_1642 : vector<64x512xf32>
      %slice3A_1644 = vector.extract_strided_slice %add3A_1643 {offsets = [0, 0], sizes = [64, 128], strides = [1, 1]} : vector<64x512xf32> to vector<64x128xf32>
      %slice3A_1645 = vector.extract_strided_slice %add3A_1643 {offsets = [0, 128], sizes = [64, 128], strides = [1, 1]} : vector<64x512xf32> to vector<64x128xf32>
      %slice3A_1646 = vector.extract_strided_slice %tanh3A_1637 {offsets = [0, 256], sizes = [64, 128], strides = [1, 1]} : vector<64x512xf32> to vector<64x128xf32>
      %slice3A_1647 = vector.extract_strided_slice %add3A_1643 {offsets = [0, 384], sizes = [64, 128], strides = [1, 1]} : vector<64x512xf32> to vector<64x128xf32>
      %mul3A_1648 = arith.mulf %slice3A_1645, %add3A_1576 : vector<64x128xf32>
      %mul3A_1649 = arith.mulf %slice3A_1644, %slice3A_1646 : vector<64x128xf32>
      %add3A_1650 = arith.addf %mul3A_1648, %mul3A_1649 : vector<64x128xf32>
      %tanh3A_1651 = math.tanh %add3A_1650 : vector<64x128xf32>
      %mul3A_1652 = arith.mulf %slice3A_1647, %tanh3A_1651 : vector<64x128xf32>
      %min3A_1653 = arith.constant 79 : i32
      %min3A_1654 = arith.minsi %scan3A_1636, %min3A_1653 : i32
      %mul3A_1655 = arith.constant 128 : i32
      %mul3A_1656 = arith.muli %min3A_1654, %mul3A_1655 : i32
      %get3A_1657 = arith.index_cast %mul3A_1656 : i32 to index
      %get3A_1658 = arith.constant 0 : index
      %get3A_1659 = vector.load %arg0[%get3A_1657, %get3A_1658] : memref<10240x128xf32, #tpu.memory_space<vmem>>, vector<64x128xf32>
      %concatenate3A_1660 = tpu.concatenate %mul3A_1612, %get3A_1659 in 1 : vector<64x128xf32>, vector<64x128xf32> -> vector<64x256xf32>
      %get3A_1661 = arith.constant 0 : index
      %get3A_1662 = arith.constant 0 : index
      %get3A_1663 = vector.load %arg1[%get3A_1661, %get3A_1662] : memref<256x512xf32, #tpu.memory_space<vmem>>, vector<256x512xf32>
      %dot_general3A_1664 = arith.constant dense<0.000000e+00> : vector<64x512xf32>
      %dot_general3A_1665 = tpu.matmul %concatenate3A_1660, %get3A_1663, %dot_general3A_1664 {dimension_numbers = #tpu.dot_dimension_numbers<[1], [0], [0], [1], [0, 0, 1, 1], [], []>, transpose_lhs_hint = false} : vector<64x256xf32>, vector<256x512xf32>, vector<64x512xf32> -> vector<64x512xf32>
      %get3A_1666 = arith.constant 0 : index
      %get3A_1667 = arith.constant 0 : index
      %get3A_1668 = vector.load %arg2[%get3A_1666, %get3A_1667] : memref<1x512xf32, #tpu.memory_space<vmem>>, vector<1x512xf32>
      %add3A_1669 = vector.broadcast %get3A_1668 : vector<1x512xf32> to vector<64x512xf32>
      %add3A_1670 = arith.addf %dot_general3A_1665, %add3A_1669 : vector<64x512xf32>
      %tanh3A_1671 = math.tanh %add3A_1670 : vector<64x512xf32>
      %mul3A_1672 = arith.constant 5.000000e-01 : f32
      %mul3A_1673 = vector.broadcast %mul3A_1672 : f32 to vector<64x512xf32>
      %mul3A_1674 = arith.mulf %mul3A_1673, %tanh3A_1671 : vector<64x512xf32>
      %add3A_1675 = arith.constant 5.000000e-01 : f32
      %add3A_1676 = vector.broadcast %add3A_1675 : f32 to vector<64x512xf32>
      %add3A_1677 = arith.addf %mul3A_1674, %add3A_1676 : vector<64x512xf32>
      %slice3A_1678 = vector.extract_strided_slice %add3A_1677 {offsets = [0, 0], sizes = [64, 128], strides = [1, 1]} : vector<64x512xf32> to vector<64x128xf32>
      %slice3A_1679 = vector.extract_strided_slice %add3A_1677 {offsets = [0, 128], sizes = [64, 128], strides = [1, 1]} : vector<64x512xf32> to vector<64x128xf32>
      %slice3A_1680 = vector.extract_strided_slice %tanh3A_1671 {offsets = [0, 256], sizes = [64, 128], strides = [1, 1]} : vector<64x512xf32> to vector<64x128xf32>
      %slice3A_1681 = vector.extract_strided_slice %add3A_1677 {offsets = [0, 384], sizes = [64, 128], strides = [1, 1]} : vector<64x512xf32> to vector<64x128xf32>
      %mul3A_1682 = arith.mulf %slice3A_1679, %add3A_1610 : vector<64x128xf32>
      %mul3A_1683 = arith.mulf %slice3A_1678, %slice3A_1680 : vector<64x128xf32>
      %add3A_1684 = arith.addf %mul3A_1682, %mul3A_1683 : vector<64x128xf32>
      %tanh3A_1685 = math.tanh %add3A_1684 : vector<64x128xf32>
      %mul3A_1686 = arith.mulf %slice3A_1681, %tanh3A_1685 : vector<64x128xf32>
      %add3A_1687 = arith.constant 1 : i32
      %add3A_1688 = arith.addi %scan3A_1636, %add3A_1687 : i32
      %min3A_1689 = arith.constant 79 : i32
      %min3A_1690 = arith.minsi %add3A_1688, %min3A_1689 : i32
      %mul3A_1691 = arith.constant 128 : i32
      %mul3A_1692 = arith.muli %min3A_1690, %mul3A_1691 : i32
      %add3A_1693 = arith.constant 64 : i32
      %add3A_1694 = arith.addi %mul3A_1692, %add3A_1693 : i32
      %get3A_1695 = arith.index_cast %add3A_1694 : i32 to index
      %get3A_1696 = arith.constant 0 : index
      %get3A_1697 = vector.load %arg0[%get3A_1695, %get3A_1696] : memref<10240x128xf32, #tpu.memory_space<vmem>>, vector<64x128xf32>
      %concatenate3A_1698 = tpu.concatenate %mul3A_1652, %get3A_1697 in 1 : vector<64x128xf32>, vector<64x128xf32> -> vector<64x256xf32>
      %get3A_1699 = arith.constant 0 : index
      %get3A_1700 = arith.constant 0 : index
      %get3A_1701 = vector.load %arg1[%get3A_1699, %get3A_1700] : memref<256x512xf32, #tpu.memory_space<vmem>>, vector<256x512xf32>
      %dot_general3A_1702 = arith.constant dense<0.000000e+00> : vector<64x512xf32>
      %dot_general3A_1703 = tpu.matmul %concatenate3A_1698, %get3A_1701, %dot_general3A_1702 {dimension_numbers = #tpu.dot_dimension_numbers<[1], [0], [0], [1], [0, 0, 1, 1], [], []>, transpose_lhs_hint = false} : vector<64x256xf32>, vector<256x512xf32>, vector<64x512xf32> -> vector<64x512xf32>
      %get3A_1704 = arith.constant 0 : index
      %get3A_1705 = arith.constant 0 : index
      %get3A_1706 = vector.load %arg2[%get3A_1704, %get3A_1705] : memref<1x512xf32, #tpu.memory_space<vmem>>, vector<1x512xf32>
      %add3A_1707 = vector.broadcast %get3A_1706 : vector<1x512xf32> to vector<64x512xf32>
      %add3A_1708 = arith.addf %dot_general3A_1703, %add3A_1707 : vector<64x512xf32>
      %scan3A_1709 = arith.constant 22 : i32
      %scan3A_1710 = arith.addi %scan3A_78, %scan3A_1709 : i32
      %tanh3A_1711 = math.tanh %add3A_1708 : vector<64x512xf32>
      %mul3A_1712 = arith.constant 5.000000e-01 : f32
      %mul3A_1713 = vector.broadcast %mul3A_1712 : f32 to vector<64x512xf32>
      %mul3A_1714 = arith.mulf %mul3A_1713, %tanh3A_1711 : vector<64x512xf32>
      %add3A_1715 = arith.constant 5.000000e-01 : f32
      %add3A_1716 = vector.broadcast %add3A_1715 : f32 to vector<64x512xf32>
      %add3A_1717 = arith.addf %mul3A_1714, %add3A_1716 : vector<64x512xf32>
      %slice3A_1718 = vector.extract_strided_slice %add3A_1717 {offsets = [0, 0], sizes = [64, 128], strides = [1, 1]} : vector<64x512xf32> to vector<64x128xf32>
      %slice3A_1719 = vector.extract_strided_slice %add3A_1717 {offsets = [0, 128], sizes = [64, 128], strides = [1, 1]} : vector<64x512xf32> to vector<64x128xf32>
      %slice3A_1720 = vector.extract_strided_slice %tanh3A_1711 {offsets = [0, 256], sizes = [64, 128], strides = [1, 1]} : vector<64x512xf32> to vector<64x128xf32>
      %slice3A_1721 = vector.extract_strided_slice %add3A_1717 {offsets = [0, 384], sizes = [64, 128], strides = [1, 1]} : vector<64x512xf32> to vector<64x128xf32>
      %mul3A_1722 = arith.mulf %slice3A_1719, %add3A_1650 : vector<64x128xf32>
      %mul3A_1723 = arith.mulf %slice3A_1718, %slice3A_1720 : vector<64x128xf32>
      %add3A_1724 = arith.addf %mul3A_1722, %mul3A_1723 : vector<64x128xf32>
      %tanh3A_1725 = math.tanh %add3A_1724 : vector<64x128xf32>
      %mul3A_1726 = arith.mulf %slice3A_1721, %tanh3A_1725 : vector<64x128xf32>
      %min3A_1727 = arith.constant 79 : i32
      %min3A_1728 = arith.minsi %scan3A_1710, %min3A_1727 : i32
      %mul3A_1729 = arith.constant 128 : i32
      %mul3A_1730 = arith.muli %min3A_1728, %mul3A_1729 : i32
      %get3A_1731 = arith.index_cast %mul3A_1730 : i32 to index
      %get3A_1732 = arith.constant 0 : index
      %get3A_1733 = vector.load %arg0[%get3A_1731, %get3A_1732] : memref<10240x128xf32, #tpu.memory_space<vmem>>, vector<64x128xf32>
      %concatenate3A_1734 = tpu.concatenate %mul3A_1686, %get3A_1733 in 1 : vector<64x128xf32>, vector<64x128xf32> -> vector<64x256xf32>
      %get3A_1735 = arith.constant 0 : index
      %get3A_1736 = arith.constant 0 : index
      %get3A_1737 = vector.load %arg1[%get3A_1735, %get3A_1736] : memref<256x512xf32, #tpu.memory_space<vmem>>, vector<256x512xf32>
      %dot_general3A_1738 = arith.constant dense<0.000000e+00> : vector<64x512xf32>
      %dot_general3A_1739 = tpu.matmul %concatenate3A_1734, %get3A_1737, %dot_general3A_1738 {dimension_numbers = #tpu.dot_dimension_numbers<[1], [0], [0], [1], [0, 0, 1, 1], [], []>, transpose_lhs_hint = false} : vector<64x256xf32>, vector<256x512xf32>, vector<64x512xf32> -> vector<64x512xf32>
      %get3A_1740 = arith.constant 0 : index
      %get3A_1741 = arith.constant 0 : index
      %get3A_1742 = vector.load %arg2[%get3A_1740, %get3A_1741] : memref<1x512xf32, #tpu.memory_space<vmem>>, vector<1x512xf32>
      %add3A_1743 = vector.broadcast %get3A_1742 : vector<1x512xf32> to vector<64x512xf32>
      %add3A_1744 = arith.addf %dot_general3A_1739, %add3A_1743 : vector<64x512xf32>
      %tanh3A_1745 = math.tanh %add3A_1744 : vector<64x512xf32>
      %mul3A_1746 = arith.constant 5.000000e-01 : f32
      %mul3A_1747 = vector.broadcast %mul3A_1746 : f32 to vector<64x512xf32>
      %mul3A_1748 = arith.mulf %mul3A_1747, %tanh3A_1745 : vector<64x512xf32>
      %add3A_1749 = arith.constant 5.000000e-01 : f32
      %add3A_1750 = vector.broadcast %add3A_1749 : f32 to vector<64x512xf32>
      %add3A_1751 = arith.addf %mul3A_1748, %add3A_1750 : vector<64x512xf32>
      %slice3A_1752 = vector.extract_strided_slice %add3A_1751 {offsets = [0, 0], sizes = [64, 128], strides = [1, 1]} : vector<64x512xf32> to vector<64x128xf32>
      %slice3A_1753 = vector.extract_strided_slice %add3A_1751 {offsets = [0, 128], sizes = [64, 128], strides = [1, 1]} : vector<64x512xf32> to vector<64x128xf32>
      %slice3A_1754 = vector.extract_strided_slice %tanh3A_1745 {offsets = [0, 256], sizes = [64, 128], strides = [1, 1]} : vector<64x512xf32> to vector<64x128xf32>
      %slice3A_1755 = vector.extract_strided_slice %add3A_1751 {offsets = [0, 384], sizes = [64, 128], strides = [1, 1]} : vector<64x512xf32> to vector<64x128xf32>
      %mul3A_1756 = arith.mulf %slice3A_1753, %add3A_1684 : vector<64x128xf32>
      %mul3A_1757 = arith.mulf %slice3A_1752, %slice3A_1754 : vector<64x128xf32>
      %add3A_1758 = arith.addf %mul3A_1756, %mul3A_1757 : vector<64x128xf32>
      %tanh3A_1759 = math.tanh %add3A_1758 : vector<64x128xf32>
      %mul3A_1760 = arith.mulf %slice3A_1755, %tanh3A_1759 : vector<64x128xf32>
      %add3A_1761 = arith.constant 1 : i32
      %add3A_1762 = arith.addi %scan3A_1710, %add3A_1761 : i32
      %min3A_1763 = arith.constant 79 : i32
      %min3A_1764 = arith.minsi %add3A_1762, %min3A_1763 : i32
      %mul3A_1765 = arith.constant 128 : i32
      %mul3A_1766 = arith.muli %min3A_1764, %mul3A_1765 : i32
      %add3A_1767 = arith.constant 64 : i32
      %add3A_1768 = arith.addi %mul3A_1766, %add3A_1767 : i32
      %get3A_1769 = arith.index_cast %add3A_1768 : i32 to index
      %get3A_1770 = arith.constant 0 : index
      %get3A_1771 = vector.load %arg0[%get3A_1769, %get3A_1770] : memref<10240x128xf32, #tpu.memory_space<vmem>>, vector<64x128xf32>
      %concatenate3A_1772 = tpu.concatenate %mul3A_1726, %get3A_1771 in 1 : vector<64x128xf32>, vector<64x128xf32> -> vector<64x256xf32>
      %get3A_1773 = arith.constant 0 : index
      %get3A_1774 = arith.constant 0 : index
      %get3A_1775 = vector.load %arg1[%get3A_1773, %get3A_1774] : memref<256x512xf32, #tpu.memory_space<vmem>>, vector<256x512xf32>
      %dot_general3A_1776 = arith.constant dense<0.000000e+00> : vector<64x512xf32>
      %dot_general3A_1777 = tpu.matmul %concatenate3A_1772, %get3A_1775, %dot_general3A_1776 {dimension_numbers = #tpu.dot_dimension_numbers<[1], [0], [0], [1], [0, 0, 1, 1], [], []>, transpose_lhs_hint = false} : vector<64x256xf32>, vector<256x512xf32>, vector<64x512xf32> -> vector<64x512xf32>
      %get3A_1778 = arith.constant 0 : index
      %get3A_1779 = arith.constant 0 : index
      %get3A_1780 = vector.load %arg2[%get3A_1778, %get3A_1779] : memref<1x512xf32, #tpu.memory_space<vmem>>, vector<1x512xf32>
      %add3A_1781 = vector.broadcast %get3A_1780 : vector<1x512xf32> to vector<64x512xf32>
      %add3A_1782 = arith.addf %dot_general3A_1777, %add3A_1781 : vector<64x512xf32>
      %scan3A_1783 = arith.constant 23 : i32
      %scan3A_1784 = arith.addi %scan3A_78, %scan3A_1783 : i32
      %tanh3A_1785 = math.tanh %add3A_1782 : vector<64x512xf32>
      %mul3A_1786 = arith.constant 5.000000e-01 : f32
      %mul3A_1787 = vector.broadcast %mul3A_1786 : f32 to vector<64x512xf32>
      %mul3A_1788 = arith.mulf %mul3A_1787, %tanh3A_1785 : vector<64x512xf32>
      %add3A_1789 = arith.constant 5.000000e-01 : f32
      %add3A_1790 = vector.broadcast %add3A_1789 : f32 to vector<64x512xf32>
      %add3A_1791 = arith.addf %mul3A_1788, %add3A_1790 : vector<64x512xf32>
      %slice3A_1792 = vector.extract_strided_slice %add3A_1791 {offsets = [0, 0], sizes = [64, 128], strides = [1, 1]} : vector<64x512xf32> to vector<64x128xf32>
      %slice3A_1793 = vector.extract_strided_slice %add3A_1791 {offsets = [0, 128], sizes = [64, 128], strides = [1, 1]} : vector<64x512xf32> to vector<64x128xf32>
      %slice3A_1794 = vector.extract_strided_slice %tanh3A_1785 {offsets = [0, 256], sizes = [64, 128], strides = [1, 1]} : vector<64x512xf32> to vector<64x128xf32>
      %slice3A_1795 = vector.extract_strided_slice %add3A_1791 {offsets = [0, 384], sizes = [64, 128], strides = [1, 1]} : vector<64x512xf32> to vector<64x128xf32>
      %mul3A_1796 = arith.mulf %slice3A_1793, %add3A_1724 : vector<64x128xf32>
      %mul3A_1797 = arith.mulf %slice3A_1792, %slice3A_1794 : vector<64x128xf32>
      %add3A_1798 = arith.addf %mul3A_1796, %mul3A_1797 : vector<64x128xf32>
      %tanh3A_1799 = math.tanh %add3A_1798 : vector<64x128xf32>
      %mul3A_1800 = arith.mulf %slice3A_1795, %tanh3A_1799 : vector<64x128xf32>
      %min3A_1801 = arith.constant 79 : i32
      %min3A_1802 = arith.minsi %scan3A_1784, %min3A_1801 : i32
      %mul3A_1803 = arith.constant 128 : i32
      %mul3A_1804 = arith.muli %min3A_1802, %mul3A_1803 : i32
      %get3A_1805 = arith.index_cast %mul3A_1804 : i32 to index
      %get3A_1806 = arith.constant 0 : index
      %get3A_1807 = vector.load %arg0[%get3A_1805, %get3A_1806] : memref<10240x128xf32, #tpu.memory_space<vmem>>, vector<64x128xf32>
      %concatenate3A_1808 = tpu.concatenate %mul3A_1760, %get3A_1807 in 1 : vector<64x128xf32>, vector<64x128xf32> -> vector<64x256xf32>
      %get3A_1809 = arith.constant 0 : index
      %get3A_1810 = arith.constant 0 : index
      %get3A_1811 = vector.load %arg1[%get3A_1809, %get3A_1810] : memref<256x512xf32, #tpu.memory_space<vmem>>, vector<256x512xf32>
      %dot_general3A_1812 = arith.constant dense<0.000000e+00> : vector<64x512xf32>
      %dot_general3A_1813 = tpu.matmul %concatenate3A_1808, %get3A_1811, %dot_general3A_1812 {dimension_numbers = #tpu.dot_dimension_numbers<[1], [0], [0], [1], [0, 0, 1, 1], [], []>, transpose_lhs_hint = false} : vector<64x256xf32>, vector<256x512xf32>, vector<64x512xf32> -> vector<64x512xf32>
      %get3A_1814 = arith.constant 0 : index
      %get3A_1815 = arith.constant 0 : index
      %get3A_1816 = vector.load %arg2[%get3A_1814, %get3A_1815] : memref<1x512xf32, #tpu.memory_space<vmem>>, vector<1x512xf32>
      %add3A_1817 = vector.broadcast %get3A_1816 : vector<1x512xf32> to vector<64x512xf32>
      %add3A_1818 = arith.addf %dot_general3A_1813, %add3A_1817 : vector<64x512xf32>
      %tanh3A_1819 = math.tanh %add3A_1818 : vector<64x512xf32>
      %mul3A_1820 = arith.constant 5.000000e-01 : f32
      %mul3A_1821 = vector.broadcast %mul3A_1820 : f32 to vector<64x512xf32>
      %mul3A_1822 = arith.mulf %mul3A_1821, %tanh3A_1819 : vector<64x512xf32>
      %add3A_1823 = arith.constant 5.000000e-01 : f32
      %add3A_1824 = vector.broadcast %add3A_1823 : f32 to vector<64x512xf32>
      %add3A_1825 = arith.addf %mul3A_1822, %add3A_1824 : vector<64x512xf32>
      %slice3A_1826 = vector.extract_strided_slice %add3A_1825 {offsets = [0, 0], sizes = [64, 128], strides = [1, 1]} : vector<64x512xf32> to vector<64x128xf32>
      %slice3A_1827 = vector.extract_strided_slice %add3A_1825 {offsets = [0, 128], sizes = [64, 128], strides = [1, 1]} : vector<64x512xf32> to vector<64x128xf32>
      %slice3A_1828 = vector.extract_strided_slice %tanh3A_1819 {offsets = [0, 256], sizes = [64, 128], strides = [1, 1]} : vector<64x512xf32> to vector<64x128xf32>
      %slice3A_1829 = vector.extract_strided_slice %add3A_1825 {offsets = [0, 384], sizes = [64, 128], strides = [1, 1]} : vector<64x512xf32> to vector<64x128xf32>
      %mul3A_1830 = arith.mulf %slice3A_1827, %add3A_1758 : vector<64x128xf32>
      %mul3A_1831 = arith.mulf %slice3A_1826, %slice3A_1828 : vector<64x128xf32>
      %add3A_1832 = arith.addf %mul3A_1830, %mul3A_1831 : vector<64x128xf32>
      %tanh3A_1833 = math.tanh %add3A_1832 : vector<64x128xf32>
      %mul3A_1834 = arith.mulf %slice3A_1829, %tanh3A_1833 : vector<64x128xf32>
      %add3A_1835 = arith.constant 1 : i32
      %add3A_1836 = arith.addi %scan3A_1784, %add3A_1835 : i32
      %min3A_1837 = arith.constant 79 : i32
      %min3A_1838 = arith.minsi %add3A_1836, %min3A_1837 : i32
      %mul3A_1839 = arith.constant 128 : i32
      %mul3A_1840 = arith.muli %min3A_1838, %mul3A_1839 : i32
      %add3A_1841 = arith.constant 64 : i32
      %add3A_1842 = arith.addi %mul3A_1840, %add3A_1841 : i32
      %get3A_1843 = arith.index_cast %add3A_1842 : i32 to index
      %get3A_1844 = arith.constant 0 : index
      %get3A_1845 = vector.load %arg0[%get3A_1843, %get3A_1844] : memref<10240x128xf32, #tpu.memory_space<vmem>>, vector<64x128xf32>
      %concatenate3A_1846 = tpu.concatenate %mul3A_1800, %get3A_1845 in 1 : vector<64x128xf32>, vector<64x128xf32> -> vector<64x256xf32>
      %get3A_1847 = arith.constant 0 : index
      %get3A_1848 = arith.constant 0 : index
      %get3A_1849 = vector.load %arg1[%get3A_1847, %get3A_1848] : memref<256x512xf32, #tpu.memory_space<vmem>>, vector<256x512xf32>
      %dot_general3A_1850 = arith.constant dense<0.000000e+00> : vector<64x512xf32>
      %dot_general3A_1851 = tpu.matmul %concatenate3A_1846, %get3A_1849, %dot_general3A_1850 {dimension_numbers = #tpu.dot_dimension_numbers<[1], [0], [0], [1], [0, 0, 1, 1], [], []>, transpose_lhs_hint = false} : vector<64x256xf32>, vector<256x512xf32>, vector<64x512xf32> -> vector<64x512xf32>
      %get3A_1852 = arith.constant 0 : index
      %get3A_1853 = arith.constant 0 : index
      %get3A_1854 = vector.load %arg2[%get3A_1852, %get3A_1853] : memref<1x512xf32, #tpu.memory_space<vmem>>, vector<1x512xf32>
      %add3A_1855 = vector.broadcast %get3A_1854 : vector<1x512xf32> to vector<64x512xf32>
      %add3A_1856 = arith.addf %dot_general3A_1851, %add3A_1855 : vector<64x512xf32>
      %scan3A_1857 = arith.constant 24 : i32
      %scan3A_1858 = arith.addi %scan3A_78, %scan3A_1857 : i32
      %tanh3A_1859 = math.tanh %add3A_1856 : vector<64x512xf32>
      %mul3A_1860 = arith.constant 5.000000e-01 : f32
      %mul3A_1861 = vector.broadcast %mul3A_1860 : f32 to vector<64x512xf32>
      %mul3A_1862 = arith.mulf %mul3A_1861, %tanh3A_1859 : vector<64x512xf32>
      %add3A_1863 = arith.constant 5.000000e-01 : f32
      %add3A_1864 = vector.broadcast %add3A_1863 : f32 to vector<64x512xf32>
      %add3A_1865 = arith.addf %mul3A_1862, %add3A_1864 : vector<64x512xf32>
      %slice3A_1866 = vector.extract_strided_slice %add3A_1865 {offsets = [0, 0], sizes = [64, 128], strides = [1, 1]} : vector<64x512xf32> to vector<64x128xf32>
      %slice3A_1867 = vector.extract_strided_slice %add3A_1865 {offsets = [0, 128], sizes = [64, 128], strides = [1, 1]} : vector<64x512xf32> to vector<64x128xf32>
      %slice3A_1868 = vector.extract_strided_slice %tanh3A_1859 {offsets = [0, 256], sizes = [64, 128], strides = [1, 1]} : vector<64x512xf32> to vector<64x128xf32>
      %slice3A_1869 = vector.extract_strided_slice %add3A_1865 {offsets = [0, 384], sizes = [64, 128], strides = [1, 1]} : vector<64x512xf32> to vector<64x128xf32>
      %mul3A_1870 = arith.mulf %slice3A_1867, %add3A_1798 : vector<64x128xf32>
      %mul3A_1871 = arith.mulf %slice3A_1866, %slice3A_1868 : vector<64x128xf32>
      %add3A_1872 = arith.addf %mul3A_1870, %mul3A_1871 : vector<64x128xf32>
      %tanh3A_1873 = math.tanh %add3A_1872 : vector<64x128xf32>
      %mul3A_1874 = arith.mulf %slice3A_1869, %tanh3A_1873 : vector<64x128xf32>
      %min3A_1875 = arith.constant 79 : i32
      %min3A_1876 = arith.minsi %scan3A_1858, %min3A_1875 : i32
      %mul3A_1877 = arith.constant 128 : i32
      %mul3A_1878 = arith.muli %min3A_1876, %mul3A_1877 : i32
      %get3A_1879 = arith.index_cast %mul3A_1878 : i32 to index
      %get3A_1880 = arith.constant 0 : index
      %get3A_1881 = vector.load %arg0[%get3A_1879, %get3A_1880] : memref<10240x128xf32, #tpu.memory_space<vmem>>, vector<64x128xf32>
      %concatenate3A_1882 = tpu.concatenate %mul3A_1834, %get3A_1881 in 1 : vector<64x128xf32>, vector<64x128xf32> -> vector<64x256xf32>
      %get3A_1883 = arith.constant 0 : index
      %get3A_1884 = arith.constant 0 : index
      %get3A_1885 = vector.load %arg1[%get3A_1883, %get3A_1884] : memref<256x512xf32, #tpu.memory_space<vmem>>, vector<256x512xf32>
      %dot_general3A_1886 = arith.constant dense<0.000000e+00> : vector<64x512xf32>
      %dot_general3A_1887 = tpu.matmul %concatenate3A_1882, %get3A_1885, %dot_general3A_1886 {dimension_numbers = #tpu.dot_dimension_numbers<[1], [0], [0], [1], [0, 0, 1, 1], [], []>, transpose_lhs_hint = false} : vector<64x256xf32>, vector<256x512xf32>, vector<64x512xf32> -> vector<64x512xf32>
      %get3A_1888 = arith.constant 0 : index
      %get3A_1889 = arith.constant 0 : index
      %get3A_1890 = vector.load %arg2[%get3A_1888, %get3A_1889] : memref<1x512xf32, #tpu.memory_space<vmem>>, vector<1x512xf32>
      %add3A_1891 = vector.broadcast %get3A_1890 : vector<1x512xf32> to vector<64x512xf32>
      %add3A_1892 = arith.addf %dot_general3A_1887, %add3A_1891 : vector<64x512xf32>
      %tanh3A_1893 = math.tanh %add3A_1892 : vector<64x512xf32>
      %mul3A_1894 = arith.constant 5.000000e-01 : f32
      %mul3A_1895 = vector.broadcast %mul3A_1894 : f32 to vector<64x512xf32>
      %mul3A_1896 = arith.mulf %mul3A_1895, %tanh3A_1893 : vector<64x512xf32>
      %add3A_1897 = arith.constant 5.000000e-01 : f32
      %add3A_1898 = vector.broadcast %add3A_1897 : f32 to vector<64x512xf32>
      %add3A_1899 = arith.addf %mul3A_1896, %add3A_1898 : vector<64x512xf32>
      %slice3A_1900 = vector.extract_strided_slice %add3A_1899 {offsets = [0, 0], sizes = [64, 128], strides = [1, 1]} : vector<64x512xf32> to vector<64x128xf32>
      %slice3A_1901 = vector.extract_strided_slice %add3A_1899 {offsets = [0, 128], sizes = [64, 128], strides = [1, 1]} : vector<64x512xf32> to vector<64x128xf32>
      %slice3A_1902 = vector.extract_strided_slice %tanh3A_1893 {offsets = [0, 256], sizes = [64, 128], strides = [1, 1]} : vector<64x512xf32> to vector<64x128xf32>
      %slice3A_1903 = vector.extract_strided_slice %add3A_1899 {offsets = [0, 384], sizes = [64, 128], strides = [1, 1]} : vector<64x512xf32> to vector<64x128xf32>
      %mul3A_1904 = arith.mulf %slice3A_1901, %add3A_1832 : vector<64x128xf32>
      %mul3A_1905 = arith.mulf %slice3A_1900, %slice3A_1902 : vector<64x128xf32>
      %add3A_1906 = arith.addf %mul3A_1904, %mul3A_1905 : vector<64x128xf32>
      %tanh3A_1907 = math.tanh %add3A_1906 : vector<64x128xf32>
      %mul3A_1908 = arith.mulf %slice3A_1903, %tanh3A_1907 : vector<64x128xf32>
      %add3A_1909 = arith.constant 1 : i32
      %add3A_1910 = arith.addi %scan3A_1858, %add3A_1909 : i32
      %min3A_1911 = arith.constant 79 : i32
      %min3A_1912 = arith.minsi %add3A_1910, %min3A_1911 : i32
      %mul3A_1913 = arith.constant 128 : i32
      %mul3A_1914 = arith.muli %min3A_1912, %mul3A_1913 : i32
      %add3A_1915 = arith.constant 64 : i32
      %add3A_1916 = arith.addi %mul3A_1914, %add3A_1915 : i32
      %get3A_1917 = arith.index_cast %add3A_1916 : i32 to index
      %get3A_1918 = arith.constant 0 : index
      %get3A_1919 = vector.load %arg0[%get3A_1917, %get3A_1918] : memref<10240x128xf32, #tpu.memory_space<vmem>>, vector<64x128xf32>
      %concatenate3A_1920 = tpu.concatenate %mul3A_1874, %get3A_1919 in 1 : vector<64x128xf32>, vector<64x128xf32> -> vector<64x256xf32>
      %get3A_1921 = arith.constant 0 : index
      %get3A_1922 = arith.constant 0 : index
      %get3A_1923 = vector.load %arg1[%get3A_1921, %get3A_1922] : memref<256x512xf32, #tpu.memory_space<vmem>>, vector<256x512xf32>
      %dot_general3A_1924 = arith.constant dense<0.000000e+00> : vector<64x512xf32>
      %dot_general3A_1925 = tpu.matmul %concatenate3A_1920, %get3A_1923, %dot_general3A_1924 {dimension_numbers = #tpu.dot_dimension_numbers<[1], [0], [0], [1], [0, 0, 1, 1], [], []>, transpose_lhs_hint = false} : vector<64x256xf32>, vector<256x512xf32>, vector<64x512xf32> -> vector<64x512xf32>
      %get3A_1926 = arith.constant 0 : index
      %get3A_1927 = arith.constant 0 : index
      %get3A_1928 = vector.load %arg2[%get3A_1926, %get3A_1927] : memref<1x512xf32, #tpu.memory_space<vmem>>, vector<1x512xf32>
      %add3A_1929 = vector.broadcast %get3A_1928 : vector<1x512xf32> to vector<64x512xf32>
      %add3A_1930 = arith.addf %dot_general3A_1925, %add3A_1929 : vector<64x512xf32>
      %scan3A_1931 = arith.constant 25 : i32
      %scan3A_1932 = arith.addi %scan3A_78, %scan3A_1931 : i32
      %tanh3A_1933 = math.tanh %add3A_1930 : vector<64x512xf32>
      %mul3A_1934 = arith.constant 5.000000e-01 : f32
      %mul3A_1935 = vector.broadcast %mul3A_1934 : f32 to vector<64x512xf32>
      %mul3A_1936 = arith.mulf %mul3A_1935, %tanh3A_1933 : vector<64x512xf32>
      %add3A_1937 = arith.constant 5.000000e-01 : f32
      %add3A_1938 = vector.broadcast %add3A_1937 : f32 to vector<64x512xf32>
      %add3A_1939 = arith.addf %mul3A_1936, %add3A_1938 : vector<64x512xf32>
      %slice3A_1940 = vector.extract_strided_slice %add3A_1939 {offsets = [0, 0], sizes = [64, 128], strides = [1, 1]} : vector<64x512xf32> to vector<64x128xf32>
      %slice3A_1941 = vector.extract_strided_slice %add3A_1939 {offsets = [0, 128], sizes = [64, 128], strides = [1, 1]} : vector<64x512xf32> to vector<64x128xf32>
      %slice3A_1942 = vector.extract_strided_slice %tanh3A_1933 {offsets = [0, 256], sizes = [64, 128], strides = [1, 1]} : vector<64x512xf32> to vector<64x128xf32>
      %slice3A_1943 = vector.extract_strided_slice %add3A_1939 {offsets = [0, 384], sizes = [64, 128], strides = [1, 1]} : vector<64x512xf32> to vector<64x128xf32>
      %mul3A_1944 = arith.mulf %slice3A_1941, %add3A_1872 : vector<64x128xf32>
      %mul3A_1945 = arith.mulf %slice3A_1940, %slice3A_1942 : vector<64x128xf32>
      %add3A_1946 = arith.addf %mul3A_1944, %mul3A_1945 : vector<64x128xf32>
      %tanh3A_1947 = math.tanh %add3A_1946 : vector<64x128xf32>
      %mul3A_1948 = arith.mulf %slice3A_1943, %tanh3A_1947 : vector<64x128xf32>
      %min3A_1949 = arith.constant 79 : i32
      %min3A_1950 = arith.minsi %scan3A_1932, %min3A_1949 : i32
      %mul3A_1951 = arith.constant 128 : i32
      %mul3A_1952 = arith.muli %min3A_1950, %mul3A_1951 : i32
      %get3A_1953 = arith.index_cast %mul3A_1952 : i32 to index
      %get3A_1954 = arith.constant 0 : index
      %get3A_1955 = vector.load %arg0[%get3A_1953, %get3A_1954] : memref<10240x128xf32, #tpu.memory_space<vmem>>, vector<64x128xf32>
      %concatenate3A_1956 = tpu.concatenate %mul3A_1908, %get3A_1955 in 1 : vector<64x128xf32>, vector<64x128xf32> -> vector<64x256xf32>
      %get3A_1957 = arith.constant 0 : index
      %get3A_1958 = arith.constant 0 : index
      %get3A_1959 = vector.load %arg1[%get3A_1957, %get3A_1958] : memref<256x512xf32, #tpu.memory_space<vmem>>, vector<256x512xf32>
      %dot_general3A_1960 = arith.constant dense<0.000000e+00> : vector<64x512xf32>
      %dot_general3A_1961 = tpu.matmul %concatenate3A_1956, %get3A_1959, %dot_general3A_1960 {dimension_numbers = #tpu.dot_dimension_numbers<[1], [0], [0], [1], [0, 0, 1, 1], [], []>, transpose_lhs_hint = false} : vector<64x256xf32>, vector<256x512xf32>, vector<64x512xf32> -> vector<64x512xf32>
      %get3A_1962 = arith.constant 0 : index
      %get3A_1963 = arith.constant 0 : index
      %get3A_1964 = vector.load %arg2[%get3A_1962, %get3A_1963] : memref<1x512xf32, #tpu.memory_space<vmem>>, vector<1x512xf32>
      %add3A_1965 = vector.broadcast %get3A_1964 : vector<1x512xf32> to vector<64x512xf32>
      %add3A_1966 = arith.addf %dot_general3A_1961, %add3A_1965 : vector<64x512xf32>
      %tanh3A_1967 = math.tanh %add3A_1966 : vector<64x512xf32>
      %mul3A_1968 = arith.constant 5.000000e-01 : f32
      %mul3A_1969 = vector.broadcast %mul3A_1968 : f32 to vector<64x512xf32>
      %mul3A_1970 = arith.mulf %mul3A_1969, %tanh3A_1967 : vector<64x512xf32>
      %add3A_1971 = arith.constant 5.000000e-01 : f32
      %add3A_1972 = vector.broadcast %add3A_1971 : f32 to vector<64x512xf32>
      %add3A_1973 = arith.addf %mul3A_1970, %add3A_1972 : vector<64x512xf32>
      %slice3A_1974 = vector.extract_strided_slice %add3A_1973 {offsets = [0, 0], sizes = [64, 128], strides = [1, 1]} : vector<64x512xf32> to vector<64x128xf32>
      %slice3A_1975 = vector.extract_strided_slice %add3A_1973 {offsets = [0, 128], sizes = [64, 128], strides = [1, 1]} : vector<64x512xf32> to vector<64x128xf32>
      %slice3A_1976 = vector.extract_strided_slice %tanh3A_1967 {offsets = [0, 256], sizes = [64, 128], strides = [1, 1]} : vector<64x512xf32> to vector<64x128xf32>
      %slice3A_1977 = vector.extract_strided_slice %add3A_1973 {offsets = [0, 384], sizes = [64, 128], strides = [1, 1]} : vector<64x512xf32> to vector<64x128xf32>
      %mul3A_1978 = arith.mulf %slice3A_1975, %add3A_1906 : vector<64x128xf32>
      %mul3A_1979 = arith.mulf %slice3A_1974, %slice3A_1976 : vector<64x128xf32>
      %add3A_1980 = arith.addf %mul3A_1978, %mul3A_1979 : vector<64x128xf32>
      %tanh3A_1981 = math.tanh %add3A_1980 : vector<64x128xf32>
      %mul3A_1982 = arith.mulf %slice3A_1977, %tanh3A_1981 : vector<64x128xf32>
      %add3A_1983 = arith.constant 1 : i32
      %add3A_1984 = arith.addi %scan3A_1932, %add3A_1983 : i32
      %min3A_1985 = arith.constant 79 : i32
      %min3A_1986 = arith.minsi %add3A_1984, %min3A_1985 : i32
      %mul3A_1987 = arith.constant 128 : i32
      %mul3A_1988 = arith.muli %min3A_1986, %mul3A_1987 : i32
      %add3A_1989 = arith.constant 64 : i32
      %add3A_1990 = arith.addi %mul3A_1988, %add3A_1989 : i32
      %get3A_1991 = arith.index_cast %add3A_1990 : i32 to index
      %get3A_1992 = arith.constant 0 : index
      %get3A_1993 = vector.load %arg0[%get3A_1991, %get3A_1992] : memref<10240x128xf32, #tpu.memory_space<vmem>>, vector<64x128xf32>
      %concatenate3A_1994 = tpu.concatenate %mul3A_1948, %get3A_1993 in 1 : vector<64x128xf32>, vector<64x128xf32> -> vector<64x256xf32>
      %get3A_1995 = arith.constant 0 : index
      %get3A_1996 = arith.constant 0 : index
      %get3A_1997 = vector.load %arg1[%get3A_1995, %get3A_1996] : memref<256x512xf32, #tpu.memory_space<vmem>>, vector<256x512xf32>
      %dot_general3A_1998 = arith.constant dense<0.000000e+00> : vector<64x512xf32>
      %dot_general3A_1999 = tpu.matmul %concatenate3A_1994, %get3A_1997, %dot_general3A_1998 {dimension_numbers = #tpu.dot_dimension_numbers<[1], [0], [0], [1], [0, 0, 1, 1], [], []>, transpose_lhs_hint = false} : vector<64x256xf32>, vector<256x512xf32>, vector<64x512xf32> -> vector<64x512xf32>
      %get3A_2000 = arith.constant 0 : index
      %get3A_2001 = arith.constant 0 : index
      %get3A_2002 = vector.load %arg2[%get3A_2000, %get3A_2001] : memref<1x512xf32, #tpu.memory_space<vmem>>, vector<1x512xf32>
      %add3A_2003 = vector.broadcast %get3A_2002 : vector<1x512xf32> to vector<64x512xf32>
      %add3A_2004 = arith.addf %dot_general3A_1999, %add3A_2003 : vector<64x512xf32>
      %scan3A_2005 = arith.constant 26 : i32
      %scan3A_2006 = arith.addi %scan3A_78, %scan3A_2005 : i32
      %tanh3A_2007 = math.tanh %add3A_2004 : vector<64x512xf32>
      %mul3A_2008 = arith.constant 5.000000e-01 : f32
      %mul3A_2009 = vector.broadcast %mul3A_2008 : f32 to vector<64x512xf32>
      %mul3A_2010 = arith.mulf %mul3A_2009, %tanh3A_2007 : vector<64x512xf32>
      %add3A_2011 = arith.constant 5.000000e-01 : f32
      %add3A_2012 = vector.broadcast %add3A_2011 : f32 to vector<64x512xf32>
      %add3A_2013 = arith.addf %mul3A_2010, %add3A_2012 : vector<64x512xf32>
      %slice3A_2014 = vector.extract_strided_slice %add3A_2013 {offsets = [0, 0], sizes = [64, 128], strides = [1, 1]} : vector<64x512xf32> to vector<64x128xf32>
      %slice3A_2015 = vector.extract_strided_slice %add3A_2013 {offsets = [0, 128], sizes = [64, 128], strides = [1, 1]} : vector<64x512xf32> to vector<64x128xf32>
      %slice3A_2016 = vector.extract_strided_slice %tanh3A_2007 {offsets = [0, 256], sizes = [64, 128], strides = [1, 1]} : vector<64x512xf32> to vector<64x128xf32>
      %slice3A_2017 = vector.extract_strided_slice %add3A_2013 {offsets = [0, 384], sizes = [64, 128], strides = [1, 1]} : vector<64x512xf32> to vector<64x128xf32>
      %mul3A_2018 = arith.mulf %slice3A_2015, %add3A_1946 : vector<64x128xf32>
      %mul3A_2019 = arith.mulf %slice3A_2014, %slice3A_2016 : vector<64x128xf32>
      %add3A_2020 = arith.addf %mul3A_2018, %mul3A_2019 : vector<64x128xf32>
      %tanh3A_2021 = math.tanh %add3A_2020 : vector<64x128xf32>
      %mul3A_2022 = arith.mulf %slice3A_2017, %tanh3A_2021 : vector<64x128xf32>
      %min3A_2023 = arith.constant 79 : i32
      %min3A_2024 = arith.minsi %scan3A_2006, %min3A_2023 : i32
      %mul3A_2025 = arith.constant 128 : i32
      %mul3A_2026 = arith.muli %min3A_2024, %mul3A_2025 : i32
      %get3A_2027 = arith.index_cast %mul3A_2026 : i32 to index
      %get3A_2028 = arith.constant 0 : index
      %get3A_2029 = vector.load %arg0[%get3A_2027, %get3A_2028] : memref<10240x128xf32, #tpu.memory_space<vmem>>, vector<64x128xf32>
      %concatenate3A_2030 = tpu.concatenate %mul3A_1982, %get3A_2029 in 1 : vector<64x128xf32>, vector<64x128xf32> -> vector<64x256xf32>
      %get3A_2031 = arith.constant 0 : index
      %get3A_2032 = arith.constant 0 : index
      %get3A_2033 = vector.load %arg1[%get3A_2031, %get3A_2032] : memref<256x512xf32, #tpu.memory_space<vmem>>, vector<256x512xf32>
      %dot_general3A_2034 = arith.constant dense<0.000000e+00> : vector<64x512xf32>
      %dot_general3A_2035 = tpu.matmul %concatenate3A_2030, %get3A_2033, %dot_general3A_2034 {dimension_numbers = #tpu.dot_dimension_numbers<[1], [0], [0], [1], [0, 0, 1, 1], [], []>, transpose_lhs_hint = false} : vector<64x256xf32>, vector<256x512xf32>, vector<64x512xf32> -> vector<64x512xf32>
      %get3A_2036 = arith.constant 0 : index
      %get3A_2037 = arith.constant 0 : index
      %get3A_2038 = vector.load %arg2[%get3A_2036, %get3A_2037] : memref<1x512xf32, #tpu.memory_space<vmem>>, vector<1x512xf32>
      %add3A_2039 = vector.broadcast %get3A_2038 : vector<1x512xf32> to vector<64x512xf32>
      %add3A_2040 = arith.addf %dot_general3A_2035, %add3A_2039 : vector<64x512xf32>
      %tanh3A_2041 = math.tanh %add3A_2040 : vector<64x512xf32>
      %mul3A_2042 = arith.constant 5.000000e-01 : f32
      %mul3A_2043 = vector.broadcast %mul3A_2042 : f32 to vector<64x512xf32>
      %mul3A_2044 = arith.mulf %mul3A_2043, %tanh3A_2041 : vector<64x512xf32>
      %add3A_2045 = arith.constant 5.000000e-01 : f32
      %add3A_2046 = vector.broadcast %add3A_2045 : f32 to vector<64x512xf32>
      %add3A_2047 = arith.addf %mul3A_2044, %add3A_2046 : vector<64x512xf32>
      %slice3A_2048 = vector.extract_strided_slice %add3A_2047 {offsets = [0, 0], sizes = [64, 128], strides = [1, 1]} : vector<64x512xf32> to vector<64x128xf32>
      %slice3A_2049 = vector.extract_strided_slice %add3A_2047 {offsets = [0, 128], sizes = [64, 128], strides = [1, 1]} : vector<64x512xf32> to vector<64x128xf32>
      %slice3A_2050 = vector.extract_strided_slice %tanh3A_2041 {offsets = [0, 256], sizes = [64, 128], strides = [1, 1]} : vector<64x512xf32> to vector<64x128xf32>
      %slice3A_2051 = vector.extract_strided_slice %add3A_2047 {offsets = [0, 384], sizes = [64, 128], strides = [1, 1]} : vector<64x512xf32> to vector<64x128xf32>
      %mul3A_2052 = arith.mulf %slice3A_2049, %add3A_1980 : vector<64x128xf32>
      %mul3A_2053 = arith.mulf %slice3A_2048, %slice3A_2050 : vector<64x128xf32>
      %add3A_2054 = arith.addf %mul3A_2052, %mul3A_2053 : vector<64x128xf32>
      %tanh3A_2055 = math.tanh %add3A_2054 : vector<64x128xf32>
      %mul3A_2056 = arith.mulf %slice3A_2051, %tanh3A_2055 : vector<64x128xf32>
      %add3A_2057 = arith.constant 1 : i32
      %add3A_2058 = arith.addi %scan3A_2006, %add3A_2057 : i32
      %min3A_2059 = arith.constant 79 : i32
      %min3A_2060 = arith.minsi %add3A_2058, %min3A_2059 : i32
      %mul3A_2061 = arith.constant 128 : i32
      %mul3A_2062 = arith.muli %min3A_2060, %mul3A_2061 : i32
      %add3A_2063 = arith.constant 64 : i32
      %add3A_2064 = arith.addi %mul3A_2062, %add3A_2063 : i32
      %get3A_2065 = arith.index_cast %add3A_2064 : i32 to index
      %get3A_2066 = arith.constant 0 : index
      %get3A_2067 = vector.load %arg0[%get3A_2065, %get3A_2066] : memref<10240x128xf32, #tpu.memory_space<vmem>>, vector<64x128xf32>
      %concatenate3A_2068 = tpu.concatenate %mul3A_2022, %get3A_2067 in 1 : vector<64x128xf32>, vector<64x128xf32> -> vector<64x256xf32>
      %get3A_2069 = arith.constant 0 : index
      %get3A_2070 = arith.constant 0 : index
      %get3A_2071 = vector.load %arg1[%get3A_2069, %get3A_2070] : memref<256x512xf32, #tpu.memory_space<vmem>>, vector<256x512xf32>
      %dot_general3A_2072 = arith.constant dense<0.000000e+00> : vector<64x512xf32>
      %dot_general3A_2073 = tpu.matmul %concatenate3A_2068, %get3A_2071, %dot_general3A_2072 {dimension_numbers = #tpu.dot_dimension_numbers<[1], [0], [0], [1], [0, 0, 1, 1], [], []>, transpose_lhs_hint = false} : vector<64x256xf32>, vector<256x512xf32>, vector<64x512xf32> -> vector<64x512xf32>
      %get3A_2074 = arith.constant 0 : index
      %get3A_2075 = arith.constant 0 : index
      %get3A_2076 = vector.load %arg2[%get3A_2074, %get3A_2075] : memref<1x512xf32, #tpu.memory_space<vmem>>, vector<1x512xf32>
      %add3A_2077 = vector.broadcast %get3A_2076 : vector<1x512xf32> to vector<64x512xf32>
      %add3A_2078 = arith.addf %dot_general3A_2073, %add3A_2077 : vector<64x512xf32>
      %scan3A_2079 = arith.constant 27 : i32
      %scan3A_2080 = arith.addi %scan3A_78, %scan3A_2079 : i32
      %tanh3A_2081 = math.tanh %add3A_2078 : vector<64x512xf32>
      %mul3A_2082 = arith.constant 5.000000e-01 : f32
      %mul3A_2083 = vector.broadcast %mul3A_2082 : f32 to vector<64x512xf32>
      %mul3A_2084 = arith.mulf %mul3A_2083, %tanh3A_2081 : vector<64x512xf32>
      %add3A_2085 = arith.constant 5.000000e-01 : f32
      %add3A_2086 = vector.broadcast %add3A_2085 : f32 to vector<64x512xf32>
      %add3A_2087 = arith.addf %mul3A_2084, %add3A_2086 : vector<64x512xf32>
      %slice3A_2088 = vector.extract_strided_slice %add3A_2087 {offsets = [0, 0], sizes = [64, 128], strides = [1, 1]} : vector<64x512xf32> to vector<64x128xf32>
      %slice3A_2089 = vector.extract_strided_slice %add3A_2087 {offsets = [0, 128], sizes = [64, 128], strides = [1, 1]} : vector<64x512xf32> to vector<64x128xf32>
      %slice3A_2090 = vector.extract_strided_slice %tanh3A_2081 {offsets = [0, 256], sizes = [64, 128], strides = [1, 1]} : vector<64x512xf32> to vector<64x128xf32>
      %slice3A_2091 = vector.extract_strided_slice %add3A_2087 {offsets = [0, 384], sizes = [64, 128], strides = [1, 1]} : vector<64x512xf32> to vector<64x128xf32>
      %mul3A_2092 = arith.mulf %slice3A_2089, %add3A_2020 : vector<64x128xf32>
      %mul3A_2093 = arith.mulf %slice3A_2088, %slice3A_2090 : vector<64x128xf32>
      %add3A_2094 = arith.addf %mul3A_2092, %mul3A_2093 : vector<64x128xf32>
      %tanh3A_2095 = math.tanh %add3A_2094 : vector<64x128xf32>
      %mul3A_2096 = arith.mulf %slice3A_2091, %tanh3A_2095 : vector<64x128xf32>
      %min3A_2097 = arith.constant 79 : i32
      %min3A_2098 = arith.minsi %scan3A_2080, %min3A_2097 : i32
      %mul3A_2099 = arith.constant 128 : i32
      %mul3A_2100 = arith.muli %min3A_2098, %mul3A_2099 : i32
      %get3A_2101 = arith.index_cast %mul3A_2100 : i32 to index
      %get3A_2102 = arith.constant 0 : index
      %get3A_2103 = vector.load %arg0[%get3A_2101, %get3A_2102] : memref<10240x128xf32, #tpu.memory_space<vmem>>, vector<64x128xf32>
      %concatenate3A_2104 = tpu.concatenate %mul3A_2056, %get3A_2103 in 1 : vector<64x128xf32>, vector<64x128xf32> -> vector<64x256xf32>
      %get3A_2105 = arith.constant 0 : index
      %get3A_2106 = arith.constant 0 : index
      %get3A_2107 = vector.load %arg1[%get3A_2105, %get3A_2106] : memref<256x512xf32, #tpu.memory_space<vmem>>, vector<256x512xf32>
      %dot_general3A_2108 = arith.constant dense<0.000000e+00> : vector<64x512xf32>
      %dot_general3A_2109 = tpu.matmul %concatenate3A_2104, %get3A_2107, %dot_general3A_2108 {dimension_numbers = #tpu.dot_dimension_numbers<[1], [0], [0], [1], [0, 0, 1, 1], [], []>, transpose_lhs_hint = false} : vector<64x256xf32>, vector<256x512xf32>, vector<64x512xf32> -> vector<64x512xf32>
      %get3A_2110 = arith.constant 0 : index
      %get3A_2111 = arith.constant 0 : index
      %get3A_2112 = vector.load %arg2[%get3A_2110, %get3A_2111] : memref<1x512xf32, #tpu.memory_space<vmem>>, vector<1x512xf32>
      %add3A_2113 = vector.broadcast %get3A_2112 : vector<1x512xf32> to vector<64x512xf32>
      %add3A_2114 = arith.addf %dot_general3A_2109, %add3A_2113 : vector<64x512xf32>
      %tanh3A_2115 = math.tanh %add3A_2114 : vector<64x512xf32>
      %mul3A_2116 = arith.constant 5.000000e-01 : f32
      %mul3A_2117 = vector.broadcast %mul3A_2116 : f32 to vector<64x512xf32>
      %mul3A_2118 = arith.mulf %mul3A_2117, %tanh3A_2115 : vector<64x512xf32>
      %add3A_2119 = arith.constant 5.000000e-01 : f32
      %add3A_2120 = vector.broadcast %add3A_2119 : f32 to vector<64x512xf32>
      %add3A_2121 = arith.addf %mul3A_2118, %add3A_2120 : vector<64x512xf32>
      %slice3A_2122 = vector.extract_strided_slice %add3A_2121 {offsets = [0, 0], sizes = [64, 128], strides = [1, 1]} : vector<64x512xf32> to vector<64x128xf32>
      %slice3A_2123 = vector.extract_strided_slice %add3A_2121 {offsets = [0, 128], sizes = [64, 128], strides = [1, 1]} : vector<64x512xf32> to vector<64x128xf32>
      %slice3A_2124 = vector.extract_strided_slice %tanh3A_2115 {offsets = [0, 256], sizes = [64, 128], strides = [1, 1]} : vector<64x512xf32> to vector<64x128xf32>
      %slice3A_2125 = vector.extract_strided_slice %add3A_2121 {offsets = [0, 384], sizes = [64, 128], strides = [1, 1]} : vector<64x512xf32> to vector<64x128xf32>
      %mul3A_2126 = arith.mulf %slice3A_2123, %add3A_2054 : vector<64x128xf32>
      %mul3A_2127 = arith.mulf %slice3A_2122, %slice3A_2124 : vector<64x128xf32>
      %add3A_2128 = arith.addf %mul3A_2126, %mul3A_2127 : vector<64x128xf32>
      %tanh3A_2129 = math.tanh %add3A_2128 : vector<64x128xf32>
      %mul3A_2130 = arith.mulf %slice3A_2125, %tanh3A_2129 : vector<64x128xf32>
      %add3A_2131 = arith.constant 1 : i32
      %add3A_2132 = arith.addi %scan3A_2080, %add3A_2131 : i32
      %min3A_2133 = arith.constant 79 : i32
      %min3A_2134 = arith.minsi %add3A_2132, %min3A_2133 : i32
      %mul3A_2135 = arith.constant 128 : i32
      %mul3A_2136 = arith.muli %min3A_2134, %mul3A_2135 : i32
      %add3A_2137 = arith.constant 64 : i32
      %add3A_2138 = arith.addi %mul3A_2136, %add3A_2137 : i32
      %get3A_2139 = arith.index_cast %add3A_2138 : i32 to index
      %get3A_2140 = arith.constant 0 : index
      %get3A_2141 = vector.load %arg0[%get3A_2139, %get3A_2140] : memref<10240x128xf32, #tpu.memory_space<vmem>>, vector<64x128xf32>
      %concatenate3A_2142 = tpu.concatenate %mul3A_2096, %get3A_2141 in 1 : vector<64x128xf32>, vector<64x128xf32> -> vector<64x256xf32>
      %get3A_2143 = arith.constant 0 : index
      %get3A_2144 = arith.constant 0 : index
      %get3A_2145 = vector.load %arg1[%get3A_2143, %get3A_2144] : memref<256x512xf32, #tpu.memory_space<vmem>>, vector<256x512xf32>
      %dot_general3A_2146 = arith.constant dense<0.000000e+00> : vector<64x512xf32>
      %dot_general3A_2147 = tpu.matmul %concatenate3A_2142, %get3A_2145, %dot_general3A_2146 {dimension_numbers = #tpu.dot_dimension_numbers<[1], [0], [0], [1], [0, 0, 1, 1], [], []>, transpose_lhs_hint = false} : vector<64x256xf32>, vector<256x512xf32>, vector<64x512xf32> -> vector<64x512xf32>
      %get3A_2148 = arith.constant 0 : index
      %get3A_2149 = arith.constant 0 : index
      %get3A_2150 = vector.load %arg2[%get3A_2148, %get3A_2149] : memref<1x512xf32, #tpu.memory_space<vmem>>, vector<1x512xf32>
      %add3A_2151 = vector.broadcast %get3A_2150 : vector<1x512xf32> to vector<64x512xf32>
      %add3A_2152 = arith.addf %dot_general3A_2147, %add3A_2151 : vector<64x512xf32>
      %scan3A_2153 = arith.constant 28 : i32
      %scan3A_2154 = arith.addi %scan3A_78, %scan3A_2153 : i32
      %tanh3A_2155 = math.tanh %add3A_2152 : vector<64x512xf32>
      %mul3A_2156 = arith.constant 5.000000e-01 : f32
      %mul3A_2157 = vector.broadcast %mul3A_2156 : f32 to vector<64x512xf32>
      %mul3A_2158 = arith.mulf %mul3A_2157, %tanh3A_2155 : vector<64x512xf32>
      %add3A_2159 = arith.constant 5.000000e-01 : f32
      %add3A_2160 = vector.broadcast %add3A_2159 : f32 to vector<64x512xf32>
      %add3A_2161 = arith.addf %mul3A_2158, %add3A_2160 : vector<64x512xf32>
      %slice3A_2162 = vector.extract_strided_slice %add3A_2161 {offsets = [0, 0], sizes = [64, 128], strides = [1, 1]} : vector<64x512xf32> to vector<64x128xf32>
      %slice3A_2163 = vector.extract_strided_slice %add3A_2161 {offsets = [0, 128], sizes = [64, 128], strides = [1, 1]} : vector<64x512xf32> to vector<64x128xf32>
      %slice3A_2164 = vector.extract_strided_slice %tanh3A_2155 {offsets = [0, 256], sizes = [64, 128], strides = [1, 1]} : vector<64x512xf32> to vector<64x128xf32>
      %slice3A_2165 = vector.extract_strided_slice %add3A_2161 {offsets = [0, 384], sizes = [64, 128], strides = [1, 1]} : vector<64x512xf32> to vector<64x128xf32>
      %mul3A_2166 = arith.mulf %slice3A_2163, %add3A_2094 : vector<64x128xf32>
      %mul3A_2167 = arith.mulf %slice3A_2162, %slice3A_2164 : vector<64x128xf32>
      %add3A_2168 = arith.addf %mul3A_2166, %mul3A_2167 : vector<64x128xf32>
      %tanh3A_2169 = math.tanh %add3A_2168 : vector<64x128xf32>
      %mul3A_2170 = arith.mulf %slice3A_2165, %tanh3A_2169 : vector<64x128xf32>
      %min3A_2171 = arith.constant 79 : i32
      %min3A_2172 = arith.minsi %scan3A_2154, %min3A_2171 : i32
      %mul3A_2173 = arith.constant 128 : i32
      %mul3A_2174 = arith.muli %min3A_2172, %mul3A_2173 : i32
      %get3A_2175 = arith.index_cast %mul3A_2174 : i32 to index
      %get3A_2176 = arith.constant 0 : index
      %get3A_2177 = vector.load %arg0[%get3A_2175, %get3A_2176] : memref<10240x128xf32, #tpu.memory_space<vmem>>, vector<64x128xf32>
      %concatenate3A_2178 = tpu.concatenate %mul3A_2130, %get3A_2177 in 1 : vector<64x128xf32>, vector<64x128xf32> -> vector<64x256xf32>
      %get3A_2179 = arith.constant 0 : index
      %get3A_2180 = arith.constant 0 : index
      %get3A_2181 = vector.load %arg1[%get3A_2179, %get3A_2180] : memref<256x512xf32, #tpu.memory_space<vmem>>, vector<256x512xf32>
      %dot_general3A_2182 = arith.constant dense<0.000000e+00> : vector<64x512xf32>
      %dot_general3A_2183 = tpu.matmul %concatenate3A_2178, %get3A_2181, %dot_general3A_2182 {dimension_numbers = #tpu.dot_dimension_numbers<[1], [0], [0], [1], [0, 0, 1, 1], [], []>, transpose_lhs_hint = false} : vector<64x256xf32>, vector<256x512xf32>, vector<64x512xf32> -> vector<64x512xf32>
      %get3A_2184 = arith.constant 0 : index
      %get3A_2185 = arith.constant 0 : index
      %get3A_2186 = vector.load %arg2[%get3A_2184, %get3A_2185] : memref<1x512xf32, #tpu.memory_space<vmem>>, vector<1x512xf32>
      %add3A_2187 = vector.broadcast %get3A_2186 : vector<1x512xf32> to vector<64x512xf32>
      %add3A_2188 = arith.addf %dot_general3A_2183, %add3A_2187 : vector<64x512xf32>
      %tanh3A_2189 = math.tanh %add3A_2188 : vector<64x512xf32>
      %mul3A_2190 = arith.constant 5.000000e-01 : f32
      %mul3A_2191 = vector.broadcast %mul3A_2190 : f32 to vector<64x512xf32>
      %mul3A_2192 = arith.mulf %mul3A_2191, %tanh3A_2189 : vector<64x512xf32>
      %add3A_2193 = arith.constant 5.000000e-01 : f32
      %add3A_2194 = vector.broadcast %add3A_2193 : f32 to vector<64x512xf32>
      %add3A_2195 = arith.addf %mul3A_2192, %add3A_2194 : vector<64x512xf32>
      %slice3A_2196 = vector.extract_strided_slice %add3A_2195 {offsets = [0, 0], sizes = [64, 128], strides = [1, 1]} : vector<64x512xf32> to vector<64x128xf32>
      %slice3A_2197 = vector.extract_strided_slice %add3A_2195 {offsets = [0, 128], sizes = [64, 128], strides = [1, 1]} : vector<64x512xf32> to vector<64x128xf32>
      %slice3A_2198 = vector.extract_strided_slice %tanh3A_2189 {offsets = [0, 256], sizes = [64, 128], strides = [1, 1]} : vector<64x512xf32> to vector<64x128xf32>
      %slice3A_2199 = vector.extract_strided_slice %add3A_2195 {offsets = [0, 384], sizes = [64, 128], strides = [1, 1]} : vector<64x512xf32> to vector<64x128xf32>
      %mul3A_2200 = arith.mulf %slice3A_2197, %add3A_2128 : vector<64x128xf32>
      %mul3A_2201 = arith.mulf %slice3A_2196, %slice3A_2198 : vector<64x128xf32>
      %add3A_2202 = arith.addf %mul3A_2200, %mul3A_2201 : vector<64x128xf32>
      %tanh3A_2203 = math.tanh %add3A_2202 : vector<64x128xf32>
      %mul3A_2204 = arith.mulf %slice3A_2199, %tanh3A_2203 : vector<64x128xf32>
      %add3A_2205 = arith.constant 1 : i32
      %add3A_2206 = arith.addi %scan3A_2154, %add3A_2205 : i32
      %min3A_2207 = arith.constant 79 : i32
      %min3A_2208 = arith.minsi %add3A_2206, %min3A_2207 : i32
      %mul3A_2209 = arith.constant 128 : i32
      %mul3A_2210 = arith.muli %min3A_2208, %mul3A_2209 : i32
      %add3A_2211 = arith.constant 64 : i32
      %add3A_2212 = arith.addi %mul3A_2210, %add3A_2211 : i32
      %get3A_2213 = arith.index_cast %add3A_2212 : i32 to index
      %get3A_2214 = arith.constant 0 : index
      %get3A_2215 = vector.load %arg0[%get3A_2213, %get3A_2214] : memref<10240x128xf32, #tpu.memory_space<vmem>>, vector<64x128xf32>
      %concatenate3A_2216 = tpu.concatenate %mul3A_2170, %get3A_2215 in 1 : vector<64x128xf32>, vector<64x128xf32> -> vector<64x256xf32>
      %get3A_2217 = arith.constant 0 : index
      %get3A_2218 = arith.constant 0 : index
      %get3A_2219 = vector.load %arg1[%get3A_2217, %get3A_2218] : memref<256x512xf32, #tpu.memory_space<vmem>>, vector<256x512xf32>
      %dot_general3A_2220 = arith.constant dense<0.000000e+00> : vector<64x512xf32>
      %dot_general3A_2221 = tpu.matmul %concatenate3A_2216, %get3A_2219, %dot_general3A_2220 {dimension_numbers = #tpu.dot_dimension_numbers<[1], [0], [0], [1], [0, 0, 1, 1], [], []>, transpose_lhs_hint = false} : vector<64x256xf32>, vector<256x512xf32>, vector<64x512xf32> -> vector<64x512xf32>
      %get3A_2222 = arith.constant 0 : index
      %get3A_2223 = arith.constant 0 : index
      %get3A_2224 = vector.load %arg2[%get3A_2222, %get3A_2223] : memref<1x512xf32, #tpu.memory_space<vmem>>, vector<1x512xf32>
      %add3A_2225 = vector.broadcast %get3A_2224 : vector<1x512xf32> to vector<64x512xf32>
      %add3A_2226 = arith.addf %dot_general3A_2221, %add3A_2225 : vector<64x512xf32>
      %scan3A_2227 = arith.constant 29 : i32
      %scan3A_2228 = arith.addi %scan3A_78, %scan3A_2227 : i32
      %tanh3A_2229 = math.tanh %add3A_2226 : vector<64x512xf32>
      %mul3A_2230 = arith.constant 5.000000e-01 : f32
      %mul3A_2231 = vector.broadcast %mul3A_2230 : f32 to vector<64x512xf32>
      %mul3A_2232 = arith.mulf %mul3A_2231, %tanh3A_2229 : vector<64x512xf32>
      %add3A_2233 = arith.constant 5.000000e-01 : f32
      %add3A_2234 = vector.broadcast %add3A_2233 : f32 to vector<64x512xf32>
      %add3A_2235 = arith.addf %mul3A_2232, %add3A_2234 : vector<64x512xf32>
      %slice3A_2236 = vector.extract_strided_slice %add3A_2235 {offsets = [0, 0], sizes = [64, 128], strides = [1, 1]} : vector<64x512xf32> to vector<64x128xf32>
      %slice3A_2237 = vector.extract_strided_slice %add3A_2235 {offsets = [0, 128], sizes = [64, 128], strides = [1, 1]} : vector<64x512xf32> to vector<64x128xf32>
      %slice3A_2238 = vector.extract_strided_slice %tanh3A_2229 {offsets = [0, 256], sizes = [64, 128], strides = [1, 1]} : vector<64x512xf32> to vector<64x128xf32>
      %slice3A_2239 = vector.extract_strided_slice %add3A_2235 {offsets = [0, 384], sizes = [64, 128], strides = [1, 1]} : vector<64x512xf32> to vector<64x128xf32>
      %mul3A_2240 = arith.mulf %slice3A_2237, %add3A_2168 : vector<64x128xf32>
      %mul3A_2241 = arith.mulf %slice3A_2236, %slice3A_2238 : vector<64x128xf32>
      %add3A_2242 = arith.addf %mul3A_2240, %mul3A_2241 : vector<64x128xf32>
      %tanh3A_2243 = math.tanh %add3A_2242 : vector<64x128xf32>
      %mul3A_2244 = arith.mulf %slice3A_2239, %tanh3A_2243 : vector<64x128xf32>
      %min3A_2245 = arith.constant 79 : i32
      %min3A_2246 = arith.minsi %scan3A_2228, %min3A_2245 : i32
      %mul3A_2247 = arith.constant 128 : i32
      %mul3A_2248 = arith.muli %min3A_2246, %mul3A_2247 : i32
      %get3A_2249 = arith.index_cast %mul3A_2248 : i32 to index
      %get3A_2250 = arith.constant 0 : index
      %get3A_2251 = vector.load %arg0[%get3A_2249, %get3A_2250] : memref<10240x128xf32, #tpu.memory_space<vmem>>, vector<64x128xf32>
      %concatenate3A_2252 = tpu.concatenate %mul3A_2204, %get3A_2251 in 1 : vector<64x128xf32>, vector<64x128xf32> -> vector<64x256xf32>
      %get3A_2253 = arith.constant 0 : index
      %get3A_2254 = arith.constant 0 : index
      %get3A_2255 = vector.load %arg1[%get3A_2253, %get3A_2254] : memref<256x512xf32, #tpu.memory_space<vmem>>, vector<256x512xf32>
      %dot_general3A_2256 = arith.constant dense<0.000000e+00> : vector<64x512xf32>
      %dot_general3A_2257 = tpu.matmul %concatenate3A_2252, %get3A_2255, %dot_general3A_2256 {dimension_numbers = #tpu.dot_dimension_numbers<[1], [0], [0], [1], [0, 0, 1, 1], [], []>, transpose_lhs_hint = false} : vector<64x256xf32>, vector<256x512xf32>, vector<64x512xf32> -> vector<64x512xf32>
      %get3A_2258 = arith.constant 0 : index
      %get3A_2259 = arith.constant 0 : index
      %get3A_2260 = vector.load %arg2[%get3A_2258, %get3A_2259] : memref<1x512xf32, #tpu.memory_space<vmem>>, vector<1x512xf32>
      %add3A_2261 = vector.broadcast %get3A_2260 : vector<1x512xf32> to vector<64x512xf32>
      %add3A_2262 = arith.addf %dot_general3A_2257, %add3A_2261 : vector<64x512xf32>
      %tanh3A_2263 = math.tanh %add3A_2262 : vector<64x512xf32>
      %mul3A_2264 = arith.constant 5.000000e-01 : f32
      %mul3A_2265 = vector.broadcast %mul3A_2264 : f32 to vector<64x512xf32>
      %mul3A_2266 = arith.mulf %mul3A_2265, %tanh3A_2263 : vector<64x512xf32>
      %add3A_2267 = arith.constant 5.000000e-01 : f32
      %add3A_2268 = vector.broadcast %add3A_2267 : f32 to vector<64x512xf32>
      %add3A_2269 = arith.addf %mul3A_2266, %add3A_2268 : vector<64x512xf32>
      %slice3A_2270 = vector.extract_strided_slice %add3A_2269 {offsets = [0, 0], sizes = [64, 128], strides = [1, 1]} : vector<64x512xf32> to vector<64x128xf32>
      %slice3A_2271 = vector.extract_strided_slice %add3A_2269 {offsets = [0, 128], sizes = [64, 128], strides = [1, 1]} : vector<64x512xf32> to vector<64x128xf32>
      %slice3A_2272 = vector.extract_strided_slice %tanh3A_2263 {offsets = [0, 256], sizes = [64, 128], strides = [1, 1]} : vector<64x512xf32> to vector<64x128xf32>
      %slice3A_2273 = vector.extract_strided_slice %add3A_2269 {offsets = [0, 384], sizes = [64, 128], strides = [1, 1]} : vector<64x512xf32> to vector<64x128xf32>
      %mul3A_2274 = arith.mulf %slice3A_2271, %add3A_2202 : vector<64x128xf32>
      %mul3A_2275 = arith.mulf %slice3A_2270, %slice3A_2272 : vector<64x128xf32>
      %add3A_2276 = arith.addf %mul3A_2274, %mul3A_2275 : vector<64x128xf32>
      %tanh3A_2277 = math.tanh %add3A_2276 : vector<64x128xf32>
      %mul3A_2278 = arith.mulf %slice3A_2273, %tanh3A_2277 : vector<64x128xf32>
      %add3A_2279 = arith.constant 1 : i32
      %add3A_2280 = arith.addi %scan3A_2228, %add3A_2279 : i32
      %min3A_2281 = arith.constant 79 : i32
      %min3A_2282 = arith.minsi %add3A_2280, %min3A_2281 : i32
      %mul3A_2283 = arith.constant 128 : i32
      %mul3A_2284 = arith.muli %min3A_2282, %mul3A_2283 : i32
      %add3A_2285 = arith.constant 64 : i32
      %add3A_2286 = arith.addi %mul3A_2284, %add3A_2285 : i32
      %get3A_2287 = arith.index_cast %add3A_2286 : i32 to index
      %get3A_2288 = arith.constant 0 : index
      %get3A_2289 = vector.load %arg0[%get3A_2287, %get3A_2288] : memref<10240x128xf32, #tpu.memory_space<vmem>>, vector<64x128xf32>
      %concatenate3A_2290 = tpu.concatenate %mul3A_2244, %get3A_2289 in 1 : vector<64x128xf32>, vector<64x128xf32> -> vector<64x256xf32>
      %get3A_2291 = arith.constant 0 : index
      %get3A_2292 = arith.constant 0 : index
      %get3A_2293 = vector.load %arg1[%get3A_2291, %get3A_2292] : memref<256x512xf32, #tpu.memory_space<vmem>>, vector<256x512xf32>
      %dot_general3A_2294 = arith.constant dense<0.000000e+00> : vector<64x512xf32>
      %dot_general3A_2295 = tpu.matmul %concatenate3A_2290, %get3A_2293, %dot_general3A_2294 {dimension_numbers = #tpu.dot_dimension_numbers<[1], [0], [0], [1], [0, 0, 1, 1], [], []>, transpose_lhs_hint = false} : vector<64x256xf32>, vector<256x512xf32>, vector<64x512xf32> -> vector<64x512xf32>
      %get3A_2296 = arith.constant 0 : index
      %get3A_2297 = arith.constant 0 : index
      %get3A_2298 = vector.load %arg2[%get3A_2296, %get3A_2297] : memref<1x512xf32, #tpu.memory_space<vmem>>, vector<1x512xf32>
      %add3A_2299 = vector.broadcast %get3A_2298 : vector<1x512xf32> to vector<64x512xf32>
      %add3A_2300 = arith.addf %dot_general3A_2295, %add3A_2299 : vector<64x512xf32>
      %scan3A_2301 = arith.constant 30 : i32
      %scan3A_2302 = arith.addi %scan3A_78, %scan3A_2301 : i32
      %tanh3A_2303 = math.tanh %add3A_2300 : vector<64x512xf32>
      %mul3A_2304 = arith.constant 5.000000e-01 : f32
      %mul3A_2305 = vector.broadcast %mul3A_2304 : f32 to vector<64x512xf32>
      %mul3A_2306 = arith.mulf %mul3A_2305, %tanh3A_2303 : vector<64x512xf32>
      %add3A_2307 = arith.constant 5.000000e-01 : f32
      %add3A_2308 = vector.broadcast %add3A_2307 : f32 to vector<64x512xf32>
      %add3A_2309 = arith.addf %mul3A_2306, %add3A_2308 : vector<64x512xf32>
      %slice3A_2310 = vector.extract_strided_slice %add3A_2309 {offsets = [0, 0], sizes = [64, 128], strides = [1, 1]} : vector<64x512xf32> to vector<64x128xf32>
      %slice3A_2311 = vector.extract_strided_slice %add3A_2309 {offsets = [0, 128], sizes = [64, 128], strides = [1, 1]} : vector<64x512xf32> to vector<64x128xf32>
      %slice3A_2312 = vector.extract_strided_slice %tanh3A_2303 {offsets = [0, 256], sizes = [64, 128], strides = [1, 1]} : vector<64x512xf32> to vector<64x128xf32>
      %slice3A_2313 = vector.extract_strided_slice %add3A_2309 {offsets = [0, 384], sizes = [64, 128], strides = [1, 1]} : vector<64x512xf32> to vector<64x128xf32>
      %mul3A_2314 = arith.mulf %slice3A_2311, %add3A_2242 : vector<64x128xf32>
      %mul3A_2315 = arith.mulf %slice3A_2310, %slice3A_2312 : vector<64x128xf32>
      %add3A_2316 = arith.addf %mul3A_2314, %mul3A_2315 : vector<64x128xf32>
      %tanh3A_2317 = math.tanh %add3A_2316 : vector<64x128xf32>
      %mul3A_2318 = arith.mulf %slice3A_2313, %tanh3A_2317 : vector<64x128xf32>
      %min3A_2319 = arith.constant 79 : i32
      %min3A_2320 = arith.minsi %scan3A_2302, %min3A_2319 : i32
      %mul3A_2321 = arith.constant 128 : i32
      %mul3A_2322 = arith.muli %min3A_2320, %mul3A_2321 : i32
      %get3A_2323 = arith.index_cast %mul3A_2322 : i32 to index
      %get3A_2324 = arith.constant 0 : index
      %get3A_2325 = vector.load %arg0[%get3A_2323, %get3A_2324] : memref<10240x128xf32, #tpu.memory_space<vmem>>, vector<64x128xf32>
      %concatenate3A_2326 = tpu.concatenate %mul3A_2278, %get3A_2325 in 1 : vector<64x128xf32>, vector<64x128xf32> -> vector<64x256xf32>
      %get3A_2327 = arith.constant 0 : index
      %get3A_2328 = arith.constant 0 : index
      %get3A_2329 = vector.load %arg1[%get3A_2327, %get3A_2328] : memref<256x512xf32, #tpu.memory_space<vmem>>, vector<256x512xf32>
      %dot_general3A_2330 = arith.constant dense<0.000000e+00> : vector<64x512xf32>
      %dot_general3A_2331 = tpu.matmul %concatenate3A_2326, %get3A_2329, %dot_general3A_2330 {dimension_numbers = #tpu.dot_dimension_numbers<[1], [0], [0], [1], [0, 0, 1, 1], [], []>, transpose_lhs_hint = false} : vector<64x256xf32>, vector<256x512xf32>, vector<64x512xf32> -> vector<64x512xf32>
      %get3A_2332 = arith.constant 0 : index
      %get3A_2333 = arith.constant 0 : index
      %get3A_2334 = vector.load %arg2[%get3A_2332, %get3A_2333] : memref<1x512xf32, #tpu.memory_space<vmem>>, vector<1x512xf32>
      %add3A_2335 = vector.broadcast %get3A_2334 : vector<1x512xf32> to vector<64x512xf32>
      %add3A_2336 = arith.addf %dot_general3A_2331, %add3A_2335 : vector<64x512xf32>
      %tanh3A_2337 = math.tanh %add3A_2336 : vector<64x512xf32>
      %mul3A_2338 = arith.constant 5.000000e-01 : f32
      %mul3A_2339 = vector.broadcast %mul3A_2338 : f32 to vector<64x512xf32>
      %mul3A_2340 = arith.mulf %mul3A_2339, %tanh3A_2337 : vector<64x512xf32>
      %add3A_2341 = arith.constant 5.000000e-01 : f32
      %add3A_2342 = vector.broadcast %add3A_2341 : f32 to vector<64x512xf32>
      %add3A_2343 = arith.addf %mul3A_2340, %add3A_2342 : vector<64x512xf32>
      %slice3A_2344 = vector.extract_strided_slice %add3A_2343 {offsets = [0, 0], sizes = [64, 128], strides = [1, 1]} : vector<64x512xf32> to vector<64x128xf32>
      %slice3A_2345 = vector.extract_strided_slice %add3A_2343 {offsets = [0, 128], sizes = [64, 128], strides = [1, 1]} : vector<64x512xf32> to vector<64x128xf32>
      %slice3A_2346 = vector.extract_strided_slice %tanh3A_2337 {offsets = [0, 256], sizes = [64, 128], strides = [1, 1]} : vector<64x512xf32> to vector<64x128xf32>
      %slice3A_2347 = vector.extract_strided_slice %add3A_2343 {offsets = [0, 384], sizes = [64, 128], strides = [1, 1]} : vector<64x512xf32> to vector<64x128xf32>
      %mul3A_2348 = arith.mulf %slice3A_2345, %add3A_2276 : vector<64x128xf32>
      %mul3A_2349 = arith.mulf %slice3A_2344, %slice3A_2346 : vector<64x128xf32>
      %add3A_2350 = arith.addf %mul3A_2348, %mul3A_2349 : vector<64x128xf32>
      %tanh3A_2351 = math.tanh %add3A_2350 : vector<64x128xf32>
      %mul3A_2352 = arith.mulf %slice3A_2347, %tanh3A_2351 : vector<64x128xf32>
      %add3A_2353 = arith.constant 1 : i32
      %add3A_2354 = arith.addi %scan3A_2302, %add3A_2353 : i32
      %min3A_2355 = arith.constant 79 : i32
      %min3A_2356 = arith.minsi %add3A_2354, %min3A_2355 : i32
      %mul3A_2357 = arith.constant 128 : i32
      %mul3A_2358 = arith.muli %min3A_2356, %mul3A_2357 : i32
      %add3A_2359 = arith.constant 64 : i32
      %add3A_2360 = arith.addi %mul3A_2358, %add3A_2359 : i32
      %get3A_2361 = arith.index_cast %add3A_2360 : i32 to index
      %get3A_2362 = arith.constant 0 : index
      %get3A_2363 = vector.load %arg0[%get3A_2361, %get3A_2362] : memref<10240x128xf32, #tpu.memory_space<vmem>>, vector<64x128xf32>
      %concatenate3A_2364 = tpu.concatenate %mul3A_2318, %get3A_2363 in 1 : vector<64x128xf32>, vector<64x128xf32> -> vector<64x256xf32>
      %get3A_2365 = arith.constant 0 : index
      %get3A_2366 = arith.constant 0 : index
      %get3A_2367 = vector.load %arg1[%get3A_2365, %get3A_2366] : memref<256x512xf32, #tpu.memory_space<vmem>>, vector<256x512xf32>
      %dot_general3A_2368 = arith.constant dense<0.000000e+00> : vector<64x512xf32>
      %dot_general3A_2369 = tpu.matmul %concatenate3A_2364, %get3A_2367, %dot_general3A_2368 {dimension_numbers = #tpu.dot_dimension_numbers<[1], [0], [0], [1], [0, 0, 1, 1], [], []>, transpose_lhs_hint = false} : vector<64x256xf32>, vector<256x512xf32>, vector<64x512xf32> -> vector<64x512xf32>
      %get3A_2370 = arith.constant 0 : index
      %get3A_2371 = arith.constant 0 : index
      %get3A_2372 = vector.load %arg2[%get3A_2370, %get3A_2371] : memref<1x512xf32, #tpu.memory_space<vmem>>, vector<1x512xf32>
      %add3A_2373 = vector.broadcast %get3A_2372 : vector<1x512xf32> to vector<64x512xf32>
      %add3A_2374 = arith.addf %dot_general3A_2369, %add3A_2373 : vector<64x512xf32>
      %scan3A_2375 = arith.constant 31 : i32
      %scan3A_2376 = arith.addi %scan3A_78, %scan3A_2375 : i32
      %tanh3A_2377 = math.tanh %add3A_2374 : vector<64x512xf32>
      %mul3A_2378 = arith.constant 5.000000e-01 : f32
      %mul3A_2379 = vector.broadcast %mul3A_2378 : f32 to vector<64x512xf32>
      %mul3A_2380 = arith.mulf %mul3A_2379, %tanh3A_2377 : vector<64x512xf32>
      %add3A_2381 = arith.constant 5.000000e-01 : f32
      %add3A_2382 = vector.broadcast %add3A_2381 : f32 to vector<64x512xf32>
      %add3A_2383 = arith.addf %mul3A_2380, %add3A_2382 : vector<64x512xf32>
      %slice3A_2384 = vector.extract_strided_slice %add3A_2383 {offsets = [0, 0], sizes = [64, 128], strides = [1, 1]} : vector<64x512xf32> to vector<64x128xf32>
      %slice3A_2385 = vector.extract_strided_slice %add3A_2383 {offsets = [0, 128], sizes = [64, 128], strides = [1, 1]} : vector<64x512xf32> to vector<64x128xf32>
      %slice3A_2386 = vector.extract_strided_slice %tanh3A_2377 {offsets = [0, 256], sizes = [64, 128], strides = [1, 1]} : vector<64x512xf32> to vector<64x128xf32>
      %slice3A_2387 = vector.extract_strided_slice %add3A_2383 {offsets = [0, 384], sizes = [64, 128], strides = [1, 1]} : vector<64x512xf32> to vector<64x128xf32>
      %mul3A_2388 = arith.mulf %slice3A_2385, %add3A_2316 : vector<64x128xf32>
      %mul3A_2389 = arith.mulf %slice3A_2384, %slice3A_2386 : vector<64x128xf32>
      %add3A_2390 = arith.addf %mul3A_2388, %mul3A_2389 : vector<64x128xf32>
      %tanh3A_2391 = math.tanh %add3A_2390 : vector<64x128xf32>
      %mul3A_2392 = arith.mulf %slice3A_2387, %tanh3A_2391 : vector<64x128xf32>
      %min3A_2393 = arith.constant 79 : i32
      %min3A_2394 = arith.minsi %scan3A_2376, %min3A_2393 : i32
      %mul3A_2395 = arith.constant 128 : i32
      %mul3A_2396 = arith.muli %min3A_2394, %mul3A_2395 : i32
      %get3A_2397 = arith.index_cast %mul3A_2396 : i32 to index
      %get3A_2398 = arith.constant 0 : index
      %get3A_2399 = vector.load %arg0[%get3A_2397, %get3A_2398] : memref<10240x128xf32, #tpu.memory_space<vmem>>, vector<64x128xf32>
      %concatenate3A_2400 = tpu.concatenate %mul3A_2352, %get3A_2399 in 1 : vector<64x128xf32>, vector<64x128xf32> -> vector<64x256xf32>
      %get3A_2401 = arith.constant 0 : index
      %get3A_2402 = arith.constant 0 : index
      %get3A_2403 = vector.load %arg1[%get3A_2401, %get3A_2402] : memref<256x512xf32, #tpu.memory_space<vmem>>, vector<256x512xf32>
      %dot_general3A_2404 = arith.constant dense<0.000000e+00> : vector<64x512xf32>
      %dot_general3A_2405 = tpu.matmul %concatenate3A_2400, %get3A_2403, %dot_general3A_2404 {dimension_numbers = #tpu.dot_dimension_numbers<[1], [0], [0], [1], [0, 0, 1, 1], [], []>, transpose_lhs_hint = false} : vector<64x256xf32>, vector<256x512xf32>, vector<64x512xf32> -> vector<64x512xf32>
      %get3A_2406 = arith.constant 0 : index
      %get3A_2407 = arith.constant 0 : index
      %get3A_2408 = vector.load %arg2[%get3A_2406, %get3A_2407] : memref<1x512xf32, #tpu.memory_space<vmem>>, vector<1x512xf32>
      %add3A_2409 = vector.broadcast %get3A_2408 : vector<1x512xf32> to vector<64x512xf32>
      %add3A_2410 = arith.addf %dot_general3A_2405, %add3A_2409 : vector<64x512xf32>
      %tanh3A_2411 = math.tanh %add3A_2410 : vector<64x512xf32>
      %mul3A_2412 = arith.constant 5.000000e-01 : f32
      %mul3A_2413 = vector.broadcast %mul3A_2412 : f32 to vector<64x512xf32>
      %mul3A_2414 = arith.mulf %mul3A_2413, %tanh3A_2411 : vector<64x512xf32>
      %add3A_2415 = arith.constant 5.000000e-01 : f32
      %add3A_2416 = vector.broadcast %add3A_2415 : f32 to vector<64x512xf32>
      %add3A_2417 = arith.addf %mul3A_2414, %add3A_2416 : vector<64x512xf32>
      %slice3A_2418 = vector.extract_strided_slice %add3A_2417 {offsets = [0, 0], sizes = [64, 128], strides = [1, 1]} : vector<64x512xf32> to vector<64x128xf32>
      %slice3A_2419 = vector.extract_strided_slice %add3A_2417 {offsets = [0, 128], sizes = [64, 128], strides = [1, 1]} : vector<64x512xf32> to vector<64x128xf32>
      %slice3A_2420 = vector.extract_strided_slice %tanh3A_2411 {offsets = [0, 256], sizes = [64, 128], strides = [1, 1]} : vector<64x512xf32> to vector<64x128xf32>
      %slice3A_2421 = vector.extract_strided_slice %add3A_2417 {offsets = [0, 384], sizes = [64, 128], strides = [1, 1]} : vector<64x512xf32> to vector<64x128xf32>
      %mul3A_2422 = arith.mulf %slice3A_2419, %add3A_2350 : vector<64x128xf32>
      %mul3A_2423 = arith.mulf %slice3A_2418, %slice3A_2420 : vector<64x128xf32>
      %add3A_2424 = arith.addf %mul3A_2422, %mul3A_2423 : vector<64x128xf32>
      %tanh3A_2425 = math.tanh %add3A_2424 : vector<64x128xf32>
      %mul3A_2426 = arith.mulf %slice3A_2421, %tanh3A_2425 : vector<64x128xf32>
      %add3A_2427 = arith.constant 1 : i32
      %add3A_2428 = arith.addi %scan3A_2376, %add3A_2427 : i32
      %min3A_2429 = arith.constant 79 : i32
      %min3A_2430 = arith.minsi %add3A_2428, %min3A_2429 : i32
      %mul3A_2431 = arith.constant 128 : i32
      %mul3A_2432 = arith.muli %min3A_2430, %mul3A_2431 : i32
      %add3A_2433 = arith.constant 64 : i32
      %add3A_2434 = arith.addi %mul3A_2432, %add3A_2433 : i32
      %get3A_2435 = arith.index_cast %add3A_2434 : i32 to index
      %get3A_2436 = arith.constant 0 : index
      %get3A_2437 = vector.load %arg0[%get3A_2435, %get3A_2436] : memref<10240x128xf32, #tpu.memory_space<vmem>>, vector<64x128xf32>
      %concatenate3A_2438 = tpu.concatenate %mul3A_2392, %get3A_2437 in 1 : vector<64x128xf32>, vector<64x128xf32> -> vector<64x256xf32>
      %get3A_2439 = arith.constant 0 : index
      %get3A_2440 = arith.constant 0 : index
      %get3A_2441 = vector.load %arg1[%get3A_2439, %get3A_2440] : memref<256x512xf32, #tpu.memory_space<vmem>>, vector<256x512xf32>
      %dot_general3A_2442 = arith.constant dense<0.000000e+00> : vector<64x512xf32>
      %dot_general3A_2443 = tpu.matmul %concatenate3A_2438, %get3A_2441, %dot_general3A_2442 {dimension_numbers = #tpu.dot_dimension_numbers<[1], [0], [0], [1], [0, 0, 1, 1], [], []>, transpose_lhs_hint = false} : vector<64x256xf32>, vector<256x512xf32>, vector<64x512xf32> -> vector<64x512xf32>
      %get3A_2444 = arith.constant 0 : index
      %get3A_2445 = arith.constant 0 : index
      %get3A_2446 = vector.load %arg2[%get3A_2444, %get3A_2445] : memref<1x512xf32, #tpu.memory_space<vmem>>, vector<1x512xf32>
      %add3A_2447 = vector.broadcast %get3A_2446 : vector<1x512xf32> to vector<64x512xf32>
      %add3A_2448 = arith.addf %dot_general3A_2443, %add3A_2447 : vector<64x512xf32>
      %scan3A_2449 = arith.constant 32 : i32
      %scan3A_2450 = arith.addi %scan3A_78, %scan3A_2449 : i32
      %tanh3A_2451 = math.tanh %add3A_2448 : vector<64x512xf32>
      %mul3A_2452 = arith.constant 5.000000e-01 : f32
      %mul3A_2453 = vector.broadcast %mul3A_2452 : f32 to vector<64x512xf32>
      %mul3A_2454 = arith.mulf %mul3A_2453, %tanh3A_2451 : vector<64x512xf32>
      %add3A_2455 = arith.constant 5.000000e-01 : f32
      %add3A_2456 = vector.broadcast %add3A_2455 : f32 to vector<64x512xf32>
      %add3A_2457 = arith.addf %mul3A_2454, %add3A_2456 : vector<64x512xf32>
      %slice3A_2458 = vector.extract_strided_slice %add3A_2457 {offsets = [0, 0], sizes = [64, 128], strides = [1, 1]} : vector<64x512xf32> to vector<64x128xf32>
      %slice3A_2459 = vector.extract_strided_slice %add3A_2457 {offsets = [0, 128], sizes = [64, 128], strides = [1, 1]} : vector<64x512xf32> to vector<64x128xf32>
      %slice3A_2460 = vector.extract_strided_slice %tanh3A_2451 {offsets = [0, 256], sizes = [64, 128], strides = [1, 1]} : vector<64x512xf32> to vector<64x128xf32>
      %slice3A_2461 = vector.extract_strided_slice %add3A_2457 {offsets = [0, 384], sizes = [64, 128], strides = [1, 1]} : vector<64x512xf32> to vector<64x128xf32>
      %mul3A_2462 = arith.mulf %slice3A_2459, %add3A_2390 : vector<64x128xf32>
      %mul3A_2463 = arith.mulf %slice3A_2458, %slice3A_2460 : vector<64x128xf32>
      %add3A_2464 = arith.addf %mul3A_2462, %mul3A_2463 : vector<64x128xf32>
      %tanh3A_2465 = math.tanh %add3A_2464 : vector<64x128xf32>
      %mul3A_2466 = arith.mulf %slice3A_2461, %tanh3A_2465 : vector<64x128xf32>
      %min3A_2467 = arith.constant 79 : i32
      %min3A_2468 = arith.minsi %scan3A_2450, %min3A_2467 : i32
      %mul3A_2469 = arith.constant 128 : i32
      %mul3A_2470 = arith.muli %min3A_2468, %mul3A_2469 : i32
      %get3A_2471 = arith.index_cast %mul3A_2470 : i32 to index
      %get3A_2472 = arith.constant 0 : index
      %get3A_2473 = vector.load %arg0[%get3A_2471, %get3A_2472] : memref<10240x128xf32, #tpu.memory_space<vmem>>, vector<64x128xf32>
      %concatenate3A_2474 = tpu.concatenate %mul3A_2426, %get3A_2473 in 1 : vector<64x128xf32>, vector<64x128xf32> -> vector<64x256xf32>
      %get3A_2475 = arith.constant 0 : index
      %get3A_2476 = arith.constant 0 : index
      %get3A_2477 = vector.load %arg1[%get3A_2475, %get3A_2476] : memref<256x512xf32, #tpu.memory_space<vmem>>, vector<256x512xf32>
      %dot_general3A_2478 = arith.constant dense<0.000000e+00> : vector<64x512xf32>
      %dot_general3A_2479 = tpu.matmul %concatenate3A_2474, %get3A_2477, %dot_general3A_2478 {dimension_numbers = #tpu.dot_dimension_numbers<[1], [0], [0], [1], [0, 0, 1, 1], [], []>, transpose_lhs_hint = false} : vector<64x256xf32>, vector<256x512xf32>, vector<64x512xf32> -> vector<64x512xf32>
      %get3A_2480 = arith.constant 0 : index
      %get3A_2481 = arith.constant 0 : index
      %get3A_2482 = vector.load %arg2[%get3A_2480, %get3A_2481] : memref<1x512xf32, #tpu.memory_space<vmem>>, vector<1x512xf32>
      %add3A_2483 = vector.broadcast %get3A_2482 : vector<1x512xf32> to vector<64x512xf32>
      %add3A_2484 = arith.addf %dot_general3A_2479, %add3A_2483 : vector<64x512xf32>
      %tanh3A_2485 = math.tanh %add3A_2484 : vector<64x512xf32>
      %mul3A_2486 = arith.constant 5.000000e-01 : f32
      %mul3A_2487 = vector.broadcast %mul3A_2486 : f32 to vector<64x512xf32>
      %mul3A_2488 = arith.mulf %mul3A_2487, %tanh3A_2485 : vector<64x512xf32>
      %add3A_2489 = arith.constant 5.000000e-01 : f32
      %add3A_2490 = vector.broadcast %add3A_2489 : f32 to vector<64x512xf32>
      %add3A_2491 = arith.addf %mul3A_2488, %add3A_2490 : vector<64x512xf32>
      %slice3A_2492 = vector.extract_strided_slice %add3A_2491 {offsets = [0, 0], sizes = [64, 128], strides = [1, 1]} : vector<64x512xf32> to vector<64x128xf32>
      %slice3A_2493 = vector.extract_strided_slice %add3A_2491 {offsets = [0, 128], sizes = [64, 128], strides = [1, 1]} : vector<64x512xf32> to vector<64x128xf32>
      %slice3A_2494 = vector.extract_strided_slice %tanh3A_2485 {offsets = [0, 256], sizes = [64, 128], strides = [1, 1]} : vector<64x512xf32> to vector<64x128xf32>
      %slice3A_2495 = vector.extract_strided_slice %add3A_2491 {offsets = [0, 384], sizes = [64, 128], strides = [1, 1]} : vector<64x512xf32> to vector<64x128xf32>
      %mul3A_2496 = arith.mulf %slice3A_2493, %add3A_2424 : vector<64x128xf32>
      %mul3A_2497 = arith.mulf %slice3A_2492, %slice3A_2494 : vector<64x128xf32>
      %add3A_2498 = arith.addf %mul3A_2496, %mul3A_2497 : vector<64x128xf32>
      %tanh3A_2499 = math.tanh %add3A_2498 : vector<64x128xf32>
      %mul3A_2500 = arith.mulf %slice3A_2495, %tanh3A_2499 : vector<64x128xf32>
      %add3A_2501 = arith.constant 1 : i32
      %add3A_2502 = arith.addi %scan3A_2450, %add3A_2501 : i32
      %min3A_2503 = arith.constant 79 : i32
      %min3A_2504 = arith.minsi %add3A_2502, %min3A_2503 : i32
      %mul3A_2505 = arith.constant 128 : i32
      %mul3A_2506 = arith.muli %min3A_2504, %mul3A_2505 : i32
      %add3A_2507 = arith.constant 64 : i32
      %add3A_2508 = arith.addi %mul3A_2506, %add3A_2507 : i32
      %get3A_2509 = arith.index_cast %add3A_2508 : i32 to index
      %get3A_2510 = arith.constant 0 : index
      %get3A_2511 = vector.load %arg0[%get3A_2509, %get3A_2510] : memref<10240x128xf32, #tpu.memory_space<vmem>>, vector<64x128xf32>
      %concatenate3A_2512 = tpu.concatenate %mul3A_2466, %get3A_2511 in 1 : vector<64x128xf32>, vector<64x128xf32> -> vector<64x256xf32>
      %get3A_2513 = arith.constant 0 : index
      %get3A_2514 = arith.constant 0 : index
      %get3A_2515 = vector.load %arg1[%get3A_2513, %get3A_2514] : memref<256x512xf32, #tpu.memory_space<vmem>>, vector<256x512xf32>
      %dot_general3A_2516 = arith.constant dense<0.000000e+00> : vector<64x512xf32>
      %dot_general3A_2517 = tpu.matmul %concatenate3A_2512, %get3A_2515, %dot_general3A_2516 {dimension_numbers = #tpu.dot_dimension_numbers<[1], [0], [0], [1], [0, 0, 1, 1], [], []>, transpose_lhs_hint = false} : vector<64x256xf32>, vector<256x512xf32>, vector<64x512xf32> -> vector<64x512xf32>
      %get3A_2518 = arith.constant 0 : index
      %get3A_2519 = arith.constant 0 : index
      %get3A_2520 = vector.load %arg2[%get3A_2518, %get3A_2519] : memref<1x512xf32, #tpu.memory_space<vmem>>, vector<1x512xf32>
      %add3A_2521 = vector.broadcast %get3A_2520 : vector<1x512xf32> to vector<64x512xf32>
      %add3A_2522 = arith.addf %dot_general3A_2517, %add3A_2521 : vector<64x512xf32>
      %scan3A_2523 = arith.constant 33 : i32
      %scan3A_2524 = arith.addi %scan3A_78, %scan3A_2523 : i32
      %tanh3A_2525 = math.tanh %add3A_2522 : vector<64x512xf32>
      %mul3A_2526 = arith.constant 5.000000e-01 : f32
      %mul3A_2527 = vector.broadcast %mul3A_2526 : f32 to vector<64x512xf32>
      %mul3A_2528 = arith.mulf %mul3A_2527, %tanh3A_2525 : vector<64x512xf32>
      %add3A_2529 = arith.constant 5.000000e-01 : f32
      %add3A_2530 = vector.broadcast %add3A_2529 : f32 to vector<64x512xf32>
      %add3A_2531 = arith.addf %mul3A_2528, %add3A_2530 : vector<64x512xf32>
      %slice3A_2532 = vector.extract_strided_slice %add3A_2531 {offsets = [0, 0], sizes = [64, 128], strides = [1, 1]} : vector<64x512xf32> to vector<64x128xf32>
      %slice3A_2533 = vector.extract_strided_slice %add3A_2531 {offsets = [0, 128], sizes = [64, 128], strides = [1, 1]} : vector<64x512xf32> to vector<64x128xf32>
      %slice3A_2534 = vector.extract_strided_slice %tanh3A_2525 {offsets = [0, 256], sizes = [64, 128], strides = [1, 1]} : vector<64x512xf32> to vector<64x128xf32>
      %slice3A_2535 = vector.extract_strided_slice %add3A_2531 {offsets = [0, 384], sizes = [64, 128], strides = [1, 1]} : vector<64x512xf32> to vector<64x128xf32>
      %mul3A_2536 = arith.mulf %slice3A_2533, %add3A_2464 : vector<64x128xf32>
      %mul3A_2537 = arith.mulf %slice3A_2532, %slice3A_2534 : vector<64x128xf32>
      %add3A_2538 = arith.addf %mul3A_2536, %mul3A_2537 : vector<64x128xf32>
      %tanh3A_2539 = math.tanh %add3A_2538 : vector<64x128xf32>
      %mul3A_2540 = arith.mulf %slice3A_2535, %tanh3A_2539 : vector<64x128xf32>
      %min3A_2541 = arith.constant 79 : i32
      %min3A_2542 = arith.minsi %scan3A_2524, %min3A_2541 : i32
      %mul3A_2543 = arith.constant 128 : i32
      %mul3A_2544 = arith.muli %min3A_2542, %mul3A_2543 : i32
      %get3A_2545 = arith.index_cast %mul3A_2544 : i32 to index
      %get3A_2546 = arith.constant 0 : index
      %get3A_2547 = vector.load %arg0[%get3A_2545, %get3A_2546] : memref<10240x128xf32, #tpu.memory_space<vmem>>, vector<64x128xf32>
      %concatenate3A_2548 = tpu.concatenate %mul3A_2500, %get3A_2547 in 1 : vector<64x128xf32>, vector<64x128xf32> -> vector<64x256xf32>
      %get3A_2549 = arith.constant 0 : index
      %get3A_2550 = arith.constant 0 : index
      %get3A_2551 = vector.load %arg1[%get3A_2549, %get3A_2550] : memref<256x512xf32, #tpu.memory_space<vmem>>, vector<256x512xf32>
      %dot_general3A_2552 = arith.constant dense<0.000000e+00> : vector<64x512xf32>
      %dot_general3A_2553 = tpu.matmul %concatenate3A_2548, %get3A_2551, %dot_general3A_2552 {dimension_numbers = #tpu.dot_dimension_numbers<[1], [0], [0], [1], [0, 0, 1, 1], [], []>, transpose_lhs_hint = false} : vector<64x256xf32>, vector<256x512xf32>, vector<64x512xf32> -> vector<64x512xf32>
      %get3A_2554 = arith.constant 0 : index
      %get3A_2555 = arith.constant 0 : index
      %get3A_2556 = vector.load %arg2[%get3A_2554, %get3A_2555] : memref<1x512xf32, #tpu.memory_space<vmem>>, vector<1x512xf32>
      %add3A_2557 = vector.broadcast %get3A_2556 : vector<1x512xf32> to vector<64x512xf32>
      %add3A_2558 = arith.addf %dot_general3A_2553, %add3A_2557 : vector<64x512xf32>
      %tanh3A_2559 = math.tanh %add3A_2558 : vector<64x512xf32>
      %mul3A_2560 = arith.constant 5.000000e-01 : f32
      %mul3A_2561 = vector.broadcast %mul3A_2560 : f32 to vector<64x512xf32>
      %mul3A_2562 = arith.mulf %mul3A_2561, %tanh3A_2559 : vector<64x512xf32>
      %add3A_2563 = arith.constant 5.000000e-01 : f32
      %add3A_2564 = vector.broadcast %add3A_2563 : f32 to vector<64x512xf32>
      %add3A_2565 = arith.addf %mul3A_2562, %add3A_2564 : vector<64x512xf32>
      %slice3A_2566 = vector.extract_strided_slice %add3A_2565 {offsets = [0, 0], sizes = [64, 128], strides = [1, 1]} : vector<64x512xf32> to vector<64x128xf32>
      %slice3A_2567 = vector.extract_strided_slice %add3A_2565 {offsets = [0, 128], sizes = [64, 128], strides = [1, 1]} : vector<64x512xf32> to vector<64x128xf32>
      %slice3A_2568 = vector.extract_strided_slice %tanh3A_2559 {offsets = [0, 256], sizes = [64, 128], strides = [1, 1]} : vector<64x512xf32> to vector<64x128xf32>
      %slice3A_2569 = vector.extract_strided_slice %add3A_2565 {offsets = [0, 384], sizes = [64, 128], strides = [1, 1]} : vector<64x512xf32> to vector<64x128xf32>
      %mul3A_2570 = arith.mulf %slice3A_2567, %add3A_2498 : vector<64x128xf32>
      %mul3A_2571 = arith.mulf %slice3A_2566, %slice3A_2568 : vector<64x128xf32>
      %add3A_2572 = arith.addf %mul3A_2570, %mul3A_2571 : vector<64x128xf32>
      %tanh3A_2573 = math.tanh %add3A_2572 : vector<64x128xf32>
      %mul3A_2574 = arith.mulf %slice3A_2569, %tanh3A_2573 : vector<64x128xf32>
      %add3A_2575 = arith.constant 1 : i32
      %add3A_2576 = arith.addi %scan3A_2524, %add3A_2575 : i32
      %min3A_2577 = arith.constant 79 : i32
      %min3A_2578 = arith.minsi %add3A_2576, %min3A_2577 : i32
      %mul3A_2579 = arith.constant 128 : i32
      %mul3A_2580 = arith.muli %min3A_2578, %mul3A_2579 : i32
      %add3A_2581 = arith.constant 64 : i32
      %add3A_2582 = arith.addi %mul3A_2580, %add3A_2581 : i32
      %get3A_2583 = arith.index_cast %add3A_2582 : i32 to index
      %get3A_2584 = arith.constant 0 : index
      %get3A_2585 = vector.load %arg0[%get3A_2583, %get3A_2584] : memref<10240x128xf32, #tpu.memory_space<vmem>>, vector<64x128xf32>
      %concatenate3A_2586 = tpu.concatenate %mul3A_2540, %get3A_2585 in 1 : vector<64x128xf32>, vector<64x128xf32> -> vector<64x256xf32>
      %get3A_2587 = arith.constant 0 : index
      %get3A_2588 = arith.constant 0 : index
      %get3A_2589 = vector.load %arg1[%get3A_2587, %get3A_2588] : memref<256x512xf32, #tpu.memory_space<vmem>>, vector<256x512xf32>
      %dot_general3A_2590 = arith.constant dense<0.000000e+00> : vector<64x512xf32>
      %dot_general3A_2591 = tpu.matmul %concatenate3A_2586, %get3A_2589, %dot_general3A_2590 {dimension_numbers = #tpu.dot_dimension_numbers<[1], [0], [0], [1], [0, 0, 1, 1], [], []>, transpose_lhs_hint = false} : vector<64x256xf32>, vector<256x512xf32>, vector<64x512xf32> -> vector<64x512xf32>
      %get3A_2592 = arith.constant 0 : index
      %get3A_2593 = arith.constant 0 : index
      %get3A_2594 = vector.load %arg2[%get3A_2592, %get3A_2593] : memref<1x512xf32, #tpu.memory_space<vmem>>, vector<1x512xf32>
      %add3A_2595 = vector.broadcast %get3A_2594 : vector<1x512xf32> to vector<64x512xf32>
      %add3A_2596 = arith.addf %dot_general3A_2591, %add3A_2595 : vector<64x512xf32>
      %scan3A_2597 = arith.constant 34 : i32
      %scan3A_2598 = arith.addi %scan3A_78, %scan3A_2597 : i32
      %tanh3A_2599 = math.tanh %add3A_2596 : vector<64x512xf32>
      %mul3A_2600 = arith.constant 5.000000e-01 : f32
      %mul3A_2601 = vector.broadcast %mul3A_2600 : f32 to vector<64x512xf32>
      %mul3A_2602 = arith.mulf %mul3A_2601, %tanh3A_2599 : vector<64x512xf32>
      %add3A_2603 = arith.constant 5.000000e-01 : f32
      %add3A_2604 = vector.broadcast %add3A_2603 : f32 to vector<64x512xf32>
      %add3A_2605 = arith.addf %mul3A_2602, %add3A_2604 : vector<64x512xf32>
      %slice3A_2606 = vector.extract_strided_slice %add3A_2605 {offsets = [0, 0], sizes = [64, 128], strides = [1, 1]} : vector<64x512xf32> to vector<64x128xf32>
      %slice3A_2607 = vector.extract_strided_slice %add3A_2605 {offsets = [0, 128], sizes = [64, 128], strides = [1, 1]} : vector<64x512xf32> to vector<64x128xf32>
      %slice3A_2608 = vector.extract_strided_slice %tanh3A_2599 {offsets = [0, 256], sizes = [64, 128], strides = [1, 1]} : vector<64x512xf32> to vector<64x128xf32>
      %slice3A_2609 = vector.extract_strided_slice %add3A_2605 {offsets = [0, 384], sizes = [64, 128], strides = [1, 1]} : vector<64x512xf32> to vector<64x128xf32>
      %mul3A_2610 = arith.mulf %slice3A_2607, %add3A_2538 : vector<64x128xf32>
      %mul3A_2611 = arith.mulf %slice3A_2606, %slice3A_2608 : vector<64x128xf32>
      %add3A_2612 = arith.addf %mul3A_2610, %mul3A_2611 : vector<64x128xf32>
      %tanh3A_2613 = math.tanh %add3A_2612 : vector<64x128xf32>
      %mul3A_2614 = arith.mulf %slice3A_2609, %tanh3A_2613 : vector<64x128xf32>
      %min3A_2615 = arith.constant 79 : i32
      %min3A_2616 = arith.minsi %scan3A_2598, %min3A_2615 : i32
      %mul3A_2617 = arith.constant 128 : i32
      %mul3A_2618 = arith.muli %min3A_2616, %mul3A_2617 : i32
      %get3A_2619 = arith.index_cast %mul3A_2618 : i32 to index
      %get3A_2620 = arith.constant 0 : index
      %get3A_2621 = vector.load %arg0[%get3A_2619, %get3A_2620] : memref<10240x128xf32, #tpu.memory_space<vmem>>, vector<64x128xf32>
      %concatenate3A_2622 = tpu.concatenate %mul3A_2574, %get3A_2621 in 1 : vector<64x128xf32>, vector<64x128xf32> -> vector<64x256xf32>
      %get3A_2623 = arith.constant 0 : index
      %get3A_2624 = arith.constant 0 : index
      %get3A_2625 = vector.load %arg1[%get3A_2623, %get3A_2624] : memref<256x512xf32, #tpu.memory_space<vmem>>, vector<256x512xf32>
      %dot_general3A_2626 = arith.constant dense<0.000000e+00> : vector<64x512xf32>
      %dot_general3A_2627 = tpu.matmul %concatenate3A_2622, %get3A_2625, %dot_general3A_2626 {dimension_numbers = #tpu.dot_dimension_numbers<[1], [0], [0], [1], [0, 0, 1, 1], [], []>, transpose_lhs_hint = false} : vector<64x256xf32>, vector<256x512xf32>, vector<64x512xf32> -> vector<64x512xf32>
      %get3A_2628 = arith.constant 0 : index
      %get3A_2629 = arith.constant 0 : index
      %get3A_2630 = vector.load %arg2[%get3A_2628, %get3A_2629] : memref<1x512xf32, #tpu.memory_space<vmem>>, vector<1x512xf32>
      %add3A_2631 = vector.broadcast %get3A_2630 : vector<1x512xf32> to vector<64x512xf32>
      %add3A_2632 = arith.addf %dot_general3A_2627, %add3A_2631 : vector<64x512xf32>
      %tanh3A_2633 = math.tanh %add3A_2632 : vector<64x512xf32>
      %mul3A_2634 = arith.constant 5.000000e-01 : f32
      %mul3A_2635 = vector.broadcast %mul3A_2634 : f32 to vector<64x512xf32>
      %mul3A_2636 = arith.mulf %mul3A_2635, %tanh3A_2633 : vector<64x512xf32>
      %add3A_2637 = arith.constant 5.000000e-01 : f32
      %add3A_2638 = vector.broadcast %add3A_2637 : f32 to vector<64x512xf32>
      %add3A_2639 = arith.addf %mul3A_2636, %add3A_2638 : vector<64x512xf32>
      %slice3A_2640 = vector.extract_strided_slice %add3A_2639 {offsets = [0, 0], sizes = [64, 128], strides = [1, 1]} : vector<64x512xf32> to vector<64x128xf32>
      %slice3A_2641 = vector.extract_strided_slice %add3A_2639 {offsets = [0, 128], sizes = [64, 128], strides = [1, 1]} : vector<64x512xf32> to vector<64x128xf32>
      %slice3A_2642 = vector.extract_strided_slice %tanh3A_2633 {offsets = [0, 256], sizes = [64, 128], strides = [1, 1]} : vector<64x512xf32> to vector<64x128xf32>
      %slice3A_2643 = vector.extract_strided_slice %add3A_2639 {offsets = [0, 384], sizes = [64, 128], strides = [1, 1]} : vector<64x512xf32> to vector<64x128xf32>
      %mul3A_2644 = arith.mulf %slice3A_2641, %add3A_2572 : vector<64x128xf32>
      %mul3A_2645 = arith.mulf %slice3A_2640, %slice3A_2642 : vector<64x128xf32>
      %add3A_2646 = arith.addf %mul3A_2644, %mul3A_2645 : vector<64x128xf32>
      %tanh3A_2647 = math.tanh %add3A_2646 : vector<64x128xf32>
      %mul3A_2648 = arith.mulf %slice3A_2643, %tanh3A_2647 : vector<64x128xf32>
      %add3A_2649 = arith.constant 1 : i32
      %add3A_2650 = arith.addi %scan3A_2598, %add3A_2649 : i32
      %min3A_2651 = arith.constant 79 : i32
      %min3A_2652 = arith.minsi %add3A_2650, %min3A_2651 : i32
      %mul3A_2653 = arith.constant 128 : i32
      %mul3A_2654 = arith.muli %min3A_2652, %mul3A_2653 : i32
      %add3A_2655 = arith.constant 64 : i32
      %add3A_2656 = arith.addi %mul3A_2654, %add3A_2655 : i32
      %get3A_2657 = arith.index_cast %add3A_2656 : i32 to index
      %get3A_2658 = arith.constant 0 : index
      %get3A_2659 = vector.load %arg0[%get3A_2657, %get3A_2658] : memref<10240x128xf32, #tpu.memory_space<vmem>>, vector<64x128xf32>
      %concatenate3A_2660 = tpu.concatenate %mul3A_2614, %get3A_2659 in 1 : vector<64x128xf32>, vector<64x128xf32> -> vector<64x256xf32>
      %get3A_2661 = arith.constant 0 : index
      %get3A_2662 = arith.constant 0 : index
      %get3A_2663 = vector.load %arg1[%get3A_2661, %get3A_2662] : memref<256x512xf32, #tpu.memory_space<vmem>>, vector<256x512xf32>
      %dot_general3A_2664 = arith.constant dense<0.000000e+00> : vector<64x512xf32>
      %dot_general3A_2665 = tpu.matmul %concatenate3A_2660, %get3A_2663, %dot_general3A_2664 {dimension_numbers = #tpu.dot_dimension_numbers<[1], [0], [0], [1], [0, 0, 1, 1], [], []>, transpose_lhs_hint = false} : vector<64x256xf32>, vector<256x512xf32>, vector<64x512xf32> -> vector<64x512xf32>
      %get3A_2666 = arith.constant 0 : index
      %get3A_2667 = arith.constant 0 : index
      %get3A_2668 = vector.load %arg2[%get3A_2666, %get3A_2667] : memref<1x512xf32, #tpu.memory_space<vmem>>, vector<1x512xf32>
      %add3A_2669 = vector.broadcast %get3A_2668 : vector<1x512xf32> to vector<64x512xf32>
      %add3A_2670 = arith.addf %dot_general3A_2665, %add3A_2669 : vector<64x512xf32>
      %scan3A_2671 = arith.constant 35 : i32
      %scan3A_2672 = arith.addi %scan3A_78, %scan3A_2671 : i32
      %tanh3A_2673 = math.tanh %add3A_2670 : vector<64x512xf32>
      %mul3A_2674 = arith.constant 5.000000e-01 : f32
      %mul3A_2675 = vector.broadcast %mul3A_2674 : f32 to vector<64x512xf32>
      %mul3A_2676 = arith.mulf %mul3A_2675, %tanh3A_2673 : vector<64x512xf32>
      %add3A_2677 = arith.constant 5.000000e-01 : f32
      %add3A_2678 = vector.broadcast %add3A_2677 : f32 to vector<64x512xf32>
      %add3A_2679 = arith.addf %mul3A_2676, %add3A_2678 : vector<64x512xf32>
      %slice3A_2680 = vector.extract_strided_slice %add3A_2679 {offsets = [0, 0], sizes = [64, 128], strides = [1, 1]} : vector<64x512xf32> to vector<64x128xf32>
      %slice3A_2681 = vector.extract_strided_slice %add3A_2679 {offsets = [0, 128], sizes = [64, 128], strides = [1, 1]} : vector<64x512xf32> to vector<64x128xf32>
      %slice3A_2682 = vector.extract_strided_slice %tanh3A_2673 {offsets = [0, 256], sizes = [64, 128], strides = [1, 1]} : vector<64x512xf32> to vector<64x128xf32>
      %slice3A_2683 = vector.extract_strided_slice %add3A_2679 {offsets = [0, 384], sizes = [64, 128], strides = [1, 1]} : vector<64x512xf32> to vector<64x128xf32>
      %mul3A_2684 = arith.mulf %slice3A_2681, %add3A_2612 : vector<64x128xf32>
      %mul3A_2685 = arith.mulf %slice3A_2680, %slice3A_2682 : vector<64x128xf32>
      %add3A_2686 = arith.addf %mul3A_2684, %mul3A_2685 : vector<64x128xf32>
      %tanh3A_2687 = math.tanh %add3A_2686 : vector<64x128xf32>
      %mul3A_2688 = arith.mulf %slice3A_2683, %tanh3A_2687 : vector<64x128xf32>
      %min3A_2689 = arith.constant 79 : i32
      %min3A_2690 = arith.minsi %scan3A_2672, %min3A_2689 : i32
      %mul3A_2691 = arith.constant 128 : i32
      %mul3A_2692 = arith.muli %min3A_2690, %mul3A_2691 : i32
      %get3A_2693 = arith.index_cast %mul3A_2692 : i32 to index
      %get3A_2694 = arith.constant 0 : index
      %get3A_2695 = vector.load %arg0[%get3A_2693, %get3A_2694] : memref<10240x128xf32, #tpu.memory_space<vmem>>, vector<64x128xf32>
      %concatenate3A_2696 = tpu.concatenate %mul3A_2648, %get3A_2695 in 1 : vector<64x128xf32>, vector<64x128xf32> -> vector<64x256xf32>
      %get3A_2697 = arith.constant 0 : index
      %get3A_2698 = arith.constant 0 : index
      %get3A_2699 = vector.load %arg1[%get3A_2697, %get3A_2698] : memref<256x512xf32, #tpu.memory_space<vmem>>, vector<256x512xf32>
      %dot_general3A_2700 = arith.constant dense<0.000000e+00> : vector<64x512xf32>
      %dot_general3A_2701 = tpu.matmul %concatenate3A_2696, %get3A_2699, %dot_general3A_2700 {dimension_numbers = #tpu.dot_dimension_numbers<[1], [0], [0], [1], [0, 0, 1, 1], [], []>, transpose_lhs_hint = false} : vector<64x256xf32>, vector<256x512xf32>, vector<64x512xf32> -> vector<64x512xf32>
      %get3A_2702 = arith.constant 0 : index
      %get3A_2703 = arith.constant 0 : index
      %get3A_2704 = vector.load %arg2[%get3A_2702, %get3A_2703] : memref<1x512xf32, #tpu.memory_space<vmem>>, vector<1x512xf32>
      %add3A_2705 = vector.broadcast %get3A_2704 : vector<1x512xf32> to vector<64x512xf32>
      %add3A_2706 = arith.addf %dot_general3A_2701, %add3A_2705 : vector<64x512xf32>
      %tanh3A_2707 = math.tanh %add3A_2706 : vector<64x512xf32>
      %mul3A_2708 = arith.constant 5.000000e-01 : f32
      %mul3A_2709 = vector.broadcast %mul3A_2708 : f32 to vector<64x512xf32>
      %mul3A_2710 = arith.mulf %mul3A_2709, %tanh3A_2707 : vector<64x512xf32>
      %add3A_2711 = arith.constant 5.000000e-01 : f32
      %add3A_2712 = vector.broadcast %add3A_2711 : f32 to vector<64x512xf32>
      %add3A_2713 = arith.addf %mul3A_2710, %add3A_2712 : vector<64x512xf32>
      %slice3A_2714 = vector.extract_strided_slice %add3A_2713 {offsets = [0, 0], sizes = [64, 128], strides = [1, 1]} : vector<64x512xf32> to vector<64x128xf32>
      %slice3A_2715 = vector.extract_strided_slice %add3A_2713 {offsets = [0, 128], sizes = [64, 128], strides = [1, 1]} : vector<64x512xf32> to vector<64x128xf32>
      %slice3A_2716 = vector.extract_strided_slice %tanh3A_2707 {offsets = [0, 256], sizes = [64, 128], strides = [1, 1]} : vector<64x512xf32> to vector<64x128xf32>
      %slice3A_2717 = vector.extract_strided_slice %add3A_2713 {offsets = [0, 384], sizes = [64, 128], strides = [1, 1]} : vector<64x512xf32> to vector<64x128xf32>
      %mul3A_2718 = arith.mulf %slice3A_2715, %add3A_2646 : vector<64x128xf32>
      %mul3A_2719 = arith.mulf %slice3A_2714, %slice3A_2716 : vector<64x128xf32>
      %add3A_2720 = arith.addf %mul3A_2718, %mul3A_2719 : vector<64x128xf32>
      %tanh3A_2721 = math.tanh %add3A_2720 : vector<64x128xf32>
      %mul3A_2722 = arith.mulf %slice3A_2717, %tanh3A_2721 : vector<64x128xf32>
      %add3A_2723 = arith.constant 1 : i32
      %add3A_2724 = arith.addi %scan3A_2672, %add3A_2723 : i32
      %min3A_2725 = arith.constant 79 : i32
      %min3A_2726 = arith.minsi %add3A_2724, %min3A_2725 : i32
      %mul3A_2727 = arith.constant 128 : i32
      %mul3A_2728 = arith.muli %min3A_2726, %mul3A_2727 : i32
      %add3A_2729 = arith.constant 64 : i32
      %add3A_2730 = arith.addi %mul3A_2728, %add3A_2729 : i32
      %get3A_2731 = arith.index_cast %add3A_2730 : i32 to index
      %get3A_2732 = arith.constant 0 : index
      %get3A_2733 = vector.load %arg0[%get3A_2731, %get3A_2732] : memref<10240x128xf32, #tpu.memory_space<vmem>>, vector<64x128xf32>
      %concatenate3A_2734 = tpu.concatenate %mul3A_2688, %get3A_2733 in 1 : vector<64x128xf32>, vector<64x128xf32> -> vector<64x256xf32>
      %get3A_2735 = arith.constant 0 : index
      %get3A_2736 = arith.constant 0 : index
      %get3A_2737 = vector.load %arg1[%get3A_2735, %get3A_2736] : memref<256x512xf32, #tpu.memory_space<vmem>>, vector<256x512xf32>
      %dot_general3A_2738 = arith.constant dense<0.000000e+00> : vector<64x512xf32>
      %dot_general3A_2739 = tpu.matmul %concatenate3A_2734, %get3A_2737, %dot_general3A_2738 {dimension_numbers = #tpu.dot_dimension_numbers<[1], [0], [0], [1], [0, 0, 1, 1], [], []>, transpose_lhs_hint = false} : vector<64x256xf32>, vector<256x512xf32>, vector<64x512xf32> -> vector<64x512xf32>
      %get3A_2740 = arith.constant 0 : index
      %get3A_2741 = arith.constant 0 : index
      %get3A_2742 = vector.load %arg2[%get3A_2740, %get3A_2741] : memref<1x512xf32, #tpu.memory_space<vmem>>, vector<1x512xf32>
      %add3A_2743 = vector.broadcast %get3A_2742 : vector<1x512xf32> to vector<64x512xf32>
      %add3A_2744 = arith.addf %dot_general3A_2739, %add3A_2743 : vector<64x512xf32>
      %scan3A_2745 = arith.constant 36 : i32
      %scan3A_2746 = arith.addi %scan3A_78, %scan3A_2745 : i32
      %tanh3A_2747 = math.tanh %add3A_2744 : vector<64x512xf32>
      %mul3A_2748 = arith.constant 5.000000e-01 : f32
      %mul3A_2749 = vector.broadcast %mul3A_2748 : f32 to vector<64x512xf32>
      %mul3A_2750 = arith.mulf %mul3A_2749, %tanh3A_2747 : vector<64x512xf32>
      %add3A_2751 = arith.constant 5.000000e-01 : f32
      %add3A_2752 = vector.broadcast %add3A_2751 : f32 to vector<64x512xf32>
      %add3A_2753 = arith.addf %mul3A_2750, %add3A_2752 : vector<64x512xf32>
      %slice3A_2754 = vector.extract_strided_slice %add3A_2753 {offsets = [0, 0], sizes = [64, 128], strides = [1, 1]} : vector<64x512xf32> to vector<64x128xf32>
      %slice3A_2755 = vector.extract_strided_slice %add3A_2753 {offsets = [0, 128], sizes = [64, 128], strides = [1, 1]} : vector<64x512xf32> to vector<64x128xf32>
      %slice3A_2756 = vector.extract_strided_slice %tanh3A_2747 {offsets = [0, 256], sizes = [64, 128], strides = [1, 1]} : vector<64x512xf32> to vector<64x128xf32>
      %slice3A_2757 = vector.extract_strided_slice %add3A_2753 {offsets = [0, 384], sizes = [64, 128], strides = [1, 1]} : vector<64x512xf32> to vector<64x128xf32>
      %mul3A_2758 = arith.mulf %slice3A_2755, %add3A_2686 : vector<64x128xf32>
      %mul3A_2759 = arith.mulf %slice3A_2754, %slice3A_2756 : vector<64x128xf32>
      %add3A_2760 = arith.addf %mul3A_2758, %mul3A_2759 : vector<64x128xf32>
      %tanh3A_2761 = math.tanh %add3A_2760 : vector<64x128xf32>
      %mul3A_2762 = arith.mulf %slice3A_2757, %tanh3A_2761 : vector<64x128xf32>
      %min3A_2763 = arith.constant 79 : i32
      %min3A_2764 = arith.minsi %scan3A_2746, %min3A_2763 : i32
      %mul3A_2765 = arith.constant 128 : i32
      %mul3A_2766 = arith.muli %min3A_2764, %mul3A_2765 : i32
      %get3A_2767 = arith.index_cast %mul3A_2766 : i32 to index
      %get3A_2768 = arith.constant 0 : index
      %get3A_2769 = vector.load %arg0[%get3A_2767, %get3A_2768] : memref<10240x128xf32, #tpu.memory_space<vmem>>, vector<64x128xf32>
      %concatenate3A_2770 = tpu.concatenate %mul3A_2722, %get3A_2769 in 1 : vector<64x128xf32>, vector<64x128xf32> -> vector<64x256xf32>
      %get3A_2771 = arith.constant 0 : index
      %get3A_2772 = arith.constant 0 : index
      %get3A_2773 = vector.load %arg1[%get3A_2771, %get3A_2772] : memref<256x512xf32, #tpu.memory_space<vmem>>, vector<256x512xf32>
      %dot_general3A_2774 = arith.constant dense<0.000000e+00> : vector<64x512xf32>
      %dot_general3A_2775 = tpu.matmul %concatenate3A_2770, %get3A_2773, %dot_general3A_2774 {dimension_numbers = #tpu.dot_dimension_numbers<[1], [0], [0], [1], [0, 0, 1, 1], [], []>, transpose_lhs_hint = false} : vector<64x256xf32>, vector<256x512xf32>, vector<64x512xf32> -> vector<64x512xf32>
      %get3A_2776 = arith.constant 0 : index
      %get3A_2777 = arith.constant 0 : index
      %get3A_2778 = vector.load %arg2[%get3A_2776, %get3A_2777] : memref<1x512xf32, #tpu.memory_space<vmem>>, vector<1x512xf32>
      %add3A_2779 = vector.broadcast %get3A_2778 : vector<1x512xf32> to vector<64x512xf32>
      %add3A_2780 = arith.addf %dot_general3A_2775, %add3A_2779 : vector<64x512xf32>
      %tanh3A_2781 = math.tanh %add3A_2780 : vector<64x512xf32>
      %mul3A_2782 = arith.constant 5.000000e-01 : f32
      %mul3A_2783 = vector.broadcast %mul3A_2782 : f32 to vector<64x512xf32>
      %mul3A_2784 = arith.mulf %mul3A_2783, %tanh3A_2781 : vector<64x512xf32>
      %add3A_2785 = arith.constant 5.000000e-01 : f32
      %add3A_2786 = vector.broadcast %add3A_2785 : f32 to vector<64x512xf32>
      %add3A_2787 = arith.addf %mul3A_2784, %add3A_2786 : vector<64x512xf32>
      %slice3A_2788 = vector.extract_strided_slice %add3A_2787 {offsets = [0, 0], sizes = [64, 128], strides = [1, 1]} : vector<64x512xf32> to vector<64x128xf32>
      %slice3A_2789 = vector.extract_strided_slice %add3A_2787 {offsets = [0, 128], sizes = [64, 128], strides = [1, 1]} : vector<64x512xf32> to vector<64x128xf32>
      %slice3A_2790 = vector.extract_strided_slice %tanh3A_2781 {offsets = [0, 256], sizes = [64, 128], strides = [1, 1]} : vector<64x512xf32> to vector<64x128xf32>
      %slice3A_2791 = vector.extract_strided_slice %add3A_2787 {offsets = [0, 384], sizes = [64, 128], strides = [1, 1]} : vector<64x512xf32> to vector<64x128xf32>
      %mul3A_2792 = arith.mulf %slice3A_2789, %add3A_2720 : vector<64x128xf32>
      %mul3A_2793 = arith.mulf %slice3A_2788, %slice3A_2790 : vector<64x128xf32>
      %add3A_2794 = arith.addf %mul3A_2792, %mul3A_2793 : vector<64x128xf32>
      %tanh3A_2795 = math.tanh %add3A_2794 : vector<64x128xf32>
      %mul3A_2796 = arith.mulf %slice3A_2791, %tanh3A_2795 : vector<64x128xf32>
      %add3A_2797 = arith.constant 1 : i32
      %add3A_2798 = arith.addi %scan3A_2746, %add3A_2797 : i32
      %min3A_2799 = arith.constant 79 : i32
      %min3A_2800 = arith.minsi %add3A_2798, %min3A_2799 : i32
      %mul3A_2801 = arith.constant 128 : i32
      %mul3A_2802 = arith.muli %min3A_2800, %mul3A_2801 : i32
      %add3A_2803 = arith.constant 64 : i32
      %add3A_2804 = arith.addi %mul3A_2802, %add3A_2803 : i32
      %get3A_2805 = arith.index_cast %add3A_2804 : i32 to index
      %get3A_2806 = arith.constant 0 : index
      %get3A_2807 = vector.load %arg0[%get3A_2805, %get3A_2806] : memref<10240x128xf32, #tpu.memory_space<vmem>>, vector<64x128xf32>
      %concatenate3A_2808 = tpu.concatenate %mul3A_2762, %get3A_2807 in 1 : vector<64x128xf32>, vector<64x128xf32> -> vector<64x256xf32>
      %get3A_2809 = arith.constant 0 : index
      %get3A_2810 = arith.constant 0 : index
      %get3A_2811 = vector.load %arg1[%get3A_2809, %get3A_2810] : memref<256x512xf32, #tpu.memory_space<vmem>>, vector<256x512xf32>
      %dot_general3A_2812 = arith.constant dense<0.000000e+00> : vector<64x512xf32>
      %dot_general3A_2813 = tpu.matmul %concatenate3A_2808, %get3A_2811, %dot_general3A_2812 {dimension_numbers = #tpu.dot_dimension_numbers<[1], [0], [0], [1], [0, 0, 1, 1], [], []>, transpose_lhs_hint = false} : vector<64x256xf32>, vector<256x512xf32>, vector<64x512xf32> -> vector<64x512xf32>
      %get3A_2814 = arith.constant 0 : index
      %get3A_2815 = arith.constant 0 : index
      %get3A_2816 = vector.load %arg2[%get3A_2814, %get3A_2815] : memref<1x512xf32, #tpu.memory_space<vmem>>, vector<1x512xf32>
      %add3A_2817 = vector.broadcast %get3A_2816 : vector<1x512xf32> to vector<64x512xf32>
      %add3A_2818 = arith.addf %dot_general3A_2813, %add3A_2817 : vector<64x512xf32>
      %scan3A_2819 = arith.constant 37 : i32
      %scan3A_2820 = arith.addi %scan3A_78, %scan3A_2819 : i32
      %tanh3A_2821 = math.tanh %add3A_2818 : vector<64x512xf32>
      %mul3A_2822 = arith.constant 5.000000e-01 : f32
      %mul3A_2823 = vector.broadcast %mul3A_2822 : f32 to vector<64x512xf32>
      %mul3A_2824 = arith.mulf %mul3A_2823, %tanh3A_2821 : vector<64x512xf32>
      %add3A_2825 = arith.constant 5.000000e-01 : f32
      %add3A_2826 = vector.broadcast %add3A_2825 : f32 to vector<64x512xf32>
      %add3A_2827 = arith.addf %mul3A_2824, %add3A_2826 : vector<64x512xf32>
      %slice3A_2828 = vector.extract_strided_slice %add3A_2827 {offsets = [0, 0], sizes = [64, 128], strides = [1, 1]} : vector<64x512xf32> to vector<64x128xf32>
      %slice3A_2829 = vector.extract_strided_slice %add3A_2827 {offsets = [0, 128], sizes = [64, 128], strides = [1, 1]} : vector<64x512xf32> to vector<64x128xf32>
      %slice3A_2830 = vector.extract_strided_slice %tanh3A_2821 {offsets = [0, 256], sizes = [64, 128], strides = [1, 1]} : vector<64x512xf32> to vector<64x128xf32>
      %slice3A_2831 = vector.extract_strided_slice %add3A_2827 {offsets = [0, 384], sizes = [64, 128], strides = [1, 1]} : vector<64x512xf32> to vector<64x128xf32>
      %mul3A_2832 = arith.mulf %slice3A_2829, %add3A_2760 : vector<64x128xf32>
      %mul3A_2833 = arith.mulf %slice3A_2828, %slice3A_2830 : vector<64x128xf32>
      %add3A_2834 = arith.addf %mul3A_2832, %mul3A_2833 : vector<64x128xf32>
      %tanh3A_2835 = math.tanh %add3A_2834 : vector<64x128xf32>
      %mul3A_2836 = arith.mulf %slice3A_2831, %tanh3A_2835 : vector<64x128xf32>
      %min3A_2837 = arith.constant 79 : i32
      %min3A_2838 = arith.minsi %scan3A_2820, %min3A_2837 : i32
      %mul3A_2839 = arith.constant 128 : i32
      %mul3A_2840 = arith.muli %min3A_2838, %mul3A_2839 : i32
      %get3A_2841 = arith.index_cast %mul3A_2840 : i32 to index
      %get3A_2842 = arith.constant 0 : index
      %get3A_2843 = vector.load %arg0[%get3A_2841, %get3A_2842] : memref<10240x128xf32, #tpu.memory_space<vmem>>, vector<64x128xf32>
      %concatenate3A_2844 = tpu.concatenate %mul3A_2796, %get3A_2843 in 1 : vector<64x128xf32>, vector<64x128xf32> -> vector<64x256xf32>
      %get3A_2845 = arith.constant 0 : index
      %get3A_2846 = arith.constant 0 : index
      %get3A_2847 = vector.load %arg1[%get3A_2845, %get3A_2846] : memref<256x512xf32, #tpu.memory_space<vmem>>, vector<256x512xf32>
      %dot_general3A_2848 = arith.constant dense<0.000000e+00> : vector<64x512xf32>
      %dot_general3A_2849 = tpu.matmul %concatenate3A_2844, %get3A_2847, %dot_general3A_2848 {dimension_numbers = #tpu.dot_dimension_numbers<[1], [0], [0], [1], [0, 0, 1, 1], [], []>, transpose_lhs_hint = false} : vector<64x256xf32>, vector<256x512xf32>, vector<64x512xf32> -> vector<64x512xf32>
      %get3A_2850 = arith.constant 0 : index
      %get3A_2851 = arith.constant 0 : index
      %get3A_2852 = vector.load %arg2[%get3A_2850, %get3A_2851] : memref<1x512xf32, #tpu.memory_space<vmem>>, vector<1x512xf32>
      %add3A_2853 = vector.broadcast %get3A_2852 : vector<1x512xf32> to vector<64x512xf32>
      %add3A_2854 = arith.addf %dot_general3A_2849, %add3A_2853 : vector<64x512xf32>
      %tanh3A_2855 = math.tanh %add3A_2854 : vector<64x512xf32>
      %mul3A_2856 = arith.constant 5.000000e-01 : f32
      %mul3A_2857 = vector.broadcast %mul3A_2856 : f32 to vector<64x512xf32>
      %mul3A_2858 = arith.mulf %mul3A_2857, %tanh3A_2855 : vector<64x512xf32>
      %add3A_2859 = arith.constant 5.000000e-01 : f32
      %add3A_2860 = vector.broadcast %add3A_2859 : f32 to vector<64x512xf32>
      %add3A_2861 = arith.addf %mul3A_2858, %add3A_2860 : vector<64x512xf32>
      %slice3A_2862 = vector.extract_strided_slice %add3A_2861 {offsets = [0, 0], sizes = [64, 128], strides = [1, 1]} : vector<64x512xf32> to vector<64x128xf32>
      %slice3A_2863 = vector.extract_strided_slice %add3A_2861 {offsets = [0, 128], sizes = [64, 128], strides = [1, 1]} : vector<64x512xf32> to vector<64x128xf32>
      %slice3A_2864 = vector.extract_strided_slice %tanh3A_2855 {offsets = [0, 256], sizes = [64, 128], strides = [1, 1]} : vector<64x512xf32> to vector<64x128xf32>
      %slice3A_2865 = vector.extract_strided_slice %add3A_2861 {offsets = [0, 384], sizes = [64, 128], strides = [1, 1]} : vector<64x512xf32> to vector<64x128xf32>
      %mul3A_2866 = arith.mulf %slice3A_2863, %add3A_2794 : vector<64x128xf32>
      %mul3A_2867 = arith.mulf %slice3A_2862, %slice3A_2864 : vector<64x128xf32>
      %add3A_2868 = arith.addf %mul3A_2866, %mul3A_2867 : vector<64x128xf32>
      %tanh3A_2869 = math.tanh %add3A_2868 : vector<64x128xf32>
      %mul3A_2870 = arith.mulf %slice3A_2865, %tanh3A_2869 : vector<64x128xf32>
      %add3A_2871 = arith.constant 1 : i32
      %add3A_2872 = arith.addi %scan3A_2820, %add3A_2871 : i32
      %min3A_2873 = arith.constant 79 : i32
      %min3A_2874 = arith.minsi %add3A_2872, %min3A_2873 : i32
      %mul3A_2875 = arith.constant 128 : i32
      %mul3A_2876 = arith.muli %min3A_2874, %mul3A_2875 : i32
      %add3A_2877 = arith.constant 64 : i32
      %add3A_2878 = arith.addi %mul3A_2876, %add3A_2877 : i32
      %get3A_2879 = arith.index_cast %add3A_2878 : i32 to index
      %get3A_2880 = arith.constant 0 : index
      %get3A_2881 = vector.load %arg0[%get3A_2879, %get3A_2880] : memref<10240x128xf32, #tpu.memory_space<vmem>>, vector<64x128xf32>
      %concatenate3A_2882 = tpu.concatenate %mul3A_2836, %get3A_2881 in 1 : vector<64x128xf32>, vector<64x128xf32> -> vector<64x256xf32>
      %get3A_2883 = arith.constant 0 : index
      %get3A_2884 = arith.constant 0 : index
      %get3A_2885 = vector.load %arg1[%get3A_2883, %get3A_2884] : memref<256x512xf32, #tpu.memory_space<vmem>>, vector<256x512xf32>
      %dot_general3A_2886 = arith.constant dense<0.000000e+00> : vector<64x512xf32>
      %dot_general3A_2887 = tpu.matmul %concatenate3A_2882, %get3A_2885, %dot_general3A_2886 {dimension_numbers = #tpu.dot_dimension_numbers<[1], [0], [0], [1], [0, 0, 1, 1], [], []>, transpose_lhs_hint = false} : vector<64x256xf32>, vector<256x512xf32>, vector<64x512xf32> -> vector<64x512xf32>
      %get3A_2888 = arith.constant 0 : index
      %get3A_2889 = arith.constant 0 : index
      %get3A_2890 = vector.load %arg2[%get3A_2888, %get3A_2889] : memref<1x512xf32, #tpu.memory_space<vmem>>, vector<1x512xf32>
      %add3A_2891 = vector.broadcast %get3A_2890 : vector<1x512xf32> to vector<64x512xf32>
      %add3A_2892 = arith.addf %dot_general3A_2887, %add3A_2891 : vector<64x512xf32>
      %scan3A_2893 = arith.constant 38 : i32
      %scan3A_2894 = arith.addi %scan3A_78, %scan3A_2893 : i32
      %tanh3A_2895 = math.tanh %add3A_2892 : vector<64x512xf32>
      %mul3A_2896 = arith.constant 5.000000e-01 : f32
      %mul3A_2897 = vector.broadcast %mul3A_2896 : f32 to vector<64x512xf32>
      %mul3A_2898 = arith.mulf %mul3A_2897, %tanh3A_2895 : vector<64x512xf32>
      %add3A_2899 = arith.constant 5.000000e-01 : f32
      %add3A_2900 = vector.broadcast %add3A_2899 : f32 to vector<64x512xf32>
      %add3A_2901 = arith.addf %mul3A_2898, %add3A_2900 : vector<64x512xf32>
      %slice3A_2902 = vector.extract_strided_slice %add3A_2901 {offsets = [0, 0], sizes = [64, 128], strides = [1, 1]} : vector<64x512xf32> to vector<64x128xf32>
      %slice3A_2903 = vector.extract_strided_slice %add3A_2901 {offsets = [0, 128], sizes = [64, 128], strides = [1, 1]} : vector<64x512xf32> to vector<64x128xf32>
      %slice3A_2904 = vector.extract_strided_slice %tanh3A_2895 {offsets = [0, 256], sizes = [64, 128], strides = [1, 1]} : vector<64x512xf32> to vector<64x128xf32>
      %slice3A_2905 = vector.extract_strided_slice %add3A_2901 {offsets = [0, 384], sizes = [64, 128], strides = [1, 1]} : vector<64x512xf32> to vector<64x128xf32>
      %mul3A_2906 = arith.mulf %slice3A_2903, %add3A_2834 : vector<64x128xf32>
      %mul3A_2907 = arith.mulf %slice3A_2902, %slice3A_2904 : vector<64x128xf32>
      %add3A_2908 = arith.addf %mul3A_2906, %mul3A_2907 : vector<64x128xf32>
      %tanh3A_2909 = math.tanh %add3A_2908 : vector<64x128xf32>
      %mul3A_2910 = arith.mulf %slice3A_2905, %tanh3A_2909 : vector<64x128xf32>
      %min3A_2911 = arith.constant 79 : i32
      %min3A_2912 = arith.minsi %scan3A_2894, %min3A_2911 : i32
      %mul3A_2913 = arith.constant 128 : i32
      %mul3A_2914 = arith.muli %min3A_2912, %mul3A_2913 : i32
      %get3A_2915 = arith.index_cast %mul3A_2914 : i32 to index
      %get3A_2916 = arith.constant 0 : index
      %get3A_2917 = vector.load %arg0[%get3A_2915, %get3A_2916] : memref<10240x128xf32, #tpu.memory_space<vmem>>, vector<64x128xf32>
      %concatenate3A_2918 = tpu.concatenate %mul3A_2870, %get3A_2917 in 1 : vector<64x128xf32>, vector<64x128xf32> -> vector<64x256xf32>
      %get3A_2919 = arith.constant 0 : index
      %get3A_2920 = arith.constant 0 : index
      %get3A_2921 = vector.load %arg1[%get3A_2919, %get3A_2920] : memref<256x512xf32, #tpu.memory_space<vmem>>, vector<256x512xf32>
      %dot_general3A_2922 = arith.constant dense<0.000000e+00> : vector<64x512xf32>
      %dot_general3A_2923 = tpu.matmul %concatenate3A_2918, %get3A_2921, %dot_general3A_2922 {dimension_numbers = #tpu.dot_dimension_numbers<[1], [0], [0], [1], [0, 0, 1, 1], [], []>, transpose_lhs_hint = false} : vector<64x256xf32>, vector<256x512xf32>, vector<64x512xf32> -> vector<64x512xf32>
      %get3A_2924 = arith.constant 0 : index
      %get3A_2925 = arith.constant 0 : index
      %get3A_2926 = vector.load %arg2[%get3A_2924, %get3A_2925] : memref<1x512xf32, #tpu.memory_space<vmem>>, vector<1x512xf32>
      %add3A_2927 = vector.broadcast %get3A_2926 : vector<1x512xf32> to vector<64x512xf32>
      %add3A_2928 = arith.addf %dot_general3A_2923, %add3A_2927 : vector<64x512xf32>
      %tanh3A_2929 = math.tanh %add3A_2928 : vector<64x512xf32>
      %mul3A_2930 = arith.constant 5.000000e-01 : f32
      %mul3A_2931 = vector.broadcast %mul3A_2930 : f32 to vector<64x512xf32>
      %mul3A_2932 = arith.mulf %mul3A_2931, %tanh3A_2929 : vector<64x512xf32>
      %add3A_2933 = arith.constant 5.000000e-01 : f32
      %add3A_2934 = vector.broadcast %add3A_2933 : f32 to vector<64x512xf32>
      %add3A_2935 = arith.addf %mul3A_2932, %add3A_2934 : vector<64x512xf32>
      %slice3A_2936 = vector.extract_strided_slice %add3A_2935 {offsets = [0, 0], sizes = [64, 128], strides = [1, 1]} : vector<64x512xf32> to vector<64x128xf32>
      %slice3A_2937 = vector.extract_strided_slice %add3A_2935 {offsets = [0, 128], sizes = [64, 128], strides = [1, 1]} : vector<64x512xf32> to vector<64x128xf32>
      %slice3A_2938 = vector.extract_strided_slice %tanh3A_2929 {offsets = [0, 256], sizes = [64, 128], strides = [1, 1]} : vector<64x512xf32> to vector<64x128xf32>
      %slice3A_2939 = vector.extract_strided_slice %add3A_2935 {offsets = [0, 384], sizes = [64, 128], strides = [1, 1]} : vector<64x512xf32> to vector<64x128xf32>
      %mul3A_2940 = arith.mulf %slice3A_2937, %add3A_2868 : vector<64x128xf32>
      %mul3A_2941 = arith.mulf %slice3A_2936, %slice3A_2938 : vector<64x128xf32>
      %add3A_2942 = arith.addf %mul3A_2940, %mul3A_2941 : vector<64x128xf32>
      %tanh3A_2943 = math.tanh %add3A_2942 : vector<64x128xf32>
      %mul3A_2944 = arith.mulf %slice3A_2939, %tanh3A_2943 : vector<64x128xf32>
      %add3A_2945 = arith.constant 1 : i32
      %add3A_2946 = arith.addi %scan3A_2894, %add3A_2945 : i32
      %min3A_2947 = arith.constant 79 : i32
      %min3A_2948 = arith.minsi %add3A_2946, %min3A_2947 : i32
      %mul3A_2949 = arith.constant 128 : i32
      %mul3A_2950 = arith.muli %min3A_2948, %mul3A_2949 : i32
      %add3A_2951 = arith.constant 64 : i32
      %add3A_2952 = arith.addi %mul3A_2950, %add3A_2951 : i32
      %get3A_2953 = arith.index_cast %add3A_2952 : i32 to index
      %get3A_2954 = arith.constant 0 : index
      %get3A_2955 = vector.load %arg0[%get3A_2953, %get3A_2954] : memref<10240x128xf32, #tpu.memory_space<vmem>>, vector<64x128xf32>
      %concatenate3A_2956 = tpu.concatenate %mul3A_2910, %get3A_2955 in 1 : vector<64x128xf32>, vector<64x128xf32> -> vector<64x256xf32>
      %get3A_2957 = arith.constant 0 : index
      %get3A_2958 = arith.constant 0 : index
      %get3A_2959 = vector.load %arg1[%get3A_2957, %get3A_2958] : memref<256x512xf32, #tpu.memory_space<vmem>>, vector<256x512xf32>
      %dot_general3A_2960 = arith.constant dense<0.000000e+00> : vector<64x512xf32>
      %dot_general3A_2961 = tpu.matmul %concatenate3A_2956, %get3A_2959, %dot_general3A_2960 {dimension_numbers = #tpu.dot_dimension_numbers<[1], [0], [0], [1], [0, 0, 1, 1], [], []>, transpose_lhs_hint = false} : vector<64x256xf32>, vector<256x512xf32>, vector<64x512xf32> -> vector<64x512xf32>
      %get3A_2962 = arith.constant 0 : index
      %get3A_2963 = arith.constant 0 : index
      %get3A_2964 = vector.load %arg2[%get3A_2962, %get3A_2963] : memref<1x512xf32, #tpu.memory_space<vmem>>, vector<1x512xf32>
      %add3A_2965 = vector.broadcast %get3A_2964 : vector<1x512xf32> to vector<64x512xf32>
      %add3A_2966 = arith.addf %dot_general3A_2961, %add3A_2965 : vector<64x512xf32>
      %scan3A_2967 = arith.constant 39 : i32
      %scan3A_2968 = arith.addi %scan3A_78, %scan3A_2967 : i32
      %tanh3A_2969 = math.tanh %add3A_2966 : vector<64x512xf32>
      %mul3A_2970 = arith.constant 5.000000e-01 : f32
      %mul3A_2971 = vector.broadcast %mul3A_2970 : f32 to vector<64x512xf32>
      %mul3A_2972 = arith.mulf %mul3A_2971, %tanh3A_2969 : vector<64x512xf32>
      %add3A_2973 = arith.constant 5.000000e-01 : f32
      %add3A_2974 = vector.broadcast %add3A_2973 : f32 to vector<64x512xf32>
      %add3A_2975 = arith.addf %mul3A_2972, %add3A_2974 : vector<64x512xf32>
      %slice3A_2976 = vector.extract_strided_slice %add3A_2975 {offsets = [0, 0], sizes = [64, 128], strides = [1, 1]} : vector<64x512xf32> to vector<64x128xf32>
      %slice3A_2977 = vector.extract_strided_slice %add3A_2975 {offsets = [0, 128], sizes = [64, 128], strides = [1, 1]} : vector<64x512xf32> to vector<64x128xf32>
      %slice3A_2978 = vector.extract_strided_slice %tanh3A_2969 {offsets = [0, 256], sizes = [64, 128], strides = [1, 1]} : vector<64x512xf32> to vector<64x128xf32>
      %slice3A_2979 = vector.extract_strided_slice %add3A_2975 {offsets = [0, 384], sizes = [64, 128], strides = [1, 1]} : vector<64x512xf32> to vector<64x128xf32>
      %mul3A_2980 = arith.mulf %slice3A_2977, %add3A_2908 : vector<64x128xf32>
      %mul3A_2981 = arith.mulf %slice3A_2976, %slice3A_2978 : vector<64x128xf32>
      %add3A_2982 = arith.addf %mul3A_2980, %mul3A_2981 : vector<64x128xf32>
      %tanh3A_2983 = math.tanh %add3A_2982 : vector<64x128xf32>
      %mul3A_2984 = arith.mulf %slice3A_2979, %tanh3A_2983 : vector<64x128xf32>
      %min3A_2985 = arith.constant 79 : i32
      %min3A_2986 = arith.minsi %scan3A_2968, %min3A_2985 : i32
      %mul3A_2987 = arith.constant 128 : i32
      %mul3A_2988 = arith.muli %min3A_2986, %mul3A_2987 : i32
      %get3A_2989 = arith.index_cast %mul3A_2988 : i32 to index
      %get3A_2990 = arith.constant 0 : index
      %get3A_2991 = vector.load %arg0[%get3A_2989, %get3A_2990] : memref<10240x128xf32, #tpu.memory_space<vmem>>, vector<64x128xf32>
      %concatenate3A_2992 = tpu.concatenate %mul3A_2944, %get3A_2991 in 1 : vector<64x128xf32>, vector<64x128xf32> -> vector<64x256xf32>
      %get3A_2993 = arith.constant 0 : index
      %get3A_2994 = arith.constant 0 : index
      %get3A_2995 = vector.load %arg1[%get3A_2993, %get3A_2994] : memref<256x512xf32, #tpu.memory_space<vmem>>, vector<256x512xf32>
      %dot_general3A_2996 = arith.constant dense<0.000000e+00> : vector<64x512xf32>
      %dot_general3A_2997 = tpu.matmul %concatenate3A_2992, %get3A_2995, %dot_general3A_2996 {dimension_numbers = #tpu.dot_dimension_numbers<[1], [0], [0], [1], [0, 0, 1, 1], [], []>, transpose_lhs_hint = false} : vector<64x256xf32>, vector<256x512xf32>, vector<64x512xf32> -> vector<64x512xf32>
      %get3A_2998 = arith.constant 0 : index
      %get3A_2999 = arith.constant 0 : index
      %get3A_3000 = vector.load %arg2[%get3A_2998, %get3A_2999] : memref<1x512xf32, #tpu.memory_space<vmem>>, vector<1x512xf32>
      %add3A_3001 = vector.broadcast %get3A_3000 : vector<1x512xf32> to vector<64x512xf32>
      %add3A_3002 = arith.addf %dot_general3A_2997, %add3A_3001 : vector<64x512xf32>
      %tanh3A_3003 = math.tanh %add3A_3002 : vector<64x512xf32>
      %mul3A_3004 = arith.constant 5.000000e-01 : f32
      %mul3A_3005 = vector.broadcast %mul3A_3004 : f32 to vector<64x512xf32>
      %mul3A_3006 = arith.mulf %mul3A_3005, %tanh3A_3003 : vector<64x512xf32>
      %add3A_3007 = arith.constant 5.000000e-01 : f32
      %add3A_3008 = vector.broadcast %add3A_3007 : f32 to vector<64x512xf32>
      %add3A_3009 = arith.addf %mul3A_3006, %add3A_3008 : vector<64x512xf32>
      %slice3A_3010 = vector.extract_strided_slice %add3A_3009 {offsets = [0, 0], sizes = [64, 128], strides = [1, 1]} : vector<64x512xf32> to vector<64x128xf32>
      %slice3A_3011 = vector.extract_strided_slice %add3A_3009 {offsets = [0, 128], sizes = [64, 128], strides = [1, 1]} : vector<64x512xf32> to vector<64x128xf32>
      %slice3A_3012 = vector.extract_strided_slice %tanh3A_3003 {offsets = [0, 256], sizes = [64, 128], strides = [1, 1]} : vector<64x512xf32> to vector<64x128xf32>
      %slice3A_3013 = vector.extract_strided_slice %add3A_3009 {offsets = [0, 384], sizes = [64, 128], strides = [1, 1]} : vector<64x512xf32> to vector<64x128xf32>
      %mul3A_3014 = arith.mulf %slice3A_3011, %add3A_2942 : vector<64x128xf32>
      %mul3A_3015 = arith.mulf %slice3A_3010, %slice3A_3012 : vector<64x128xf32>
      %add3A_3016 = arith.addf %mul3A_3014, %mul3A_3015 : vector<64x128xf32>
      %tanh3A_3017 = math.tanh %add3A_3016 : vector<64x128xf32>
      %mul3A_3018 = arith.mulf %slice3A_3013, %tanh3A_3017 : vector<64x128xf32>
      %add3A_3019 = arith.constant 1 : i32
      %add3A_3020 = arith.addi %scan3A_2968, %add3A_3019 : i32
      %min3A_3021 = arith.constant 79 : i32
      %min3A_3022 = arith.minsi %add3A_3020, %min3A_3021 : i32
      %mul3A_3023 = arith.constant 128 : i32
      %mul3A_3024 = arith.muli %min3A_3022, %mul3A_3023 : i32
      %add3A_3025 = arith.constant 64 : i32
      %add3A_3026 = arith.addi %mul3A_3024, %add3A_3025 : i32
      %get3A_3027 = arith.index_cast %add3A_3026 : i32 to index
      %get3A_3028 = arith.constant 0 : index
      %get3A_3029 = vector.load %arg0[%get3A_3027, %get3A_3028] : memref<10240x128xf32, #tpu.memory_space<vmem>>, vector<64x128xf32>
      %concatenate3A_3030 = tpu.concatenate %mul3A_2984, %get3A_3029 in 1 : vector<64x128xf32>, vector<64x128xf32> -> vector<64x256xf32>
      %get3A_3031 = arith.constant 0 : index
      %get3A_3032 = arith.constant 0 : index
      %get3A_3033 = vector.load %arg1[%get3A_3031, %get3A_3032] : memref<256x512xf32, #tpu.memory_space<vmem>>, vector<256x512xf32>
      %dot_general3A_3034 = arith.constant dense<0.000000e+00> : vector<64x512xf32>
      %dot_general3A_3035 = tpu.matmul %concatenate3A_3030, %get3A_3033, %dot_general3A_3034 {dimension_numbers = #tpu.dot_dimension_numbers<[1], [0], [0], [1], [0, 0, 1, 1], [], []>, transpose_lhs_hint = false} : vector<64x256xf32>, vector<256x512xf32>, vector<64x512xf32> -> vector<64x512xf32>
      %get3A_3036 = arith.constant 0 : index
      %get3A_3037 = arith.constant 0 : index
      %get3A_3038 = vector.load %arg2[%get3A_3036, %get3A_3037] : memref<1x512xf32, #tpu.memory_space<vmem>>, vector<1x512xf32>
      %add3A_3039 = vector.broadcast %get3A_3038 : vector<1x512xf32> to vector<64x512xf32>
      %add3A_3040 = arith.addf %dot_general3A_3035, %add3A_3039 : vector<64x512xf32>
      scf.yield %mul3A_3018, %add3A_3016, %mul3A_2984, %add3A_2982, %add3A_3040 : vector<64x128xf32>, vector<64x128xf32>, vector<64x128xf32>, vector<64x128xf32>, vector<64x512xf32>
    }
    %scan3A_46 = arith.constant 80 : i32
    %concatenate3A_47 = tpu.concatenate %scan3A_45#0, %scan3A_45#2 in 0 : vector<64x128xf32>, vector<64x128xf32> -> vector<128x128xf32>
    %slice3A_48 = vector.extract_strided_slice %concatenate3A_47 {offsets = [0, 64], sizes = [128, 64], strides = [1, 1]} : vector<128x128xf32> to vector<128x64xf32>
    %get3A_49 = arith.constant 0 : index
    %get3A_50 = arith.constant 0 : index
    %get3A_51 = vector.load %arg3[%get3A_49, %get3A_50] : memref<64x64xf32, #tpu.memory_space<vmem>>, vector<64x64xf32>
    %dot_general3A_52 = arith.constant dense<0.000000e+00> : vector<128x64xf32>
    %dot_general3A_53 = tpu.matmul %slice3A_48, %get3A_51, %dot_general3A_52 {dimension_numbers = #tpu.dot_dimension_numbers<[1], [0], [0], [1], [0, 0, 1, 1], [], []>, transpose_lhs_hint = false} : vector<128x64xf32>, vector<64x64xf32>, vector<128x64xf32> -> vector<128x64xf32>
    %get3A_54 = arith.constant 0 : index
    %get3A_55 = arith.constant 0 : index
    %get3A_56 = vector.load %arg4[%get3A_54, %get3A_55] : memref<1x64xf32, #tpu.memory_space<vmem>>, vector<1x64xf32>
    %add3A_57 = vector.broadcast %get3A_56 : vector<1x64xf32> to vector<128x64xf32>
    %add3A_58 = arith.addf %dot_general3A_53, %add3A_57 : vector<128x64xf32>
    %max3A = arith.constant 0.000000e+00 : f32
    %max3A_59 = vector.broadcast %max3A : f32 to vector<128x64xf32>
    %max3A_60 = arith.maximumf %add3A_58, %max3A_59 : vector<128x64xf32>
    %get3A_61 = arith.constant 0 : index
    %get3A_62 = arith.constant 0 : index
    %get3A_63 = vector.load %arg5[%get3A_61, %get3A_62] : memref<64x1xf32, #tpu.memory_space<vmem>>, vector<64x1xf32>
    %dot_general3A_64 = arith.constant dense<0.000000e+00> : vector<128x1xf32>
    %dot_general3A_65 = tpu.matmul %max3A_60, %get3A_63, %dot_general3A_64 {dimension_numbers = #tpu.dot_dimension_numbers<[1], [0], [0], [1], [0, 0, 1, 1], [], []>, transpose_lhs_hint = false} : vector<128x64xf32>, vector<64x1xf32>, vector<128x1xf32> -> vector<128x1xf32>
    %get3A_66 = arith.constant 0 : index
    %get3A_67 = arith.constant 0 : index
    %get3A_68 = vector.load %arg6[%get3A_66, %get3A_67] : memref<1x1xf32, #tpu.memory_space<vmem>>, vector<1x1xf32>
    %add3A_69 = vector.broadcast %get3A_68 : vector<1x1xf32> to vector<128x1xf32>
    %add3A_70 = arith.addf %dot_general3A_65, %add3A_69 : vector<128x1xf32>
    %logistic3A = arith.negf %add3A_70 : vector<128x1xf32>
    %logistic3A_71 = math.exp %logistic3A : vector<128x1xf32>
    %logistic3A_72 = arith.constant 1.000000e+00 : f32
    %logistic3A_73 = vector.broadcast %logistic3A_72 : f32 to vector<128x1xf32>
    %logistic3A_74 = arith.addf %logistic3A_73, %logistic3A_71 : vector<128x1xf32>
    %logistic3A_75 = arith.divf %logistic3A_73, %logistic3A_74 : vector<128x1xf32>
    %swap3A = arith.constant 0 : index
    %swap3A_76 = arith.constant 0 : index
    %swap3A_77 = vector.load %arg7[%swap3A, %swap3A_76] : memref<128x1xf32, #tpu.memory_space<vmem>>, vector<128x1xf32>
    tpu.vector_store %arg7[%swap3A, %swap3A_76], %logistic3A_75 {strides = array<i32>} : memref<128x1xf32, #tpu.memory_space<vmem>>, vector<128x1xf32>,
    return
  }
}

</mosaic_0001>

<sc_bundles>
// kernel: kernel.4.cloned.1.call-start
scs
__scs_entry_jumppad:
0x0: {  	(pc) =	sbr.rel $0x88, $3  }
0x1: {  	(tag) =	ssettag $0x0;
	lr =	simm.s32 $0x1  }
0x2: {  	[smem:$0x3F95] =	sst lr;
	_ =	strace $0xD0000000  }
0x3: {  	_ = 	snop  }
0x4: {  	_ = 	snop  }
0x5: {  	_ = 	snop  }
0x6: {  	_ = 	snop  }
0x7: {  	_ = 	snop  }
__scs_overlays_trampoline_lowered:
0x8: {  	[smem:$0x3FA4] =	sst s0  }
0x9: {  	[smem:$0x3FA5] =	sst s1  }
0xa: {  	[smem:$0x3FA6] =	sst s2  }
0xb: {  	[smem:$0x3FA7] =	sst s3  }
0xc: {  	[smem:$0x3FA8] =	sst s4  }
0xd: {  	[smem:$0x3FA9] =	sst s5  }
0xe: {  	[smem:$0x3FAA] =	sst s6  }
0xf: {  	[smem:$0x3FAB] =	sst s7  }
0x10: {  	[smem:$0x3FAC] =	sst s8  }
0x11: {  	[smem:$0x3FAD] =	sst s9;
	s0 =	simm.s32 @!p0 $0x0  }
0x12: {  	s1 =	sld [smem:$0x3F93];
	s0 =	simm.s32 @p0 $0x1  }
0x13: {  	[smem:$0x3FAE] =	sst s0;
	s0 =	simm.s32 @!p1 $0x0  }
0x14: {  	s2 =	sld [smem:$0x3F92];
	s0 =	simm.s32 @p1 $0x1  }
0x15: {  	[smem:$0x3FAF] =	sst s0;
	s0 =	simm.s32 @!p2 $0x0  }
0x16: {  	s3 =	sld [smem:$0x3FDB];
	s0 =	simm.s32 @p2 $0x1  }
0x17: {  	s4 =	simm.s32 $0x1BF5;
	[smem:$0x3FB1] =	sst s0  }
0x18: {  	s0 =	sld [smem:$0x3F94];
	_ =	swait.ge [sflag:s4], $0x0  }
0x19: {  	s7 =	sld [smem:$0x3F95]  }
0x1a: {  	s8 =	sadd.s32 $0xFFFFE003, lr  }
0x1b: {  	s9 =	sadd.s32 $0xFFFFFEF7, lr;
	s5 =	simm.s32 $0xFFFFFFFF;
	p2 =	slt.u32 s8, $0xFFFFF086  }
0x1c: {  	p1 =	slt.u32 s9, $0xF7A;
	s5 =	simm.s32 @!p2 $0x0  }
0x1d: {  	s5 =	simm.s32 @p1 $0x1;
	p0 =	seq.s32 s7, s2  }
0x1e: {  	s7 =	smul.u32 @!p0 $0xF7A, s2;
	p2 =	seq.s32 @!p0 s5, $0x0  }
0x1f: {  	s9 =	smul.u32 $0xF7A, s1;
	s8 =	simm.s32 @!p0 $0x1BF5;
	p2 =	por !p2, p0  }
0x20: {  	[sflag:s8] =	ssyncset.s32 @!p0 $0xFFFFF086;
	s6 =	sadd.s32 @!p0 s3, s7;
	s7 =	simm.s32 @!p0 $0x108  }
0x21: {  	s3 =	sadd.s32 s3, s9;
	s6 =	sadd.s32 @!p0 $0x88, s6;
	s7 =	simm.s32 @p2 $0x1082  }
0x22: {  	[simem:s7], [sflag:s8] =	dma.local @!p0 [hbm:s6], $0xF7A  }
0x23: {  	s9 =	sor.u32 $0xD0000000, s2;
	s6 =	simm.s32 $0x108;
	_ =	swait.ge @!p0 [sflag:s8], $0x0  }
0x24: {  	s3 =	sadd.s32 $0x88, s3;
	s6 =	simm.s32 @!p1 $0x1082;
	[sflag:s4] =	ssyncset.s32 $0xFFFFF086  }
0x25: {  	[simem:s6], [sflag:s4] =	dma.local [hbm:s3], $0xF7A  }
0x26: {  	[smem:$0x3F95] =	sst s1;
	(tag) =	ssettag s2;
	_ =	strace s9  }
0x27: {  	s1 =	sld [smem:$0x3FA5]  }
0x28: {  	s2 =	sld [smem:$0x3FA6]  }
0x29: {  	s4 =	sld [smem:$0x3FA8]  }
0x2a: {  	p0 =	seq.s32 s5, $0x0;
	s5 =	sld [smem:$0x3FA9]  }
0x2b: {  	s6 =	sld [smem:$0x3FAA]  }
0x2c: {  	s7 =	sld [smem:$0x3FAB]  }
0x2d: {  	s3 =	simm.s32 $0x108;
	s8 =	sld [smem:$0x3FAC]  }
0x2e: {  	s3 =	simm.s32 @!p0 $0x1082;
	s9 =	sld [smem:$0x3FAD]  }
0x2f: {  	lr =	sadd.s32 s0, s3;
	s0 =	sld [smem:$0x3FA4]  }
0x30: {  	s3 =	sld [smem:$0x3FA7]  }
0x31: {  	[smem:$0x3FB0] =	sst s10  }
0x32: {  	s10 =	sld [smem:$0x3FAE];
	_ =	sdelay $0x3  }
0x33: {  	p0 =	seq.s32 s10, $0x1;
	s10 =	sld [smem:$0x3FB0];
	_ =	sdelay $0x3  }
0x34: {  	[smem:$0x3FB0] =	sst s10  }
0x35: {  	s10 =	sld [smem:$0x3FAF];
	_ =	sdelay $0x3  }
0x36: {  	p1 =	seq.s32 s10, $0x1;
	s10 =	sld [smem:$0x3FB0];
	_ =	sdelay $0x3  }
0x37: {  	[smem:$0x3FB0] =	sst s10  }
0x38: {  	s10 =	sld [smem:$0x3FB1]  }
0x39: {  	_ = 	snop;
	(pc) =	sbr.ind lr, $3  }
0x3a: {  	_ = 	snop  }
0x3b: {  	_ = 	snop  }
0x3c: {  	p2 =	seq.s32 s10, $0x1;
	s10 =	sld [smem:$0x3FB0]  }
0x3d: {  	_ =	shalt  }
0x3e: {  	_ =	shalt  }
0x3f: {  	_ =	shalt  }
0x40: {  	_ =	shalt  }
0x41: {  	_ =	shalt  }
0x42: {  	_ =	shalt  }
0x43: {  	_ =	shalt  }
0x44: {  	_ =	shalt  }
0x45: {  	_ =	shalt  }
0x46: {  	_ =	shalt  }
0x47: {  	_ =	shalt  }
0x48: {  	_ =	shalt  }
0x49: {  	_ =	shalt  }
0x4a: {  	_ =	shalt  }
0x4b: {  	_ =	shalt  }
0x4c: {  	_ =	shalt  }
0x4d: {  	_ =	shalt  }
0x4e: {  	_ =	shalt  }
0x4f: {  	_ =	shalt  }
0x50: {  	_ =	shalt  }
0x51: {  	_ =	shalt  }
0x52: {  	_ =	shalt  }
0x53: {  	_ =	shalt  }
0x54: {  	_ =	shalt  }
0x55: {  	_ =	shalt  }
0x56: {  	_ =	shalt  }
0x57: {  	_ =	shalt  }
0x58: {  	_ =	shalt  }
0x59: {  	_ =	shalt  }
0x5a: {  	_ =	shalt  }
0x5b: {  	_ =	shalt  }
0x5c: {  	_ =	shalt  }
0x5d: {  	_ =	shalt  }
0x5e: {  	_ =	shalt  }
0x5f: {  	_ =	shalt  }
0x60: {  	_ =	shalt  }
0x61: {  	_ =	shalt  }
0x62: {  	_ =	shalt  }
0x63: {  	_ =	shalt  }
0x64: {  	_ =	shalt  }
0x65: {  	_ =	shalt  }
0x66: {  	_ =	shalt  }
0x67: {  	_ =	shalt  }
0x68: {  	_ =	shalt  }
0x69: {  	_ =	shalt  }
0x6a: {  	_ =	shalt  }
0x6b: {  	_ =	shalt  }
0x6c: {  	_ =	shalt  }
0x6d: {  	_ =	shalt  }
0x6e: {  	_ =	shalt  }
0x6f: {  	_ =	shalt  }
0x70: {  	_ =	shalt  }
0x71: {  	_ =	shalt  }
0x72: {  	_ =	shalt  }
0x73: {  	_ =	shalt  }
0x74: {  	_ =	shalt  }
0x75: {  	_ =	shalt  }
0x76: {  	_ =	shalt  }
0x77: {  	_ =	shalt  }
0x78: {  	_ =	shalt  }
0x79: {  	_ =	shalt  }
0x7a: {  	_ =	shalt  }
0x7b: {  	_ =	shalt  }
0x7c: {  	_ =	shalt  }
0x7d: {  	_ =	shalt  }
0x7e: {  	_ =	shalt  }
0x7f: {  	_ =	shalt  }
0x80: {  	_ =	shalt  }
0x81: {  	_ =	shalt  }
0x82: {  	_ =	shalt  }
0x83: {  	_ =	shalt  }
0x84: {  	_ =	shalt  }
0x85: {  	_ =	shalt  }
0x86: {  	_ =	shalt  }
0x87: {  	_ =	shalt  }
.Lfunc_end0:
.L_simem_size_0:
called_computation_lowered:
.L_overlay_start_0:
0x88: {  	s2 =	sld [smem:$0x3FD9]  }
0x89: {  	s3 =	sld [smem:$0x3FFE];
	_ =	sdelay $0x1  }
0x8a: {  	s1 =	srdreg.scid  }
0x8b: {  	s0 =	sand.u32 $0x1, s1  }
0x8c: {  	s17 =	sshll.u32 s0, $0xA;
	s2 =	sadd.s32 s3, s2  }
0x8d: {  	s2 =	sadd.s32 s2, s17  }
0x8e: {  	[smem:$0x3FBC] =	sst s2  }
0x8f: {  	_ = 	snop  }
0x90: {  	s2 =	sld [smem:$0x3FC9];
	(tm) =	ssettm $0x1  }
0x91: {  	s18 =	sld [smem:$0x3FFB];
	_ =	sdelay $0x3  }
0x92: {  	_ =	strace s18  }
0x93: {  	s3 =	sld [smem:$0x3FFC];
	_ =	sdelay $0x3  }
0x94: {  	_ =	strace s3  }
0x95: {  	s3 =	sld [smem:$0x3FFD];
	_ =	sdelay $0x3  }
0x96: {  	_ =	strace s3  }
0x97: {  	_ =	strace $0x8FFFFFFF  }
0x98: {  	s19 =	sld [smem:$0x3FDB];
	_ =	sdelay $0x1  }
0x99: {  	s4 =	simm.s32 $_scs_section_size  }
0x9a: {  	s5 =	simm.s32 $_size__tile_overlayer_lowered;
	s6 =	simm.s32 $_tile_overlayer_lowered  }
0x9b: {  	s22 =	simm.s32 $0x1BFF;
	s21 =	sshll.u32 s6, $0x1;
	s3 =	sadd.s32 s4, s19  }
0x9c: {  	s7 =	simm.s32 $0x0;
	s20 =	sshll.u32 s5, $0x1;
	s5 =	sadd.s32 s21, s3  }
0x9d: {  	[timem:s7], [sflag:s22] =	dma.local [hbm:s5], s20  }
0x9e: {  	_ =	swait.ge [sflag:s22], s20  }
0x9f: {  	s4 =	ssub.s32 $0x0, s20;
	[sflag:s22] =	ssyncset.done $0x0  }
0xa0: {  	[sflag:s22] =	ssyncadd.s32 s4;
	_ =	sdelay $0x1  }
0xa1: {  	s23 =	simm.s32 $0x1B8B  }
0xa2: {  	_ =	swait.ge [sflag:s23], $0x1  }
0xa3: {  	[sflag:s23] =	ssyncset.done $0x0  }
0xa4: {  	s25 =	simm.s32 $0x1B8E;
	s24 =	sld [smem:$0x3FFE];
	[sflag:s23] =	ssyncadd.s32 $0xFFFFFFFF  }
0xa5: {  	s26 =	simm.s32 $execute0_lowered;
	[smem:$0x3FD2] =	sst s25  }
0xa6: {  	s5 =	sshll.u32 s26, $0x1;
	_ =	strace $0x80000046;
	[dreg:$0x1] =	wrdreg $0xFFFFFFFF  }
0xa7: {  	s28 =	simm.s32 $_size_execute0_lowered;
	s3 =	sadd.s32 s3, s5;
	[dreg:$0x0] =	wrdreg $0x0  }
0xa8: {  	s5 =	sshll.u32 s28, $0x1;
	[dreg:$0x2] =	wrdreg s3  }
0xa9: {  	[dreg:$0x3] =	wrdreg s5  }
0xaa: {  	[dreg:$0x4] =	wrdreg $0xC0  }
0xab: {  	_ =	task [dreg:s7], $0x5FFFF  }
0xac: {  	[dreg:$0x1] =	wrdreg $0xFFFFFFFF  }
0xad: {  	[dreg:$0x0] =	wrdreg $0x60  }
0xae: {  	[dreg:$0x2] =	wrdreg s24  }
0xaf: {  	[dreg:$0x3] =	wrdreg s2  }
0xb0: {  	[dreg:$0x4] =	wrdreg $0x9  }
0xb1: {  	_ =	task.clear_ibuf [dreg:s7], $0x5FFFF;
	_ =	strace $0x90000046  }
0xb2: {  	s29 =	simm.s32 $0x9;
	_ =	strace $0x80000048  }
0xb3: {  	_ =	swait.ge [sflag:s29], $0x1  }
0xb4: {  	[sflag:s29] =	ssyncadd.s32 $0xFFFFFFFF  }
0xb5: {  	_ =	strace $0x90000048  }
0xb6: {  	_ =	sfence  }
0xb7: {  	s30 =	sld [smem:$0x0];
	_ =	sdelay $0x2  }
0xb8: {  	s31 =	sshll.u32 s1, $0xD;
	s1 =	sshrl.u32 s1, $0x2  }
0xb9: {  	s3 =	sand.u32 $0x4000, s31;
	s1 =	sadd.s32 s1, s30  }
0xba: {  	s0 =	sor.u32 s3, s0;
	s1 =	sshll.u32 s1, $0x11  }
0xbb: {  	s0 =	sor.u32 s1, s0  }
0xbc: {  	s0 =	sadd.s32 $0x8F2B, s0  }
0xbd: {  	[sflag:s0] =	ssyncadd.remote.s32 $0x1  }
0xbe: {  	_ =	sfence.sel $0xFFFF  }
0xbf: {  	[dreg:$0x0] =	wrdreg $0xFFFFFFFF;
	(pc) =	sbr.abs _section_cstart, $3  }
0xc0: {  	[dreg:$0x1] =	wrdreg $0xFFFFFFFF  }
0xc1: {  	_ =	task.clear_ibuf [dreg:s7], $0x2FFFF;
	_ =	strace $0x9FFFFFFF  }
0xc2: {  	(tm) =	ssettm $0x7FFFFFFF  }
0xc3: {  	_ =	shalt  }
tec
execute0_lowered:
.L_overlay_start_1:
0x0: {  	(tag) =	ssettag $0x1  }
0x1: {  	s1 =	srdreg.scid  }
0x2: {  	s0 =	stileid.u32;
	s9 =	rddreg [dreg:$0x0]  }
0x3: {  	s3 =	rddreg [dreg:$0x1];
	s6 =	sand.u32 $0x1, s1;
	s30 =	sshll.u32 s0, $0x1  }
0x4: {  	s2 =	simm.s32 $0x0;
	s1 =	rddreg [dreg:$0x2];
	s7 =	sor.u32 s6, s30  }
0x5: {  	s8 =	simm.s32 $0x1;
	[smem:$0x7FF] =	sst s2;
	s4 =	smul.u32 $0x28, s7  }
0x6: {  	s5 =	sadd.s32 $0x2400, s9;
	_ =	strace $0x80000047;
	s11 =	ssub.s32 $0x2, s6  }
0x7: {  	s6 =	simm.s32 $0x140;
	s4 =	sadd.s32 s3, s4;
	s3 =	simm.s32 $0x2  }
0x8: {  	[tilespmem:s2], [sflag:$0x2] =	stream.linear.gather [hbm4b:s4+s2], $0x140, $0x38;
	[tilespmem:$0xA180] =	vst v63  }
0x9: {  	s10 =	smul.u32 $0x1400, s7;
	s12 =	sshrl.u32 s11, $0x1;
	_ =	swait.ge [sflag:s3], $0x140  }
0xa: {  	s7 =	simm.s32 $0x180;
	s31 =	ssub.s32 s11, s12;
	[sflag:s3] =	ssyncset.done $0x0  }
0xb: {  	s9 =	sadd.s32 s10, s9;
	s10 =	smax.u32 s31, $0x1;
	[sflag:s3] =	ssyncadd.s32 $0xFFFFFEC0  }
0xc: {  	[tilespmem:s7], [sflag:$0x1] =	stream.indirect.gather [hbm4b:s5+s6], $0x80, s2, s6, $0xb8;
	[tilespmem:$0xA180] =	vst v63  }
0xd: {  	p0 =	sne.s32 s10, $0x1;
	_ =	swait.ge [sflag:s8], $0xA000  }
.Ltmp0:
0xe: {  	[sflag:s8] =	ssyncset.done $0x0;
	(pc) =	sbr.rel @!p0 .LBB2_2-.Ltmp0, $4  }
0xf: {  	s9 =	sadd.s32 $0x29600, s9;
	[sflag:s8] =	ssyncadd.s32 $0xFFFF6000  }
0x10: {  	[hbm4b:s9+s2] =	stream.linear.scatter [tilespmem:s7], [sflag:$0x2], $0xA000, $0x38;
	[tilespmem:$0xA180] =	vst v63  }
0x11: {  	_ =	swait.ge [sflag:s3], $0xA000  }
0x12: {  	s10 =	sadd.s32 $0xFFFFFFFF, s10;
	[sflag:s3] =	ssyncset.done $0x0  }
.LBB2_1:
0x13: {  	p0 =	sne.s32 s10, $0x1;
	s10 =	sadd.s32 $0xFFFFFFFF, s10;
	[sflag:s3] =	ssyncadd.s32 $0xFFFF6000  }
0x14: {  	[tilespmem:s2], [sflag:$0x2] =	stream.linear.gather [hbm4b:s4+s2], $0x140, $0x38;
	[tilespmem:$0xA180] =	vst v63  }
0x15: {  	_ =	swait.ge [sflag:s3], $0x140  }
0x16: {  	[sflag:s3] =	ssyncset.done $0x0  }
0x17: {  	[sflag:s3] =	ssyncadd.s32 $0xFFFFFEC0  }
0x18: {  	[tilespmem:s7], [sflag:$0x1] =	stream.indirect.gather [hbm4b:s5+s6], $0x80, s2, s6, $0xb8;
	[tilespmem:$0xA180] =	vst v63  }
0x19: {  	_ =	swait.ge [sflag:s8], $0xA000  }
.Ltmp1:
0x1a: {  	[sflag:s8] =	ssyncset.done $0x0;
	(pc) =	sbr.rel @p0 .LBB2_1-.Ltmp1, $4  }
0x1b: {  	[sflag:s8] =	ssyncadd.s32 $0xFFFF6000  }
0x1c: {  	[hbm4b:s9+s2] =	stream.linear.scatter [tilespmem:s7], [sflag:$0x2], $0xA000, $0x38;
	[tilespmem:$0xA180] =	vst v63  }
0x1d: {  	_ =	swait.ge [sflag:s3], $0xA000  }
0x1e: {  	[sflag:s3] =	ssyncset.done $0x0  }
.LBB2_2:
0x1f: {  	[sflag:s3] =	ssyncadd.s32 $0xFFFF6000  }
0x20: {  	_ =	sfence.sel $0x180000  }
0x21: {  	[bflag:$0x0] =	sbarrier.arrive $0xFFFF  }
0x22: {  	p0 =	sne.s32 s0, $0x0;
	_ =	strace $0x90000047  }
0x23: {  	s0 =	sadd.s32 @!p0 $0x100000, s1;
	[bflag:$0x2] =	sbarrier.arrive $0xFFFF  }
0x24: {  	[sflag:s0] =	ssyncadd.tile.s32 @!p0 $0x1;
	_ =	shalt  }
.Lfunc_end2:
_tile_overlayer_lowered:
.L_overlay_start_2:
0x25: {  	(tag) =	ssettag $0x2  }
0x26: {  	s0 =	rddreg [dreg:$0x0];
	s2 =	stileid.u32  }
0x27: {  	s1 =	rddreg [dreg:$0x1];
	p0 =	sne.s32 s2, $0x0  }
0x28: {  	s3 =	rddreg [dreg:$0x2];
	[bflag:$0x3] =	sbarrier.arrive $0xFFFF;
	s2 =	simm.s32 @!p0 $0x1C02  }
0x29: {  	[timem:s3], [sflag:s2] =	dma.local @!p0 [hbm:s0], s1  }
0x2a: {  	s0 =	simm.s32 @!p0 $0x2  }
0x2b: {  	_ =	swait.ge @!p0 [sflag:s0], s1  }
0x2c: {  	s1 =	ssub.s32 @!p0 $0x0, s1;
	[sflag:s0] =	ssyncset.done @!p0 $0x0  }
0x2d: {  	[sflag:s0] =	ssyncadd.s32 @!p0 s1  }
0x2e: {  	[bflag:$0x3] =	sbarrier.arrive $0xFFFF  }
0x2f: {  	_ =	shalt  }

</sc_bundles>
